<compile_context>
chip_gen: v7x
topology: tpu7x:2x2x1
jax: 0.10.2.dev20260603
libtpu: 0.0.44.dev20260713+nightly
codegen_flags: <defaults>
</compile_context>

<pallas_src>
import functools

import jax
import jax.numpy as jnp
from jax import lax
from jax.experimental import pallas as pl
from jax.experimental.pallas import tpu as pltpu
from jax.experimental.pallas import tpu_sc as plsc

N = 10000
E = 320000
D = 128
G = 64

BLK = 128
NBLK = E // BLK
NW = 32
QB = 80
PAD_BLOCKS = NW * QB
ACC_ROWS = 10008
TRASH_ROW = N
ROWS_MAIN = 632
LAST_START = 15 * ROWS_MAIN
ROWS_LAST = N - LAST_START


NBUF = 2
NSPL = 2
CH = 40


def _agg_body(h_hbm, ei_hbm, z_hbm, out_hbm, src_v, dst_v, rows_v,
              gsems, ssems, acc):
    c = lax.axis_index("c")
    s = lax.axis_index("s")
    wid = s * 2 + c
    start = pl.multiple_of(wid * QB, 8)

    @pl.when(s < 15)
    def _():
        off = pl.multiple_of(s * ROWS_MAIN, 8)
        pltpu.sync_copy(z_hbm.at[pl.ds(off, ROWS_MAIN)],
                        acc.at[pl.ds(off, ROWS_MAIN)])

    @pl.when(s == 15)
    def _():
        pltpu.sync_copy(z_hbm.at[pl.ds(LAST_START, ROWS_LAST)],
                        acc.at[pl.ds(LAST_START, ROWS_LAST)])

    plsc.subcore_barrier()

    HS = BLK // NSPL
    for chunk in range(QB // CH):
        pltpu.sync_copy(ei_hbm.at[0, pl.ds(start + chunk * CH, CH)], src_v)
        pltpu.sync_copy(ei_hbm.at[1, pl.ds(start + chunk * CH, CH)], dst_v)

        @pl.loop(0, CH, step=NBUF)
        def _(j):
            gds = []
            for b in range(NBUF):
                for t in range(NSPL):
                    gds.append(pltpu.async_copy(
                        acc.at[src_v.at[j + b, pl.ds(t * HS, HS)]],
                        rows_v.at[b, pl.ds(t * HS, HS)], gsems[b]))
            sds = []
            for b in range(NBUF):
                for t in range(NSPL):
                    gds[b * NSPL + t].wait()
                sds.append(pltpu.async_copy(
                    rows_v.at[b], acc.at[dst_v.at[j + b]], ssems[b],
                    add=True))
            for b in range(NBUF):
                sds[b].wait()

    plsc.subcore_barrier()

    @pl.when(s < 15)
    def _():
        off = pl.multiple_of(s * ROWS_MAIN, 8)
        pltpu.sync_copy(acc.at[pl.ds(off, ROWS_MAIN)],
                        out_hbm.at[c, pl.ds(off, ROWS_MAIN)])

    @pl.when(s == 15)
    def _():
        pltpu.sync_copy(acc.at[pl.ds(LAST_START, ROWS_LAST)],
                        out_hbm.at[c, pl.ds(LAST_START, ROWS_LAST)])


_agg = pl.kernel(
    _agg_body,
    out_type=jax.ShapeDtypeStruct((2, N, D), jnp.float32),
    mesh=plsc.VectorSubcoreMesh(core_axis_name="c", subcore_axis_name="s"),
    scratch_types=[
        pltpu.VMEM((CH, BLK), jnp.int32),
        pltpu.VMEM((CH, BLK), jnp.int32),
        pltpu.VMEM((NBUF, BLK, D), jnp.float32),
        [pltpu.SemaphoreType.DMA] * NBUF,
        [pltpu.SemaphoreType.DMA] * NBUF,
        pltpu.VMEM_SHARED((ACC_ROWS, D), jnp.float32),
    ],
)


def _leaky(t):
    return jnp.where(t >= 0, t, 0.01 * t)


def _mlp_body(has_ln, x_ref, p_ref, w1_ref, b1_ref, w2_ref, b2_ref,
              g_ref, be_ref, o_ref):
    hin = x_ref[...] + p_ref[0] + p_ref[1]
    t = jnp.dot(hin, w1_ref[...], preferred_element_type=jnp.float32)
    t = _leaky(t + b1_ref[...])
    t = jnp.dot(t, w2_ref[...], preferred_element_type=jnp.float32)
    t = t + b2_ref[...]
    if has_ln:
        u = _leaky(t)
        m = jnp.mean(u, axis=1, keepdims=True)
        v = jnp.mean((u - m) * (u - m), axis=1, keepdims=True)
        t = (u - m) * lax.rsqrt(v + 1e-5) * g_ref[...] + be_ref[...]
    o_ref[...] = t


_RB = 1000


def _make_mlp(has_ln):
    full = lambda i: (0, 0)
    return pl.pallas_call(
        functools.partial(_mlp_body, has_ln),
        grid=(N // _RB,),
        in_specs=[
            pl.BlockSpec((_RB, D), lambda i: (i, 0)),
            pl.BlockSpec((2, _RB, D), lambda i: (0, i, 0)),
            pl.BlockSpec((D, D), full),
            pl.BlockSpec((1, D), full),
            pl.BlockSpec((D, D), full),
            pl.BlockSpec((1, D), full),
            pl.BlockSpec((1, D), full),
            pl.BlockSpec((1, D), full),
        ],
        out_specs=pl.BlockSpec((_RB, D), lambda i: (i, 0)),
        out_shape=jax.ShapeDtypeStruct((N, D), jnp.float32),
    )


_mlp_ln = _make_mlp(True)
_mlp_nol = _make_mlp(False)


def _pool_body(emb_ref, batch_ref, wp1_ref, bp1_ref, wp2_ref, bp2_ref, o_ref):
    h = _leaky(emb_ref[...])
    ids = lax.broadcasted_iota(jnp.int32, (N, G), 1)
    mh = (batch_ref[...] == ids).astype(jnp.float32)
    dn = (((0,), (0,)), ((), ()))
    sums = lax.dot_general(mh, h, dn, preferred_element_type=jnp.float32)
    counts = lax.dot_general(mh, jnp.ones((N, 1), jnp.float32), dn,
                             preferred_element_type=jnp.float32)
    pooled = sums / jnp.maximum(counts, 1.0)
    o = jnp.dot(pooled, wp1_ref[...], preferred_element_type=jnp.float32)
    o = o + bp1_ref[...]
    o = jnp.dot(o, wp2_ref[...], preferred_element_type=jnp.float32)
    o = o + bp2_ref[...]
    m = jnp.max(o, axis=1, keepdims=True)
    lse = m + jnp.log(jnp.sum(jnp.exp(o - m), axis=1, keepdims=True))
    o_ref[...] = o - lse


_pool = pl.pallas_call(
    _pool_body,
    out_shape=jax.ShapeDtypeStruct((G, D), jnp.float32),
)


def kernel(x, edge_index, batch,
           W1_0, b1_0, W2_0, b2_0,
           W1_1, b1_1, W2_1, b2_1,
           W1_2, b1_2, W2_2, b2_2,
           g0, be0, g1, be1,
           Wp1, bp1, Wp2, bp2):
    ei = edge_index.reshape(2, NBLK, BLK)
    npad = PAD_BLOCKS - NBLK
    pad = jnp.stack([jnp.zeros((npad, BLK), jnp.int32),
                     jnp.full((npad, BLK), TRASH_ROW, jnp.int32)])
    ei = jnp.concatenate([ei, pad], axis=1)
    z = jnp.zeros((N, D), jnp.float32)

    convs = [(W1_0, b1_0, W2_0, b2_0, g0, be0),
             (W1_1, b1_1, W2_1, b2_1, g1, be1),
             (W1_2, b1_2, W2_2, b2_2, g1, be1)]
    h = x
    for i, (w1, b1, w2, b2, g, be) in enumerate(convs):
        p = _agg(h, ei, z)
        mlp = _mlp_ln if i != 2 else _mlp_nol
        h = mlp(h, p, w1, b1.reshape(1, D), w2, b2.reshape(1, D),
                g.reshape(1, D), be.reshape(1, D))
    emb = h
    logp = _pool(emb, batch.reshape(N, 1), Wp1, bp1.reshape(1, D),
                 Wp2, bp2.reshape(1, D))
    return (emb, logp)

# --- scband reference (transcript-rebuilt; emitter-appended) ---
"""Pipeline reference for scband-gnnstack-6622839570655 (READ-ONLY COPY).

The authoritative reference and input builder live on the scoring server;
editing this copy changes nothing except your own understanding.
"""

import jax, jax.numpy as jnp
import numpy as np

N = 10000
E = 320000
D = 128
H = 128
OUT = 128
G = 64

def setup_inputs(seed: int = 0) -> dict:
    key = jax.random.key(seed)
    ks = jax.random.split(key, 32)
    inp = {}
    inp['x'] = jax.random.normal(ks[0], (N, D), dtype=jnp.float32)
    inp['edge_index'] = jax.random.randint(ks[1], (2, E), 0, N, dtype=jnp.int32)
    inp['batch'] = jnp.sort(jax.random.randint(ks[2], (N,), 0, G, dtype=jnp.int32))
    s = 0.05
    # GIN conv 0: MLP(Linear(D,H), LeakyReLU, Linear(H,H))
    inp['W1_0'] = jax.random.normal(ks[3], (D, H), dtype=jnp.float32) * s
    inp['b1_0'] = jnp.zeros((H,), dtype=jnp.float32)
    inp['W2_0'] = jax.random.normal(ks[4], (H, H), dtype=jnp.float32) * s
    inp['b2_0'] = jnp.zeros((H,), dtype=jnp.float32)
    # GIN conv 1
    inp['W1_1'] = jax.random.normal(ks[5], (H, H), dtype=jnp.float32) * s
    inp['b1_1'] = jnp.zeros((H,), dtype=jnp.float32)
    inp['W2_1'] = jax.random.normal(ks[6], (H, H), dtype=jnp.float32) * s
    inp['b2_1'] = jnp.zeros((H,), dtype=jnp.float32)
    # GIN conv 2
    inp['W1_2'] = jax.random.normal(ks[7], (H, H), dtype=jnp.float32) * s
    inp['b1_2'] = jnp.zeros((H,), dtype=jnp.float32)
    inp['W2_2'] = jax.random.normal(ks[8], (H, H), dtype=jnp.float32) * s
    inp['b2_2'] = jnp.zeros((H,), dtype=jnp.float32)
    # LayerNorms (applied after layers 0 and 1)
    inp['g0'] = jnp.ones((H,), dtype=jnp.float32)
    inp['be0'] = jnp.zeros((H,), dtype=jnp.float32)
    inp['g1'] = jnp.ones((H,), dtype=jnp.float32)
    inp['be1'] = jnp.zeros((H,), dtype=jnp.float32)
    # post_mp: Linear(H,H) -> Dropout -> Linear(H,OUT)
    inp['Wp1'] = jax.random.normal(ks[9], (H, H), dtype=jnp.float32) * s
    inp['bp1'] = jnp.zeros((H,), dtype=jnp.float32)
    inp['Wp2'] = jax.random.normal(ks[10], (H, OUT), dtype=jnp.float32) * s
    inp['bp2'] = jnp.zeros((OUT,), dtype=jnp.float32)
    return inp


def _gin_conv(x, edge_index, W1, b1, W2, b2):
    # GINConv with eps=0: MLP(x + sum_{j in N(i)} x_j)
    src = edge_index[0]
    dst = edge_index[1]
    msgs = jnp.take(x, src, axis=0)
    agg = jnp.zeros_like(x).at[dst].add(msgs)
    h = x + agg
    h = h @ W1 + b1
    h = jax.nn.leaky_relu(h, negative_slope=0.01)
    h = h @ W2 + b2
    return h


def _layer_norm(x, g, b):
    m = jnp.mean(x, axis=-1, keepdims=True)
    v = jnp.var(x, axis=-1, keepdims=True)
    return (x - m) / jnp.sqrt(v + 1e-5) * g + b


def reference(x, edge_index, batch,
              W1_0, b1_0, W2_0, b2_0,
              W1_1, b1_1, W2_1, b2_1,
              W1_2, b1_2, W2_2, b2_2,
              g0, be0, g1, be1,
              Wp1, bp1, Wp2, bp2):
    convs = [(W1_0, b1_0, W2_0, b2_0), (W1_1, b1_1, W2_1, b2_1), (W1_2, b1_2, W2_2, b2_2)]
    lns = [(g0, be0), (g1, be1)]
    h = x
    emb = h
    for i in range(3):
        h = _gin_conv(h, edge_index, *convs[i])
        emb = h
        h = jax.nn.leaky_relu(h, negative_slope=0.01)
        # dropout is identity in eval mode
        if i != 2:
            h = _layer_norm(h, *lns[i])
    # global_mean_pool over graph ids
    sums = jax.ops.segment_sum(h, batch, num_segments=G)
    counts = jax.ops.segment_sum(jnp.ones((h.shape[0], 1), h.dtype), batch, num_segments=G)
    pooled = sums / jnp.maximum(counts, 1.0)
    o = pooled @ Wp1 + bp1
    o = o @ Wp2 + bp2
    logp = jax.nn.log_softmax(o, axis=1)
    return (emb, logp)

if __name__ == "__main__":
    import jax
    _d = setup_inputs()
    print(jax.jit(kernel)(*tuple(_d.values())))

</pallas_src>

<mosaic_0001>
#map = affine_map<(d0, d1) -> (0, 0)>
#map1 = affine_map<(d0, d1) -> (0, 0, 0)>
module attributes {stable_mosaic.version = 14 : i64} {
  func.func @_agg_body(%arg0: i32, %arg1: i32, %arg2: memref<10000x128xf32, #tpu.memory_space<hbm>>, %arg3: memref<2x2560x128xi32, #tpu.memory_space<hbm>>, %arg4: memref<10000x128xf32, #tpu.memory_space<hbm>>, %arg5: memref<2x10000x128xf32, #tpu.memory_space<hbm>>, %arg6: memref<40x128xi32, #tpu.memory_space<vmem>>, %arg7: memref<40x128xi32, #tpu.memory_space<vmem>>, %arg8: memref<2x128x128xf32, #tpu.memory_space<vmem>>, %arg9: memref<!tpu.dma_semaphore, #tpu.memory_space<semaphore_mem>>, %arg10: memref<!tpu.dma_semaphore, #tpu.memory_space<semaphore_mem>>, %arg11: memref<!tpu.dma_semaphore, #tpu.memory_space<semaphore_mem>>, %arg12: memref<!tpu.dma_semaphore, #tpu.memory_space<semaphore_mem>>, %arg13: memref<10008x128xf32, #tpu.memory_space<vmem_shared>>) attributes {dimension_semantics = [#tpu.dimension_semantics<core_parallel>, #tpu.dimension_semantics<subcore_parallel>], iteration_bounds = array<i64: 2, 16>, scalar_prefetch = 0 : i64, scratch_operands = 8 : i64, tpu.core_type = #tpu.core_type<sc_vector_subcore>, window_params = [{transform_indices = #map}, {transform_indices = #map1}, {transform_indices = #map}, {transform_indices = #map1}]} {
    %mul3A = arith.constant 2 : i32
    %mul3A_0 = arith.muli %arg1, %mul3A : i32
    %add3A = arith.addi %mul3A_0, %arg0 : i32
    %mul3A_1 = arith.constant 80 : i32
    %mul3A_2 = arith.muli %add3A, %mul3A_1 : i32
    %multiple_of3A = tpu.assume_multiple %mul3A_2, 8 : i32
    %lt3A = arith.constant 15 : i32
    %lt3A_3 = arith.cmpi slt, %arg1, %lt3A : i32
    %convert_element_type3A = arith.extui %lt3A_3 : i1 to i32
    %cond3A = arith.constant 0 : i32
    %cond3A_4 = arith.cmpi ne, %convert_element_type3A, %cond3A : i32
    scf.if %cond3A_4 {
      %mul3A_40 = arith.constant 632 : i32
      %mul3A_41 = arith.muli %arg1, %mul3A_40 : i32
      %multiple_of3A_42 = tpu.assume_multiple %mul3A_41, 8 : i32
      "tpu.region"() ({
        %run_scoped3A_43 = tpu.sem_alloc : memref<!tpu.dma_semaphore, #tpu.memory_space<semaphore_mem>>
        %dma_start3A = arith.constant 0 : i32
        %dma_start3A_44 = tpu.memref_slice %arg13[%multiple_of3A_42, %dma_start3A] : memref<10008x128xf32, #tpu.memory_space<vmem_shared>> -> memref<632x128xf32, #tpu.memory_space<vmem_shared>>
        %dma_start3A_45 = arith.constant 0 : i32
        %dma_start3A_46 = tpu.memref_slice %arg4[%multiple_of3A_42, %dma_start3A_45] : memref<10000x128xf32, #tpu.memory_space<hbm>> -> memref<632x128xf32, #tpu.memory_space<hbm>>
        tpu.enqueue_dma source(%dma_start3A_46 : memref<632x128xf32, #tpu.memory_space<hbm>>) target(%dma_start3A_44 : memref<632x128xf32, #tpu.memory_space<vmem_shared>>) target_semaphore(%run_scoped3A_43 : memref<!tpu.dma_semaphore, #tpu.memory_space<semaphore_mem>>)
        %dma_wait3A = arith.constant 0 : i32
        %dma_wait3A_47 = tpu.memref_slice %arg13[%multiple_of3A_42, %dma_wait3A] : memref<10008x128xf32, #tpu.memory_space<vmem_shared>> -> memref<632x128xf32, #tpu.memory_space<vmem_shared>>
        %dma_wait3A_48 = arith.constant 0 : i32
        %dma_wait3A_49 = tpu.memref_slice %arg4[%multiple_of3A_42, %dma_wait3A_48] : memref<10000x128xf32, #tpu.memory_space<hbm>> -> memref<632x128xf32, #tpu.memory_space<hbm>>
        tpu.wait_dma2 semaphore(%run_scoped3A_43 : memref<!tpu.dma_semaphore, #tpu.memory_space<semaphore_mem>>) src(%dma_wait3A_49 : memref<632x128xf32, #tpu.memory_space<hbm>>) dst(%dma_wait3A_47 : memref<632x128xf32, #tpu.memory_space<vmem_shared>>)
        tpu.yield
      }) : () -> ()
    } else {
    }
    %eq3A = arith.constant 15 : i32
    %eq3A_5 = arith.cmpi eq, %arg1, %eq3A : i32
    %convert_element_type3A_6 = arith.extui %eq3A_5 : i1 to i32
    %cond3A_7 = arith.constant 0 : i32
    %cond3A_8 = arith.cmpi ne, %convert_element_type3A_6, %cond3A_7 : i32
    scf.if %cond3A_8 {
      "tpu.region"() ({
        %run_scoped3A_40 = tpu.sem_alloc : memref<!tpu.dma_semaphore, #tpu.memory_space<semaphore_mem>>
        %dma_start3A = arith.constant 9480 : i32
        %dma_start3A_41 = arith.constant 0 : i32
        %dma_start3A_42 = tpu.memref_slice %arg13[%dma_start3A, %dma_start3A_41] : memref<10008x128xf32, #tpu.memory_space<vmem_shared>> -> memref<520x128xf32, #tpu.memory_space<vmem_shared>>
        %dma_start3A_43 = arith.constant 9480 : i32
        %dma_start3A_44 = arith.constant 0 : i32
        %dma_start3A_45 = tpu.memref_slice %arg4[%dma_start3A_43, %dma_start3A_44] : memref<10000x128xf32, #tpu.memory_space<hbm>> -> memref<520x128xf32, #tpu.memory_space<hbm>>
        tpu.enqueue_dma source(%dma_start3A_45 : memref<520x128xf32, #tpu.memory_space<hbm>>) target(%dma_start3A_42 : memref<520x128xf32, #tpu.memory_space<vmem_shared>>) target_semaphore(%run_scoped3A_40 : memref<!tpu.dma_semaphore, #tpu.memory_space<semaphore_mem>>)
        %dma_wait3A = arith.constant 9480 : i32
        %dma_wait3A_46 = arith.constant 0 : i32
        %dma_wait3A_47 = tpu.memref_slice %arg13[%dma_wait3A, %dma_wait3A_46] : memref<10008x128xf32, #tpu.memory_space<vmem_shared>> -> memref<520x128xf32, #tpu.memory_space<vmem_shared>>
        %dma_wait3A_48 = arith.constant 9480 : i32
        %dma_wait3A_49 = arith.constant 0 : i32
        %dma_wait3A_50 = tpu.memref_slice %arg4[%dma_wait3A_48, %dma_wait3A_49] : memref<10000x128xf32, #tpu.memory_space<hbm>> -> memref<520x128xf32, #tpu.memory_space<hbm>>
        tpu.wait_dma2 semaphore(%run_scoped3A_40 : memref<!tpu.dma_semaphore, #tpu.memory_space<semaphore_mem>>) src(%dma_wait3A_50 : memref<520x128xf32, #tpu.memory_space<hbm>>) dst(%dma_wait3A_47 : memref<520x128xf32, #tpu.memory_space<vmem_shared>>)
        tpu.yield
      }) : () -> ()
    } else {
    }
    %barrier3A = arith.constant 0 : index
    tpu.barrier barrier_id(%barrier3A)
    %add3A_9 = arith.constant 0 : i32
    %add3A_10 = arith.addi %multiple_of3A, %add3A_9 : i32
    %run_scoped3A = arith.constant 0 : i32
    "tpu.region"() ({
      %run_scoped3A_40 = tpu.sem_alloc : memref<!tpu.dma_semaphore, #tpu.memory_space<semaphore_mem>>
      %dma_start3A = arith.constant 0 : i32
      %dma_start3A_41 = tpu.memref_slice %arg3[%run_scoped3A, %add3A_10, %dma_start3A] : memref<2x2560x128xi32, #tpu.memory_space<hbm>> -> memref<1x40x128xi32, #tpu.memory_space<hbm>>
      %dma_start3A_42 = tpu.memref_squeeze %dma_start3A_41 : memref<1x40x128xi32, #tpu.memory_space<hbm>> -> memref<40x128xi32, #tpu.memory_space<hbm>>
      %dma_start3A_43 = arith.constant 0 : i32
      %dma_start3A_44 = tpu.memref_slice %arg3[%run_scoped3A, %add3A_10, %dma_start3A_43] : memref<2x2560x128xi32, #tpu.memory_space<hbm>> -> memref<1x40x128xi32, #tpu.memory_space<hbm>>
      %dma_start3A_45 = tpu.memref_squeeze %dma_start3A_44 : memref<1x40x128xi32, #tpu.memory_space<hbm>> -> memref<40x128xi32, #tpu.memory_space<hbm>>
      tpu.enqueue_dma source(%dma_start3A_45 : memref<40x128xi32, #tpu.memory_space<hbm>>) target(%arg6 : memref<40x128xi32, #tpu.memory_space<vmem>>) target_semaphore(%run_scoped3A_40 : memref<!tpu.dma_semaphore, #tpu.memory_space<semaphore_mem>>)
      %dma_wait3A = arith.constant 0 : i32
      %dma_wait3A_46 = tpu.memref_slice %arg3[%run_scoped3A, %add3A_10, %dma_wait3A] : memref<2x2560x128xi32, #tpu.memory_space<hbm>> -> memref<1x40x128xi32, #tpu.memory_space<hbm>>
      %dma_wait3A_47 = tpu.memref_squeeze %dma_wait3A_46 : memref<1x40x128xi32, #tpu.memory_space<hbm>> -> memref<40x128xi32, #tpu.memory_space<hbm>>
      %dma_wait3A_48 = arith.constant 0 : i32
      %dma_wait3A_49 = tpu.memref_slice %arg3[%run_scoped3A, %add3A_10, %dma_wait3A_48] : memref<2x2560x128xi32, #tpu.memory_space<hbm>> -> memref<1x40x128xi32, #tpu.memory_space<hbm>>
      %dma_wait3A_50 = tpu.memref_squeeze %dma_wait3A_49 : memref<1x40x128xi32, #tpu.memory_space<hbm>> -> memref<40x128xi32, #tpu.memory_space<hbm>>
      tpu.wait_dma2 semaphore(%run_scoped3A_40 : memref<!tpu.dma_semaphore, #tpu.memory_space<semaphore_mem>>) src(%dma_wait3A_50 : memref<40x128xi32, #tpu.memory_space<hbm>>) dst(%arg6 : memref<40x128xi32, #tpu.memory_space<vmem>>)
      tpu.yield
    }) : () -> ()
    %add3A_11 = arith.constant 0 : i32
    %add3A_12 = arith.addi %multiple_of3A, %add3A_11 : i32
    %run_scoped3A_13 = arith.constant 1 : i32
    "tpu.region"() ({
      %run_scoped3A_40 = tpu.sem_alloc : memref<!tpu.dma_semaphore, #tpu.memory_space<semaphore_mem>>
      %dma_start3A = arith.constant 0 : i32
      %dma_start3A_41 = tpu.memref_slice %arg3[%run_scoped3A_13, %add3A_12, %dma_start3A] : memref<2x2560x128xi32, #tpu.memory_space<hbm>> -> memref<1x40x128xi32, #tpu.memory_space<hbm>>
      %dma_start3A_42 = tpu.memref_squeeze %dma_start3A_41 : memref<1x40x128xi32, #tpu.memory_space<hbm>> -> memref<40x128xi32, #tpu.memory_space<hbm>>
      %dma_start3A_43 = arith.constant 0 : i32
      %dma_start3A_44 = tpu.memref_slice %arg3[%run_scoped3A_13, %add3A_12, %dma_start3A_43] : memref<2x2560x128xi32, #tpu.memory_space<hbm>> -> memref<1x40x128xi32, #tpu.memory_space<hbm>>
      %dma_start3A_45 = tpu.memref_squeeze %dma_start3A_44 : memref<1x40x128xi32, #tpu.memory_space<hbm>> -> memref<40x128xi32, #tpu.memory_space<hbm>>
      tpu.enqueue_dma source(%dma_start3A_45 : memref<40x128xi32, #tpu.memory_space<hbm>>) target(%arg7 : memref<40x128xi32, #tpu.memory_space<vmem>>) target_semaphore(%run_scoped3A_40 : memref<!tpu.dma_semaphore, #tpu.memory_space<semaphore_mem>>)
      %dma_wait3A = arith.constant 0 : i32
      %dma_wait3A_46 = tpu.memref_slice %arg3[%run_scoped3A_13, %add3A_12, %dma_wait3A] : memref<2x2560x128xi32, #tpu.memory_space<hbm>> -> memref<1x40x128xi32, #tpu.memory_space<hbm>>
      %dma_wait3A_47 = tpu.memref_squeeze %dma_wait3A_46 : memref<1x40x128xi32, #tpu.memory_space<hbm>> -> memref<40x128xi32, #tpu.memory_space<hbm>>
      %dma_wait3A_48 = arith.constant 0 : i32
      %dma_wait3A_49 = tpu.memref_slice %arg3[%run_scoped3A_13, %add3A_12, %dma_wait3A_48] : memref<2x2560x128xi32, #tpu.memory_space<hbm>> -> memref<1x40x128xi32, #tpu.memory_space<hbm>>
      %dma_wait3A_50 = tpu.memref_squeeze %dma_wait3A_49 : memref<1x40x128xi32, #tpu.memory_space<hbm>> -> memref<40x128xi32, #tpu.memory_space<hbm>>
      tpu.wait_dma2 semaphore(%run_scoped3A_40 : memref<!tpu.dma_semaphore, #tpu.memory_space<semaphore_mem>>) src(%dma_wait3A_50 : memref<40x128xi32, #tpu.memory_space<hbm>>) dst(%arg7 : memref<40x128xi32, #tpu.memory_space<vmem>>)
      tpu.yield
    }) : () -> ()
    %scan3A = arith.constant 0 : i32
    %scan3A_14 = arith.constant 20 : i32
    %scan3A_15 = arith.addi %scan3A, %scan3A_14 : i32
    %scan3A_16 = arith.constant 1 : i32
    scf.for %scan3A_40 = %scan3A to %scan3A_15 step %scan3A_16  : i32 {
      %mul3A_41 = arith.constant 2 : i32
      %mul3A_42 = arith.muli %scan3A_40, %mul3A_41 : i32
      %add3A_43 = arith.constant 0 : i32
      %add3A_44 = arith.addi %add3A_43, %mul3A_42 : i32
      %add3A_45 = arith.constant 0 : i32
      %add3A_46 = arith.addi %add3A_44, %add3A_45 : i32
      %dma_start3A = arith.constant 0 : i32
      %dma_start3A_47 = arith.constant 0 : i32
      %dma_start3A_48 = arith.constant 0 : i32
      %dma_start3A_49 = tpu.memref_slice %arg8[%dma_start3A, %dma_start3A_47, %dma_start3A_48] : memref<2x128x128xf32, #tpu.memory_space<vmem>> -> memref<1x64x128xf32, #tpu.memory_space<vmem>>
      %dma_start3A_50 = tpu.memref_squeeze %dma_start3A_49 : memref<1x64x128xf32, #tpu.memory_space<vmem>> -> memref<64x128xf32, #tpu.memory_space<vmem>>
      %dma_start3A_51 = arith.constant 0 : i32
      %dma_start3A_52 = tpu.memref_slice %arg6[%add3A_46, %dma_start3A_51] : memref<40x128xi32, #tpu.memory_space<vmem>> -> memref<1x64xi32, #tpu.memory_space<vmem>>
      %dma_start3A_53 = tpu.memref_squeeze %dma_start3A_52 : memref<1x64xi32, #tpu.memory_space<vmem>> -> memref<64xi32, #tpu.memory_space<vmem>>
      %dma_start3A_54 = arith.constant 0 : i32
      %dma_start3A_55 = arith.constant 0 : i32
      %dma_start3A_56 = tpu.memref_slice %arg13[%dma_start3A_54, %dma_start3A_55] : memref<10008x128xf32, #tpu.memory_space<vmem_shared>> -> memref<10008x128xf32, #tpu.memory_space<vmem_shared>>
      tpu.enqueue_indirect_dma source(%dma_start3A_56 : memref<10008x128xf32, #tpu.memory_space<vmem_shared>>) target(%dma_start3A_50 : memref<64x128xf32, #tpu.memory_space<vmem>>) offsets(%dma_start3A_53 : memref<64xi32, #tpu.memory_space<vmem>>) semaphore(%arg9 : memref<!tpu.dma_semaphore, #tpu.memory_space<semaphore_mem>>)
      %add3A_57 = arith.constant 0 : i32
      %add3A_58 = arith.addi %add3A_44, %add3A_57 : i32
      %dma_start3A_59 = arith.constant 0 : i32
      %dma_start3A_60 = arith.constant 64 : i32
      %dma_start3A_61 = arith.constant 0 : i32
      %dma_start3A_62 = tpu.memref_slice %arg8[%dma_start3A_59, %dma_start3A_60, %dma_start3A_61] : memref<2x128x128xf32, #tpu.memory_space<vmem>> -> memref<1x64x128xf32, #tpu.memory_space<vmem>>
      %dma_start3A_63 = tpu.memref_squeeze %dma_start3A_62 : memref<1x64x128xf32, #tpu.memory_space<vmem>> -> memref<64x128xf32, #tpu.memory_space<vmem>>
      %dma_start3A_64 = arith.constant 64 : i32
      %dma_start3A_65 = tpu.memref_slice %arg6[%add3A_58, %dma_start3A_64] : memref<40x128xi32, #tpu.memory_space<vmem>> -> memref<1x64xi32, #tpu.memory_space<vmem>>
      %dma_start3A_66 = tpu.memref_squeeze %dma_start3A_65 : memref<1x64xi32, #tpu.memory_space<vmem>> -> memref<64xi32, #tpu.memory_space<vmem>>
      %dma_start3A_67 = arith.constant 0 : i32
      %dma_start3A_68 = arith.constant 0 : i32
      %dma_start3A_69 = tpu.memref_slice %arg13[%dma_start3A_67, %dma_start3A_68] : memref<10008x128xf32, #tpu.memory_space<vmem_shared>> -> memref<10008x128xf32, #tpu.memory_space<vmem_shared>>
      tpu.enqueue_indirect_dma source(%dma_start3A_69 : memref<10008x128xf32, #tpu.memory_space<vmem_shared>>) target(%dma_start3A_63 : memref<64x128xf32, #tpu.memory_space<vmem>>) offsets(%dma_start3A_66 : memref<64xi32, #tpu.memory_space<vmem>>) semaphore(%arg9 : memref<!tpu.dma_semaphore, #tpu.memory_space<semaphore_mem>>)
      %add3A_70 = arith.constant 1 : i32
      %add3A_71 = arith.addi %add3A_44, %add3A_70 : i32
      %dma_start3A_72 = arith.constant 1 : i32
      %dma_start3A_73 = arith.constant 0 : i32
      %dma_start3A_74 = arith.constant 0 : i32
      %dma_start3A_75 = tpu.memref_slice %arg8[%dma_start3A_72, %dma_start3A_73, %dma_start3A_74] : memref<2x128x128xf32, #tpu.memory_space<vmem>> -> memref<1x64x128xf32, #tpu.memory_space<vmem>>
      %dma_start3A_76 = tpu.memref_squeeze %dma_start3A_75 : memref<1x64x128xf32, #tpu.memory_space<vmem>> -> memref<64x128xf32, #tpu.memory_space<vmem>>
      %dma_start3A_77 = arith.constant 0 : i32
      %dma_start3A_78 = tpu.memref_slice %arg6[%add3A_71, %dma_start3A_77] : memref<40x128xi32, #tpu.memory_space<vmem>> -> memref<1x64xi32, #tpu.memory_space<vmem>>
      %dma_start3A_79 = tpu.memref_squeeze %dma_start3A_78 : memref<1x64xi32, #tpu.memory_space<vmem>> -> memref<64xi32, #tpu.memory_space<vmem>>
      %dma_start3A_80 = arith.constant 0 : i32
      %dma_start3A_81 = arith.constant 0 : i32
      %dma_start3A_82 = tpu.memref_slice %arg13[%dma_start3A_80, %dma_start3A_81] : memref<10008x128xf32, #tpu.memory_space<vmem_shared>> -> memref<10008x128xf32, #tpu.memory_space<vmem_shared>>
      tpu.enqueue_indirect_dma source(%dma_start3A_82 : memref<10008x128xf32, #tpu.memory_space<vmem_shared>>) target(%dma_start3A_76 : memref<64x128xf32, #tpu.memory_space<vmem>>) offsets(%dma_start3A_79 : memref<64xi32, #tpu.memory_space<vmem>>) semaphore(%arg10 : memref<!tpu.dma_semaphore, #tpu.memory_space<semaphore_mem>>)
      %add3A_83 = arith.constant 1 : i32
      %add3A_84 = arith.addi %add3A_44, %add3A_83 : i32
      %dma_start3A_85 = arith.constant 1 : i32
      %dma_start3A_86 = arith.constant 64 : i32
      %dma_start3A_87 = arith.constant 0 : i32
      %dma_start3A_88 = tpu.memref_slice %arg8[%dma_start3A_85, %dma_start3A_86, %dma_start3A_87] : memref<2x128x128xf32, #tpu.memory_space<vmem>> -> memref<1x64x128xf32, #tpu.memory_space<vmem>>
      %dma_start3A_89 = tpu.memref_squeeze %dma_start3A_88 : memref<1x64x128xf32, #tpu.memory_space<vmem>> -> memref<64x128xf32, #tpu.memory_space<vmem>>
      %dma_start3A_90 = arith.constant 64 : i32
      %dma_start3A_91 = tpu.memref_slice %arg6[%add3A_84, %dma_start3A_90] : memref<40x128xi32, #tpu.memory_space<vmem>> -> memref<1x64xi32, #tpu.memory_space<vmem>>
      %dma_start3A_92 = tpu.memref_squeeze %dma_start3A_91 : memref<1x64xi32, #tpu.memory_space<vmem>> -> memref<64xi32, #tpu.memory_space<vmem>>
      %dma_start3A_93 = arith.constant 0 : i32
      %dma_start3A_94 = arith.constant 0 : i32
      %dma_start3A_95 = tpu.memref_slice %arg13[%dma_start3A_93, %dma_start3A_94] : memref<10008x128xf32, #tpu.memory_space<vmem_shared>> -> memref<10008x128xf32, #tpu.memory_space<vmem_shared>>
      tpu.enqueue_indirect_dma source(%dma_start3A_95 : memref<10008x128xf32, #tpu.memory_space<vmem_shared>>) target(%dma_start3A_89 : memref<64x128xf32, #tpu.memory_space<vmem>>) offsets(%dma_start3A_92 : memref<64xi32, #tpu.memory_space<vmem>>) semaphore(%arg10 : memref<!tpu.dma_semaphore, #tpu.memory_space<semaphore_mem>>)
      %dma_wait3A = arith.constant 0 : i32
      %dma_wait3A_96 = arith.constant 0 : i32
      %dma_wait3A_97 = arith.constant 0 : i32
      %dma_wait3A_98 = tpu.memref_slice %arg8[%dma_wait3A, %dma_wait3A_96, %dma_wait3A_97] : memref<2x128x128xf32, #tpu.memory_space<vmem>> -> memref<1x64x128xf32, #tpu.memory_space<vmem>>
      %dma_wait3A_99 = tpu.memref_squeeze %dma_wait3A_98 : memref<1x64x128xf32, #tpu.memory_space<vmem>> -> memref<64x128xf32, #tpu.memory_space<vmem>>
      %dma_wait3A_100 = arith.constant 0 : i32
      %dma_wait3A_101 = tpu.memref_slice %arg6[%add3A_46, %dma_wait3A_100] : memref<40x128xi32, #tpu.memory_space<vmem>> -> memref<1x64xi32, #tpu.memory_space<vmem>>
      %dma_wait3A_102 = tpu.memref_squeeze %dma_wait3A_101 : memref<1x64xi32, #tpu.memory_space<vmem>> -> memref<64xi32, #tpu.memory_space<vmem>>
      %dma_wait3A_103 = arith.constant 0 : i32
      %dma_wait3A_104 = arith.constant 0 : i32
      %dma_wait3A_105 = tpu.memref_slice %arg13[%dma_wait3A_103, %dma_wait3A_104] : memref<10008x128xf32, #tpu.memory_space<vmem_shared>> -> memref<10008x128xf32, #tpu.memory_space<vmem_shared>>
      tpu.wait_indirect_dma semaphore(%arg9 : memref<!tpu.dma_semaphore, #tpu.memory_space<semaphore_mem>>) src(%dma_wait3A_105 : memref<10008x128xf32, #tpu.memory_space<vmem_shared>>) dst(%dma_wait3A_99 : memref<64x128xf32, #tpu.memory_space<vmem>>)
      %dma_wait3A_106 = arith.constant 0 : i32
      %dma_wait3A_107 = arith.constant 64 : i32
      %dma_wait3A_108 = arith.constant 0 : i32
      %dma_wait3A_109 = tpu.memref_slice %arg8[%dma_wait3A_106, %dma_wait3A_107, %dma_wait3A_108] : memref<2x128x128xf32, #tpu.memory_space<vmem>> -> memref<1x64x128xf32, #tpu.memory_space<vmem>>
      %dma_wait3A_110 = tpu.memref_squeeze %dma_wait3A_109 : memref<1x64x128xf32, #tpu.memory_space<vmem>> -> memref<64x128xf32, #tpu.memory_space<vmem>>
      %dma_wait3A_111 = arith.constant 64 : i32
      %dma_wait3A_112 = tpu.memref_slice %arg6[%add3A_58, %dma_wait3A_111] : memref<40x128xi32, #tpu.memory_space<vmem>> -> memref<1x64xi32, #tpu.memory_space<vmem>>
      %dma_wait3A_113 = tpu.memref_squeeze %dma_wait3A_112 : memref<1x64xi32, #tpu.memory_space<vmem>> -> memref<64xi32, #tpu.memory_space<vmem>>
      %dma_wait3A_114 = arith.constant 0 : i32
      %dma_wait3A_115 = arith.constant 0 : i32
      %dma_wait3A_116 = tpu.memref_slice %arg13[%dma_wait3A_114, %dma_wait3A_115] : memref<10008x128xf32, #tpu.memory_space<vmem_shared>> -> memref<10008x128xf32, #tpu.memory_space<vmem_shared>>
      tpu.wait_indirect_dma semaphore(%arg9 : memref<!tpu.dma_semaphore, #tpu.memory_space<semaphore_mem>>) src(%dma_wait3A_116 : memref<10008x128xf32, #tpu.memory_space<vmem_shared>>) dst(%dma_wait3A_110 : memref<64x128xf32, #tpu.memory_space<vmem>>)
      %add3A_117 = arith.constant 0 : i32
      %add3A_118 = arith.addi %add3A_44, %add3A_117 : i32
      %dma_start3A_119 = arith.constant 0 : i32
      %dma_start3A_120 = arith.constant 0 : i32
      %dma_start3A_121 = arith.constant 0 : i32
      %dma_start3A_122 = tpu.memref_slice %arg8[%dma_start3A_119, %dma_start3A_120, %dma_start3A_121] : memref<2x128x128xf32, #tpu.memory_space<vmem>> -> memref<1x128x128xf32, #tpu.memory_space<vmem>>
      %dma_start3A_123 = tpu.memref_squeeze %dma_start3A_122 : memref<1x128x128xf32, #tpu.memory_space<vmem>> -> memref<128x128xf32, #tpu.memory_space<vmem>>
      %dma_start3A_124 = arith.constant 0 : i32
      %dma_start3A_125 = tpu.memref_slice %arg7[%add3A_118, %dma_start3A_124] : memref<40x128xi32, #tpu.memory_space<vmem>> -> memref<1x128xi32, #tpu.memory_space<vmem>>
      %dma_start3A_126 = tpu.memref_squeeze %dma_start3A_125 : memref<1x128xi32, #tpu.memory_space<vmem>> -> memref<128xi32, #tpu.memory_space<vmem>>
      %dma_start3A_127 = arith.constant 0 : i32
      %dma_start3A_128 = arith.constant 0 : i32
      %dma_start3A_129 = tpu.memref_slice %arg13[%dma_start3A_127, %dma_start3A_128] : memref<10008x128xf32, #tpu.memory_space<vmem_shared>> -> memref<10008x128xf32, #tpu.memory_space<vmem_shared>>
      tpu.enqueue_indirect_dma source(%dma_start3A_123 : memref<128x128xf32, #tpu.memory_space<vmem>>) target(%dma_start3A_129 : memref<10008x128xf32, #tpu.memory_space<vmem_shared>>) offsets(%dma_start3A_126 : memref<128xi32, #tpu.memory_space<vmem>>) semaphore(%arg11 : memref<!tpu.dma_semaphore, #tpu.memory_space<semaphore_mem>>) {add = true}
      %dma_wait3A_130 = arith.constant 1 : i32
      %dma_wait3A_131 = arith.constant 0 : i32
      %dma_wait3A_132 = arith.constant 0 : i32
      %dma_wait3A_133 = tpu.memref_slice %arg8[%dma_wait3A_130, %dma_wait3A_131, %dma_wait3A_132] : memref<2x128x128xf32, #tpu.memory_space<vmem>> -> memref<1x64x128xf32, #tpu.memory_space<vmem>>
      %dma_wait3A_134 = tpu.memref_squeeze %dma_wait3A_133 : memref<1x64x128xf32, #tpu.memory_space<vmem>> -> memref<64x128xf32, #tpu.memory_space<vmem>>
      %dma_wait3A_135 = arith.constant 0 : i32
      %dma_wait3A_136 = tpu.memref_slice %arg6[%add3A_71, %dma_wait3A_135] : memref<40x128xi32, #tpu.memory_space<vmem>> -> memref<1x64xi32, #tpu.memory_space<vmem>>
      %dma_wait3A_137 = tpu.memref_squeeze %dma_wait3A_136 : memref<1x64xi32, #tpu.memory_space<vmem>> -> memref<64xi32, #tpu.memory_space<vmem>>
      %dma_wait3A_138 = arith.constant 0 : i32
      %dma_wait3A_139 = arith.constant 0 : i32
      %dma_wait3A_140 = tpu.memref_slice %arg13[%dma_wait3A_138, %dma_wait3A_139] : memref<10008x128xf32, #tpu.memory_space<vmem_shared>> -> memref<10008x128xf32, #tpu.memory_space<vmem_shared>>
      tpu.wait_indirect_dma semaphore(%arg10 : memref<!tpu.dma_semaphore, #tpu.memory_space<semaphore_mem>>) src(%dma_wait3A_140 : memref<10008x128xf32, #tpu.memory_space<vmem_shared>>) dst(%dma_wait3A_134 : memref<64x128xf32, #tpu.memory_space<vmem>>)
      %dma_wait3A_141 = arith.constant 1 : i32
      %dma_wait3A_142 = arith.constant 64 : i32
      %dma_wait3A_143 = arith.constant 0 : i32
      %dma_wait3A_144 = tpu.memref_slice %arg8[%dma_wait3A_141, %dma_wait3A_142, %dma_wait3A_143] : memref<2x128x128xf32, #tpu.memory_space<vmem>> -> memref<1x64x128xf32, #tpu.memory_space<vmem>>
      %dma_wait3A_145 = tpu.memref_squeeze %dma_wait3A_144 : memref<1x64x128xf32, #tpu.memory_space<vmem>> -> memref<64x128xf32, #tpu.memory_space<vmem>>
      %dma_wait3A_146 = arith.constant 64 : i32
      %dma_wait3A_147 = tpu.memref_slice %arg6[%add3A_84, %dma_wait3A_146] : memref<40x128xi32, #tpu.memory_space<vmem>> -> memref<1x64xi32, #tpu.memory_space<vmem>>
      %dma_wait3A_148 = tpu.memref_squeeze %dma_wait3A_147 : memref<1x64xi32, #tpu.memory_space<vmem>> -> memref<64xi32, #tpu.memory_space<vmem>>
      %dma_wait3A_149 = arith.constant 0 : i32
      %dma_wait3A_150 = arith.constant 0 : i32
      %dma_wait3A_151 = tpu.memref_slice %arg13[%dma_wait3A_149, %dma_wait3A_150] : memref<10008x128xf32, #tpu.memory_space<vmem_shared>> -> memref<10008x128xf32, #tpu.memory_space<vmem_shared>>
      tpu.wait_indirect_dma semaphore(%arg10 : memref<!tpu.dma_semaphore, #tpu.memory_space<semaphore_mem>>) src(%dma_wait3A_151 : memref<10008x128xf32, #tpu.memory_space<vmem_shared>>) dst(%dma_wait3A_145 : memref<64x128xf32, #tpu.memory_space<vmem>>)
      %add3A_152 = arith.constant 1 : i32
      %add3A_153 = arith.addi %add3A_44, %add3A_152 : i32
      %dma_start3A_154 = arith.constant 1 : i32
      %dma_start3A_155 = arith.constant 0 : i32
      %dma_start3A_156 = arith.constant 0 : i32
      %dma_start3A_157 = tpu.memref_slice %arg8[%dma_start3A_154, %dma_start3A_155, %dma_start3A_156] : memref<2x128x128xf32, #tpu.memory_space<vmem>> -> memref<1x128x128xf32, #tpu.memory_space<vmem>>
      %dma_start3A_158 = tpu.memref_squeeze %dma_start3A_157 : memref<1x128x128xf32, #tpu.memory_space<vmem>> -> memref<128x128xf32, #tpu.memory_space<vmem>>
      %dma_start3A_159 = arith.constant 0 : i32
      %dma_start3A_160 = tpu.memref_slice %arg7[%add3A_153, %dma_start3A_159] : memref<40x128xi32, #tpu.memory_space<vmem>> -> memref<1x128xi32, #tpu.memory_space<vmem>>
      %dma_start3A_161 = tpu.memref_squeeze %dma_start3A_160 : memref<1x128xi32, #tpu.memory_space<vmem>> -> memref<128xi32, #tpu.memory_space<vmem>>
      %dma_start3A_162 = arith.constant 0 : i32
      %dma_start3A_163 = arith.constant 0 : i32
      %dma_start3A_164 = tpu.memref_slice %arg13[%dma_start3A_162, %dma_start3A_163] : memref<10008x128xf32, #tpu.memory_space<vmem_shared>> -> memref<10008x128xf32, #tpu.memory_space<vmem_shared>>
      tpu.enqueue_indirect_dma source(%dma_start3A_158 : memref<128x128xf32, #tpu.memory_space<vmem>>) target(%dma_start3A_164 : memref<10008x128xf32, #tpu.memory_space<vmem_shared>>) offsets(%dma_start3A_161 : memref<128xi32, #tpu.memory_space<vmem>>) semaphore(%arg12 : memref<!tpu.dma_semaphore, #tpu.memory_space<semaphore_mem>>) {add = true}
      %dma_wait3A_165 = arith.constant 0 : i32
      %dma_wait3A_166 = arith.constant 0 : i32
      %dma_wait3A_167 = arith.constant 0 : i32
      %dma_wait3A_168 = tpu.memref_slice %arg8[%dma_wait3A_165, %dma_wait3A_166, %dma_wait3A_167] : memref<2x128x128xf32, #tpu.memory_space<vmem>> -> memref<1x128x128xf32, #tpu.memory_space<vmem>>
      %dma_wait3A_169 = tpu.memref_squeeze %dma_wait3A_168 : memref<1x128x128xf32, #tpu.memory_space<vmem>> -> memref<128x128xf32, #tpu.memory_space<vmem>>
      %dma_wait3A_170 = arith.constant 0 : i32
      %dma_wait3A_171 = tpu.memref_slice %arg7[%add3A_118, %dma_wait3A_170] : memref<40x128xi32, #tpu.memory_space<vmem>> -> memref<1x128xi32, #tpu.memory_space<vmem>>
      %dma_wait3A_172 = tpu.memref_squeeze %dma_wait3A_171 : memref<1x128xi32, #tpu.memory_space<vmem>> -> memref<128xi32, #tpu.memory_space<vmem>>
      %dma_wait3A_173 = arith.constant 0 : i32
      %dma_wait3A_174 = arith.constant 0 : i32
      %dma_wait3A_175 = tpu.memref_slice %arg13[%dma_wait3A_173, %dma_wait3A_174] : memref<10008x128xf32, #tpu.memory_space<vmem_shared>> -> memref<10008x128xf32, #tpu.memory_space<vmem_shared>>
      tpu.wait_indirect_dma semaphore(%arg11 : memref<!tpu.dma_semaphore, #tpu.memory_space<semaphore_mem>>) src(%dma_wait3A_169 : memref<128x128xf32, #tpu.memory_space<vmem>>) dst(%dma_wait3A_175 : memref<10008x128xf32, #tpu.memory_space<vmem_shared>>)
      %dma_wait3A_176 = arith.constant 1 : i32
      %dma_wait3A_177 = arith.constant 0 : i32
      %dma_wait3A_178 = arith.constant 0 : i32
      %dma_wait3A_179 = tpu.memref_slice %arg8[%dma_wait3A_176, %dma_wait3A_177, %dma_wait3A_178] : memref<2x128x128xf32, #tpu.memory_space<vmem>> -> memref<1x128x128xf32, #tpu.memory_space<vmem>>
      %dma_wait3A_180 = tpu.memref_squeeze %dma_wait3A_179 : memref<1x128x128xf32, #tpu.memory_space<vmem>> -> memref<128x128xf32, #tpu.memory_space<vmem>>
      %dma_wait3A_181 = arith.constant 0 : i32
      %dma_wait3A_182 = tpu.memref_slice %arg7[%add3A_153, %dma_wait3A_181] : memref<40x128xi32, #tpu.memory_space<vmem>> -> memref<1x128xi32, #tpu.memory_space<vmem>>
      %dma_wait3A_183 = tpu.memref_squeeze %dma_wait3A_182 : memref<1x128xi32, #tpu.memory_space<vmem>> -> memref<128xi32, #tpu.memory_space<vmem>>
      %dma_wait3A_184 = arith.constant 0 : i32
      %dma_wait3A_185 = arith.constant 0 : i32
      %dma_wait3A_186 = tpu.memref_slice %arg13[%dma_wait3A_184, %dma_wait3A_185] : memref<10008x128xf32, #tpu.memory_space<vmem_shared>> -> memref<10008x128xf32, #tpu.memory_space<vmem_shared>>
      tpu.wait_indirect_dma semaphore(%arg12 : memref<!tpu.dma_semaphore, #tpu.memory_space<semaphore_mem>>) src(%dma_wait3A_180 : memref<128x128xf32, #tpu.memory_space<vmem>>) dst(%dma_wait3A_186 : memref<10008x128xf32, #tpu.memory_space<vmem_shared>>)
    }
    %scan3A_17 = arith.constant 20 : i32
    %add3A_18 = arith.constant 40 : i32
    %add3A_19 = arith.addi %multiple_of3A, %add3A_18 : i32
    %run_scoped3A_20 = arith.constant 0 : i32
    "tpu.region"() ({
      %run_scoped3A_40 = tpu.sem_alloc : memref<!tpu.dma_semaphore, #tpu.memory_space<semaphore_mem>>
      %dma_start3A = arith.constant 0 : i32
      %dma_start3A_41 = tpu.memref_slice %arg3[%run_scoped3A_20, %add3A_19, %dma_start3A] : memref<2x2560x128xi32, #tpu.memory_space<hbm>> -> memref<1x40x128xi32, #tpu.memory_space<hbm>>
      %dma_start3A_42 = tpu.memref_squeeze %dma_start3A_41 : memref<1x40x128xi32, #tpu.memory_space<hbm>> -> memref<40x128xi32, #tpu.memory_space<hbm>>
      %dma_start3A_43 = arith.constant 0 : i32
      %dma_start3A_44 = tpu.memref_slice %arg3[%run_scoped3A_20, %add3A_19, %dma_start3A_43] : memref<2x2560x128xi32, #tpu.memory_space<hbm>> -> memref<1x40x128xi32, #tpu.memory_space<hbm>>
      %dma_start3A_45 = tpu.memref_squeeze %dma_start3A_44 : memref<1x40x128xi32, #tpu.memory_space<hbm>> -> memref<40x128xi32, #tpu.memory_space<hbm>>
      tpu.enqueue_dma source(%dma_start3A_45 : memref<40x128xi32, #tpu.memory_space<hbm>>) target(%arg6 : memref<40x128xi32, #tpu.memory_space<vmem>>) target_semaphore(%run_scoped3A_40 : memref<!tpu.dma_semaphore, #tpu.memory_space<semaphore_mem>>)
      %dma_wait3A = arith.constant 0 : i32
      %dma_wait3A_46 = tpu.memref_slice %arg3[%run_scoped3A_20, %add3A_19, %dma_wait3A] : memref<2x2560x128xi32, #tpu.memory_space<hbm>> -> memref<1x40x128xi32, #tpu.memory_space<hbm>>
      %dma_wait3A_47 = tpu.memref_squeeze %dma_wait3A_46 : memref<1x40x128xi32, #tpu.memory_space<hbm>> -> memref<40x128xi32, #tpu.memory_space<hbm>>
      %dma_wait3A_48 = arith.constant 0 : i32
      %dma_wait3A_49 = tpu.memref_slice %arg3[%run_scoped3A_20, %add3A_19, %dma_wait3A_48] : memref<2x2560x128xi32, #tpu.memory_space<hbm>> -> memref<1x40x128xi32, #tpu.memory_space<hbm>>
      %dma_wait3A_50 = tpu.memref_squeeze %dma_wait3A_49 : memref<1x40x128xi32, #tpu.memory_space<hbm>> -> memref<40x128xi32, #tpu.memory_space<hbm>>
      tpu.wait_dma2 semaphore(%run_scoped3A_40 : memref<!tpu.dma_semaphore, #tpu.memory_space<semaphore_mem>>) src(%dma_wait3A_50 : memref<40x128xi32, #tpu.memory_space<hbm>>) dst(%arg6 : memref<40x128xi32, #tpu.memory_space<vmem>>)
      tpu.yield
    }) : () -> ()
    %add3A_21 = arith.constant 40 : i32
    %add3A_22 = arith.addi %multiple_of3A, %add3A_21 : i32
    %run_scoped3A_23 = arith.constant 1 : i32
    "tpu.region"() ({
      %run_scoped3A_40 = tpu.sem_alloc : memref<!tpu.dma_semaphore, #tpu.memory_space<semaphore_mem>>
      %dma_start3A = arith.constant 0 : i32
      %dma_start3A_41 = tpu.memref_slice %arg3[%run_scoped3A_23, %add3A_22, %dma_start3A] : memref<2x2560x128xi32, #tpu.memory_space<hbm>> -> memref<1x40x128xi32, #tpu.memory_space<hbm>>
      %dma_start3A_42 = tpu.memref_squeeze %dma_start3A_41 : memref<1x40x128xi32, #tpu.memory_space<hbm>> -> memref<40x128xi32, #tpu.memory_space<hbm>>
      %dma_start3A_43 = arith.constant 0 : i32
      %dma_start3A_44 = tpu.memref_slice %arg3[%run_scoped3A_23, %add3A_22, %dma_start3A_43] : memref<2x2560x128xi32, #tpu.memory_space<hbm>> -> memref<1x40x128xi32, #tpu.memory_space<hbm>>
      %dma_start3A_45 = tpu.memref_squeeze %dma_start3A_44 : memref<1x40x128xi32, #tpu.memory_space<hbm>> -> memref<40x128xi32, #tpu.memory_space<hbm>>
      tpu.enqueue_dma source(%dma_start3A_45 : memref<40x128xi32, #tpu.memory_space<hbm>>) target(%arg7 : memref<40x128xi32, #tpu.memory_space<vmem>>) target_semaphore(%run_scoped3A_40 : memref<!tpu.dma_semaphore, #tpu.memory_space<semaphore_mem>>)
      %dma_wait3A = arith.constant 0 : i32
      %dma_wait3A_46 = tpu.memref_slice %arg3[%run_scoped3A_23, %add3A_22, %dma_wait3A] : memref<2x2560x128xi32, #tpu.memory_space<hbm>> -> memref<1x40x128xi32, #tpu.memory_space<hbm>>
      %dma_wait3A_47 = tpu.memref_squeeze %dma_wait3A_46 : memref<1x40x128xi32, #tpu.memory_space<hbm>> -> memref<40x128xi32, #tpu.memory_space<hbm>>
      %dma_wait3A_48 = arith.constant 0 : i32
      %dma_wait3A_49 = tpu.memref_slice %arg3[%run_scoped3A_23, %add3A_22, %dma_wait3A_48] : memref<2x2560x128xi32, #tpu.memory_space<hbm>> -> memref<1x40x128xi32, #tpu.memory_space<hbm>>
      %dma_wait3A_50 = tpu.memref_squeeze %dma_wait3A_49 : memref<1x40x128xi32, #tpu.memory_space<hbm>> -> memref<40x128xi32, #tpu.memory_space<hbm>>
      tpu.wait_dma2 semaphore(%run_scoped3A_40 : memref<!tpu.dma_semaphore, #tpu.memory_space<semaphore_mem>>) src(%dma_wait3A_50 : memref<40x128xi32, #tpu.memory_space<hbm>>) dst(%arg7 : memref<40x128xi32, #tpu.memory_space<vmem>>)
      tpu.yield
    }) : () -> ()
    %scan3A_24 = arith.constant 0 : i32
    %scan3A_25 = arith.constant 20 : i32
    %scan3A_26 = arith.addi %scan3A_24, %scan3A_25 : i32
    %scan3A_27 = arith.constant 1 : i32
    scf.for %scan3A_40 = %scan3A_24 to %scan3A_26 step %scan3A_27  : i32 {
      %mul3A_41 = arith.constant 2 : i32
      %mul3A_42 = arith.muli %scan3A_40, %mul3A_41 : i32
      %add3A_43 = arith.constant 0 : i32
      %add3A_44 = arith.addi %add3A_43, %mul3A_42 : i32
      %add3A_45 = arith.constant 0 : i32
      %add3A_46 = arith.addi %add3A_44, %add3A_45 : i32
      %dma_start3A = arith.constant 0 : i32
      %dma_start3A_47 = arith.constant 0 : i32
      %dma_start3A_48 = arith.constant 0 : i32
      %dma_start3A_49 = tpu.memref_slice %arg8[%dma_start3A, %dma_start3A_47, %dma_start3A_48] : memref<2x128x128xf32, #tpu.memory_space<vmem>> -> memref<1x64x128xf32, #tpu.memory_space<vmem>>
      %dma_start3A_50 = tpu.memref_squeeze %dma_start3A_49 : memref<1x64x128xf32, #tpu.memory_space<vmem>> -> memref<64x128xf32, #tpu.memory_space<vmem>>
      %dma_start3A_51 = arith.constant 0 : i32
      %dma_start3A_52 = tpu.memref_slice %arg6[%add3A_46, %dma_start3A_51] : memref<40x128xi32, #tpu.memory_space<vmem>> -> memref<1x64xi32, #tpu.memory_space<vmem>>
      %dma_start3A_53 = tpu.memref_squeeze %dma_start3A_52 : memref<1x64xi32, #tpu.memory_space<vmem>> -> memref<64xi32, #tpu.memory_space<vmem>>
      %dma_start3A_54 = arith.constant 0 : i32
      %dma_start3A_55 = arith.constant 0 : i32
      %dma_start3A_56 = tpu.memref_slice %arg13[%dma_start3A_54, %dma_start3A_55] : memref<10008x128xf32, #tpu.memory_space<vmem_shared>> -> memref<10008x128xf32, #tpu.memory_space<vmem_shared>>
      tpu.enqueue_indirect_dma source(%dma_start3A_56 : memref<10008x128xf32, #tpu.memory_space<vmem_shared>>) target(%dma_start3A_50 : memref<64x128xf32, #tpu.memory_space<vmem>>) offsets(%dma_start3A_53 : memref<64xi32, #tpu.memory_space<vmem>>) semaphore(%arg9 : memref<!tpu.dma_semaphore, #tpu.memory_space<semaphore_mem>>)
      %add3A_57 = arith.constant 0 : i32
      %add3A_58 = arith.addi %add3A_44, %add3A_57 : i32
      %dma_start3A_59 = arith.constant 0 : i32
      %dma_start3A_60 = arith.constant 64 : i32
      %dma_start3A_61 = arith.constant 0 : i32
      %dma_start3A_62 = tpu.memref_slice %arg8[%dma_start3A_59, %dma_start3A_60, %dma_start3A_61] : memref<2x128x128xf32, #tpu.memory_space<vmem>> -> memref<1x64x128xf32, #tpu.memory_space<vmem>>
      %dma_start3A_63 = tpu.memref_squeeze %dma_start3A_62 : memref<1x64x128xf32, #tpu.memory_space<vmem>> -> memref<64x128xf32, #tpu.memory_space<vmem>>
      %dma_start3A_64 = arith.constant 64 : i32
      %dma_start3A_65 = tpu.memref_slice %arg6[%add3A_58, %dma_start3A_64] : memref<40x128xi32, #tpu.memory_space<vmem>> -> memref<1x64xi32, #tpu.memory_space<vmem>>
      %dma_start3A_66 = tpu.memref_squeeze %dma_start3A_65 : memref<1x64xi32, #tpu.memory_space<vmem>> -> memref<64xi32, #tpu.memory_space<vmem>>
      %dma_start3A_67 = arith.constant 0 : i32
      %dma_start3A_68 = arith.constant 0 : i32
      %dma_start3A_69 = tpu.memref_slice %arg13[%dma_start3A_67, %dma_start3A_68] : memref<10008x128xf32, #tpu.memory_space<vmem_shared>> -> memref<10008x128xf32, #tpu.memory_space<vmem_shared>>
      tpu.enqueue_indirect_dma source(%dma_start3A_69 : memref<10008x128xf32, #tpu.memory_space<vmem_shared>>) target(%dma_start3A_63 : memref<64x128xf32, #tpu.memory_space<vmem>>) offsets(%dma_start3A_66 : memref<64xi32, #tpu.memory_space<vmem>>) semaphore(%arg9 : memref<!tpu.dma_semaphore, #tpu.memory_space<semaphore_mem>>)
      %add3A_70 = arith.constant 1 : i32
      %add3A_71 = arith.addi %add3A_44, %add3A_70 : i32
      %dma_start3A_72 = arith.constant 1 : i32
      %dma_start3A_73 = arith.constant 0 : i32
      %dma_start3A_74 = arith.constant 0 : i32
      %dma_start3A_75 = tpu.memref_slice %arg8[%dma_start3A_72, %dma_start3A_73, %dma_start3A_74] : memref<2x128x128xf32, #tpu.memory_space<vmem>> -> memref<1x64x128xf32, #tpu.memory_space<vmem>>
      %dma_start3A_76 = tpu.memref_squeeze %dma_start3A_75 : memref<1x64x128xf32, #tpu.memory_space<vmem>> -> memref<64x128xf32, #tpu.memory_space<vmem>>
      %dma_start3A_77 = arith.constant 0 : i32
      %dma_start3A_78 = tpu.memref_slice %arg6[%add3A_71, %dma_start3A_77] : memref<40x128xi32, #tpu.memory_space<vmem>> -> memref<1x64xi32, #tpu.memory_space<vmem>>
      %dma_start3A_79 = tpu.memref_squeeze %dma_start3A_78 : memref<1x64xi32, #tpu.memory_space<vmem>> -> memref<64xi32, #tpu.memory_space<vmem>>
      %dma_start3A_80 = arith.constant 0 : i32
      %dma_start3A_81 = arith.constant 0 : i32
      %dma_start3A_82 = tpu.memref_slice %arg13[%dma_start3A_80, %dma_start3A_81] : memref<10008x128xf32, #tpu.memory_space<vmem_shared>> -> memref<10008x128xf32, #tpu.memory_space<vmem_shared>>
      tpu.enqueue_indirect_dma source(%dma_start3A_82 : memref<10008x128xf32, #tpu.memory_space<vmem_shared>>) target(%dma_start3A_76 : memref<64x128xf32, #tpu.memory_space<vmem>>) offsets(%dma_start3A_79 : memref<64xi32, #tpu.memory_space<vmem>>) semaphore(%arg10 : memref<!tpu.dma_semaphore, #tpu.memory_space<semaphore_mem>>)
      %add3A_83 = arith.constant 1 : i32
      %add3A_84 = arith.addi %add3A_44, %add3A_83 : i32
      %dma_start3A_85 = arith.constant 1 : i32
      %dma_start3A_86 = arith.constant 64 : i32
      %dma_start3A_87 = arith.constant 0 : i32
      %dma_start3A_88 = tpu.memref_slice %arg8[%dma_start3A_85, %dma_start3A_86, %dma_start3A_87] : memref<2x128x128xf32, #tpu.memory_space<vmem>> -> memref<1x64x128xf32, #tpu.memory_space<vmem>>
      %dma_start3A_89 = tpu.memref_squeeze %dma_start3A_88 : memref<1x64x128xf32, #tpu.memory_space<vmem>> -> memref<64x128xf32, #tpu.memory_space<vmem>>
      %dma_start3A_90 = arith.constant 64 : i32
      %dma_start3A_91 = tpu.memref_slice %arg6[%add3A_84, %dma_start3A_90] : memref<40x128xi32, #tpu.memory_space<vmem>> -> memref<1x64xi32, #tpu.memory_space<vmem>>
      %dma_start3A_92 = tpu.memref_squeeze %dma_start3A_91 : memref<1x64xi32, #tpu.memory_space<vmem>> -> memref<64xi32, #tpu.memory_space<vmem>>
      %dma_start3A_93 = arith.constant 0 : i32
      %dma_start3A_94 = arith.constant 0 : i32
      %dma_start3A_95 = tpu.memref_slice %arg13[%dma_start3A_93, %dma_start3A_94] : memref<10008x128xf32, #tpu.memory_space<vmem_shared>> -> memref<10008x128xf32, #tpu.memory_space<vmem_shared>>
      tpu.enqueue_indirect_dma source(%dma_start3A_95 : memref<10008x128xf32, #tpu.memory_space<vmem_shared>>) target(%dma_start3A_89 : memref<64x128xf32, #tpu.memory_space<vmem>>) offsets(%dma_start3A_92 : memref<64xi32, #tpu.memory_space<vmem>>) semaphore(%arg10 : memref<!tpu.dma_semaphore, #tpu.memory_space<semaphore_mem>>)
      %dma_wait3A = arith.constant 0 : i32
      %dma_wait3A_96 = arith.constant 0 : i32
      %dma_wait3A_97 = arith.constant 0 : i32
      %dma_wait3A_98 = tpu.memref_slice %arg8[%dma_wait3A, %dma_wait3A_96, %dma_wait3A_97] : memref<2x128x128xf32, #tpu.memory_space<vmem>> -> memref<1x64x128xf32, #tpu.memory_space<vmem>>
      %dma_wait3A_99 = tpu.memref_squeeze %dma_wait3A_98 : memref<1x64x128xf32, #tpu.memory_space<vmem>> -> memref<64x128xf32, #tpu.memory_space<vmem>>
      %dma_wait3A_100 = arith.constant 0 : i32
      %dma_wait3A_101 = tpu.memref_slice %arg6[%add3A_46, %dma_wait3A_100] : memref<40x128xi32, #tpu.memory_space<vmem>> -> memref<1x64xi32, #tpu.memory_space<vmem>>
      %dma_wait3A_102 = tpu.memref_squeeze %dma_wait3A_101 : memref<1x64xi32, #tpu.memory_space<vmem>> -> memref<64xi32, #tpu.memory_space<vmem>>
      %dma_wait3A_103 = arith.constant 0 : i32
      %dma_wait3A_104 = arith.constant 0 : i32
      %dma_wait3A_105 = tpu.memref_slice %arg13[%dma_wait3A_103, %dma_wait3A_104] : memref<10008x128xf32, #tpu.memory_space<vmem_shared>> -> memref<10008x128xf32, #tpu.memory_space<vmem_shared>>
      tpu.wait_indirect_dma semaphore(%arg9 : memref<!tpu.dma_semaphore, #tpu.memory_space<semaphore_mem>>) src(%dma_wait3A_105 : memref<10008x128xf32, #tpu.memory_space<vmem_shared>>) dst(%dma_wait3A_99 : memref<64x128xf32, #tpu.memory_space<vmem>>)
      %dma_wait3A_106 = arith.constant 0 : i32
      %dma_wait3A_107 = arith.constant 64 : i32
      %dma_wait3A_108 = arith.constant 0 : i32
      %dma_wait3A_109 = tpu.memref_slice %arg8[%dma_wait3A_106, %dma_wait3A_107, %dma_wait3A_108] : memref<2x128x128xf32, #tpu.memory_space<vmem>> -> memref<1x64x128xf32, #tpu.memory_space<vmem>>
      %dma_wait3A_110 = tpu.memref_squeeze %dma_wait3A_109 : memref<1x64x128xf32, #tpu.memory_space<vmem>> -> memref<64x128xf32, #tpu.memory_space<vmem>>
      %dma_wait3A_111 = arith.constant 64 : i32
      %dma_wait3A_112 = tpu.memref_slice %arg6[%add3A_58, %dma_wait3A_111] : memref<40x128xi32, #tpu.memory_space<vmem>> -> memref<1x64xi32, #tpu.memory_space<vmem>>
      %dma_wait3A_113 = tpu.memref_squeeze %dma_wait3A_112 : memref<1x64xi32, #tpu.memory_space<vmem>> -> memref<64xi32, #tpu.memory_space<vmem>>
      %dma_wait3A_114 = arith.constant 0 : i32
      %dma_wait3A_115 = arith.constant 0 : i32
      %dma_wait3A_116 = tpu.memref_slice %arg13[%dma_wait3A_114, %dma_wait3A_115] : memref<10008x128xf32, #tpu.memory_space<vmem_shared>> -> memref<10008x128xf32, #tpu.memory_space<vmem_shared>>
      tpu.wait_indirect_dma semaphore(%arg9 : memref<!tpu.dma_semaphore, #tpu.memory_space<semaphore_mem>>) src(%dma_wait3A_116 : memref<10008x128xf32, #tpu.memory_space<vmem_shared>>) dst(%dma_wait3A_110 : memref<64x128xf32, #tpu.memory_space<vmem>>)
      %add3A_117 = arith.constant 0 : i32
      %add3A_118 = arith.addi %add3A_44, %add3A_117 : i32
      %dma_start3A_119 = arith.constant 0 : i32
      %dma_start3A_120 = arith.constant 0 : i32
      %dma_start3A_121 = arith.constant 0 : i32
      %dma_start3A_122 = tpu.memref_slice %arg8[%dma_start3A_119, %dma_start3A_120, %dma_start3A_121] : memref<2x128x128xf32, #tpu.memory_space<vmem>> -> memref<1x128x128xf32, #tpu.memory_space<vmem>>
      %dma_start3A_123 = tpu.memref_squeeze %dma_start3A_122 : memref<1x128x128xf32, #tpu.memory_space<vmem>> -> memref<128x128xf32, #tpu.memory_space<vmem>>
      %dma_start3A_124 = arith.constant 0 : i32
      %dma_start3A_125 = tpu.memref_slice %arg7[%add3A_118, %dma_start3A_124] : memref<40x128xi32, #tpu.memory_space<vmem>> -> memref<1x128xi32, #tpu.memory_space<vmem>>
      %dma_start3A_126 = tpu.memref_squeeze %dma_start3A_125 : memref<1x128xi32, #tpu.memory_space<vmem>> -> memref<128xi32, #tpu.memory_space<vmem>>
      %dma_start3A_127 = arith.constant 0 : i32
      %dma_start3A_128 = arith.constant 0 : i32
      %dma_start3A_129 = tpu.memref_slice %arg13[%dma_start3A_127, %dma_start3A_128] : memref<10008x128xf32, #tpu.memory_space<vmem_shared>> -> memref<10008x128xf32, #tpu.memory_space<vmem_shared>>
      tpu.enqueue_indirect_dma source(%dma_start3A_123 : memref<128x128xf32, #tpu.memory_space<vmem>>) target(%dma_start3A_129 : memref<10008x128xf32, #tpu.memory_space<vmem_shared>>) offsets(%dma_start3A_126 : memref<128xi32, #tpu.memory_space<vmem>>) semaphore(%arg11 : memref<!tpu.dma_semaphore, #tpu.memory_space<semaphore_mem>>) {add = true}
      %dma_wait3A_130 = arith.constant 1 : i32
      %dma_wait3A_131 = arith.constant 0 : i32
      %dma_wait3A_132 = arith.constant 0 : i32
      %dma_wait3A_133 = tpu.memref_slice %arg8[%dma_wait3A_130, %dma_wait3A_131, %dma_wait3A_132] : memref<2x128x128xf32, #tpu.memory_space<vmem>> -> memref<1x64x128xf32, #tpu.memory_space<vmem>>
      %dma_wait3A_134 = tpu.memref_squeeze %dma_wait3A_133 : memref<1x64x128xf32, #tpu.memory_space<vmem>> -> memref<64x128xf32, #tpu.memory_space<vmem>>
      %dma_wait3A_135 = arith.constant 0 : i32
      %dma_wait3A_136 = tpu.memref_slice %arg6[%add3A_71, %dma_wait3A_135] : memref<40x128xi32, #tpu.memory_space<vmem>> -> memref<1x64xi32, #tpu.memory_space<vmem>>
      %dma_wait3A_137 = tpu.memref_squeeze %dma_wait3A_136 : memref<1x64xi32, #tpu.memory_space<vmem>> -> memref<64xi32, #tpu.memory_space<vmem>>
      %dma_wait3A_138 = arith.constant 0 : i32
      %dma_wait3A_139 = arith.constant 0 : i32
      %dma_wait3A_140 = tpu.memref_slice %arg13[%dma_wait3A_138, %dma_wait3A_139] : memref<10008x128xf32, #tpu.memory_space<vmem_shared>> -> memref<10008x128xf32, #tpu.memory_space<vmem_shared>>
      tpu.wait_indirect_dma semaphore(%arg10 : memref<!tpu.dma_semaphore, #tpu.memory_space<semaphore_mem>>) src(%dma_wait3A_140 : memref<10008x128xf32, #tpu.memory_space<vmem_shared>>) dst(%dma_wait3A_134 : memref<64x128xf32, #tpu.memory_space<vmem>>)
      %dma_wait3A_141 = arith.constant 1 : i32
      %dma_wait3A_142 = arith.constant 64 : i32
      %dma_wait3A_143 = arith.constant 0 : i32
      %dma_wait3A_144 = tpu.memref_slice %arg8[%dma_wait3A_141, %dma_wait3A_142, %dma_wait3A_143] : memref<2x128x128xf32, #tpu.memory_space<vmem>> -> memref<1x64x128xf32, #tpu.memory_space<vmem>>
      %dma_wait3A_145 = tpu.memref_squeeze %dma_wait3A_144 : memref<1x64x128xf32, #tpu.memory_space<vmem>> -> memref<64x128xf32, #tpu.memory_space<vmem>>
      %dma_wait3A_146 = arith.constant 64 : i32
      %dma_wait3A_147 = tpu.memref_slice %arg6[%add3A_84, %dma_wait3A_146] : memref<40x128xi32, #tpu.memory_space<vmem>> -> memref<1x64xi32, #tpu.memory_space<vmem>>
      %dma_wait3A_148 = tpu.memref_squeeze %dma_wait3A_147 : memref<1x64xi32, #tpu.memory_space<vmem>> -> memref<64xi32, #tpu.memory_space<vmem>>
      %dma_wait3A_149 = arith.constant 0 : i32
      %dma_wait3A_150 = arith.constant 0 : i32
      %dma_wait3A_151 = tpu.memref_slice %arg13[%dma_wait3A_149, %dma_wait3A_150] : memref<10008x128xf32, #tpu.memory_space<vmem_shared>> -> memref<10008x128xf32, #tpu.memory_space<vmem_shared>>
      tpu.wait_indirect_dma semaphore(%arg10 : memref<!tpu.dma_semaphore, #tpu.memory_space<semaphore_mem>>) src(%dma_wait3A_151 : memref<10008x128xf32, #tpu.memory_space<vmem_shared>>) dst(%dma_wait3A_145 : memref<64x128xf32, #tpu.memory_space<vmem>>)
      %add3A_152 = arith.constant 1 : i32
      %add3A_153 = arith.addi %add3A_44, %add3A_152 : i32
      %dma_start3A_154 = arith.constant 1 : i32
      %dma_start3A_155 = arith.constant 0 : i32
      %dma_start3A_156 = arith.constant 0 : i32
      %dma_start3A_157 = tpu.memref_slice %arg8[%dma_start3A_154, %dma_start3A_155, %dma_start3A_156] : memref<2x128x128xf32, #tpu.memory_space<vmem>> -> memref<1x128x128xf32, #tpu.memory_space<vmem>>
      %dma_start3A_158 = tpu.memref_squeeze %dma_start3A_157 : memref<1x128x128xf32, #tpu.memory_space<vmem>> -> memref<128x128xf32, #tpu.memory_space<vmem>>
      %dma_start3A_159 = arith.constant 0 : i32
      %dma_start3A_160 = tpu.memref_slice %arg7[%add3A_153, %dma_start3A_159] : memref<40x128xi32, #tpu.memory_space<vmem>> -> memref<1x128xi32, #tpu.memory_space<vmem>>
      %dma_start3A_161 = tpu.memref_squeeze %dma_start3A_160 : memref<1x128xi32, #tpu.memory_space<vmem>> -> memref<128xi32, #tpu.memory_space<vmem>>
      %dma_start3A_162 = arith.constant 0 : i32
      %dma_start3A_163 = arith.constant 0 : i32
      %dma_start3A_164 = tpu.memref_slice %arg13[%dma_start3A_162, %dma_start3A_163] : memref<10008x128xf32, #tpu.memory_space<vmem_shared>> -> memref<10008x128xf32, #tpu.memory_space<vmem_shared>>
      tpu.enqueue_indirect_dma source(%dma_start3A_158 : memref<128x128xf32, #tpu.memory_space<vmem>>) target(%dma_start3A_164 : memref<10008x128xf32, #tpu.memory_space<vmem_shared>>) offsets(%dma_start3A_161 : memref<128xi32, #tpu.memory_space<vmem>>) semaphore(%arg12 : memref<!tpu.dma_semaphore, #tpu.memory_space<semaphore_mem>>) {add = true}
      %dma_wait3A_165 = arith.constant 0 : i32
      %dma_wait3A_166 = arith.constant 0 : i32
      %dma_wait3A_167 = arith.constant 0 : i32
      %dma_wait3A_168 = tpu.memref_slice %arg8[%dma_wait3A_165, %dma_wait3A_166, %dma_wait3A_167] : memref<2x128x128xf32, #tpu.memory_space<vmem>> -> memref<1x128x128xf32, #tpu.memory_space<vmem>>
      %dma_wait3A_169 = tpu.memref_squeeze %dma_wait3A_168 : memref<1x128x128xf32, #tpu.memory_space<vmem>> -> memref<128x128xf32, #tpu.memory_space<vmem>>
      %dma_wait3A_170 = arith.constant 0 : i32
      %dma_wait3A_171 = tpu.memref_slice %arg7[%add3A_118, %dma_wait3A_170] : memref<40x128xi32, #tpu.memory_space<vmem>> -> memref<1x128xi32, #tpu.memory_space<vmem>>
      %dma_wait3A_172 = tpu.memref_squeeze %dma_wait3A_171 : memref<1x128xi32, #tpu.memory_space<vmem>> -> memref<128xi32, #tpu.memory_space<vmem>>
      %dma_wait3A_173 = arith.constant 0 : i32
      %dma_wait3A_174 = arith.constant 0 : i32
      %dma_wait3A_175 = tpu.memref_slice %arg13[%dma_wait3A_173, %dma_wait3A_174] : memref<10008x128xf32, #tpu.memory_space<vmem_shared>> -> memref<10008x128xf32, #tpu.memory_space<vmem_shared>>
      tpu.wait_indirect_dma semaphore(%arg11 : memref<!tpu.dma_semaphore, #tpu.memory_space<semaphore_mem>>) src(%dma_wait3A_169 : memref<128x128xf32, #tpu.memory_space<vmem>>) dst(%dma_wait3A_175 : memref<10008x128xf32, #tpu.memory_space<vmem_shared>>)
      %dma_wait3A_176 = arith.constant 1 : i32
      %dma_wait3A_177 = arith.constant 0 : i32
      %dma_wait3A_178 = arith.constant 0 : i32
      %dma_wait3A_179 = tpu.memref_slice %arg8[%dma_wait3A_176, %dma_wait3A_177, %dma_wait3A_178] : memref<2x128x128xf32, #tpu.memory_space<vmem>> -> memref<1x128x128xf32, #tpu.memory_space<vmem>>
      %dma_wait3A_180 = tpu.memref_squeeze %dma_wait3A_179 : memref<1x128x128xf32, #tpu.memory_space<vmem>> -> memref<128x128xf32, #tpu.memory_space<vmem>>
      %dma_wait3A_181 = arith.constant 0 : i32
      %dma_wait3A_182 = tpu.memref_slice %arg7[%add3A_153, %dma_wait3A_181] : memref<40x128xi32, #tpu.memory_space<vmem>> -> memref<1x128xi32, #tpu.memory_space<vmem>>
      %dma_wait3A_183 = tpu.memref_squeeze %dma_wait3A_182 : memref<1x128xi32, #tpu.memory_space<vmem>> -> memref<128xi32, #tpu.memory_space<vmem>>
      %dma_wait3A_184 = arith.constant 0 : i32
      %dma_wait3A_185 = arith.constant 0 : i32
      %dma_wait3A_186 = tpu.memref_slice %arg13[%dma_wait3A_184, %dma_wait3A_185] : memref<10008x128xf32, #tpu.memory_space<vmem_shared>> -> memref<10008x128xf32, #tpu.memory_space<vmem_shared>>
      tpu.wait_indirect_dma semaphore(%arg12 : memref<!tpu.dma_semaphore, #tpu.memory_space<semaphore_mem>>) src(%dma_wait3A_180 : memref<128x128xf32, #tpu.memory_space<vmem>>) dst(%dma_wait3A_186 : memref<10008x128xf32, #tpu.memory_space<vmem_shared>>)
    }
    %scan3A_28 = arith.constant 20 : i32
    %barrier3A_29 = arith.constant 0 : index
    tpu.barrier barrier_id(%barrier3A_29)
    %lt3A_30 = arith.constant 15 : i32
    %lt3A_31 = arith.cmpi slt, %arg1, %lt3A_30 : i32
    %convert_element_type3A_32 = arith.extui %lt3A_31 : i1 to i32
    %cond3A_33 = arith.constant 0 : i32
    %cond3A_34 = arith.cmpi ne, %convert_element_type3A_32, %cond3A_33 : i32
    scf.if %cond3A_34 {
      %mul3A_40 = arith.constant 632 : i32
      %mul3A_41 = arith.muli %arg1, %mul3A_40 : i32
      %multiple_of3A_42 = tpu.assume_multiple %mul3A_41, 8 : i32
      "tpu.region"() ({
        %run_scoped3A_43 = tpu.sem_alloc : memref<!tpu.dma_semaphore, #tpu.memory_space<semaphore_mem>>
        %dma_start3A = arith.constant 0 : i32
        %dma_start3A_44 = tpu.memref_slice %arg5[%arg0, %multiple_of3A_42, %dma_start3A] : memref<2x10000x128xf32, #tpu.memory_space<hbm>> -> memref<1x632x128xf32, #tpu.memory_space<hbm>>
        %dma_start3A_45 = tpu.memref_squeeze %dma_start3A_44 : memref<1x632x128xf32, #tpu.memory_space<hbm>> -> memref<632x128xf32, #tpu.memory_space<hbm>>
        %dma_start3A_46 = arith.constant 0 : i32
        %dma_start3A_47 = tpu.memref_slice %arg13[%multiple_of3A_42, %dma_start3A_46] : memref<10008x128xf32, #tpu.memory_space<vmem_shared>> -> memref<632x128xf32, #tpu.memory_space<vmem_shared>>
        tpu.enqueue_dma source(%dma_start3A_47 : memref<632x128xf32, #tpu.memory_space<vmem_shared>>) target(%dma_start3A_45 : memref<632x128xf32, #tpu.memory_space<hbm>>) target_semaphore(%run_scoped3A_43 : memref<!tpu.dma_semaphore, #tpu.memory_space<semaphore_mem>>)
        %dma_wait3A = arith.constant 0 : i32
        %dma_wait3A_48 = tpu.memref_slice %arg5[%arg0, %multiple_of3A_42, %dma_wait3A] : memref<2x10000x128xf32, #tpu.memory_space<hbm>> -> memref<1x632x128xf32, #tpu.memory_space<hbm>>
        %dma_wait3A_49 = tpu.memref_squeeze %dma_wait3A_48 : memref<1x632x128xf32, #tpu.memory_space<hbm>> -> memref<632x128xf32, #tpu.memory_space<hbm>>
        %dma_wait3A_50 = arith.constant 0 : i32
        %dma_wait3A_51 = tpu.memref_slice %arg13[%multiple_of3A_42, %dma_wait3A_50] : memref<10008x128xf32, #tpu.memory_space<vmem_shared>> -> memref<632x128xf32, #tpu.memory_space<vmem_shared>>
        tpu.wait_dma2 semaphore(%run_scoped3A_43 : memref<!tpu.dma_semaphore, #tpu.memory_space<semaphore_mem>>) src(%dma_wait3A_51 : memref<632x128xf32, #tpu.memory_space<vmem_shared>>) dst(%dma_wait3A_49 : memref<632x128xf32, #tpu.memory_space<hbm>>)
        tpu.yield
      }) : () -> ()
    } else {
    }
    %eq3A_35 = arith.constant 15 : i32
    %eq3A_36 = arith.cmpi eq, %arg1, %eq3A_35 : i32
    %convert_element_type3A_37 = arith.extui %eq3A_36 : i1 to i32
    %cond3A_38 = arith.constant 0 : i32
    %cond3A_39 = arith.cmpi ne, %convert_element_type3A_37, %cond3A_38 : i32
    scf.if %cond3A_39 {
      "tpu.region"() ({
        %run_scoped3A_40 = tpu.sem_alloc : memref<!tpu.dma_semaphore, #tpu.memory_space<semaphore_mem>>
        %dma_start3A = arith.constant 9480 : i32
        %dma_start3A_41 = arith.constant 0 : i32
        %dma_start3A_42 = tpu.memref_slice %arg5[%arg0, %dma_start3A, %dma_start3A_41] : memref<2x10000x128xf32, #tpu.memory_space<hbm>> -> memref<1x520x128xf32, #tpu.memory_space<hbm>>
        %dma_start3A_43 = tpu.memref_squeeze %dma_start3A_42 : memref<1x520x128xf32, #tpu.memory_space<hbm>> -> memref<520x128xf32, #tpu.memory_space<hbm>>
        %dma_start3A_44 = arith.constant 9480 : i32
        %dma_start3A_45 = arith.constant 0 : i32
        %dma_start3A_46 = tpu.memref_slice %arg13[%dma_start3A_44, %dma_start3A_45] : memref<10008x128xf32, #tpu.memory_space<vmem_shared>> -> memref<520x128xf32, #tpu.memory_space<vmem_shared>>
        tpu.enqueue_dma source(%dma_start3A_46 : memref<520x128xf32, #tpu.memory_space<vmem_shared>>) target(%dma_start3A_43 : memref<520x128xf32, #tpu.memory_space<hbm>>) target_semaphore(%run_scoped3A_40 : memref<!tpu.dma_semaphore, #tpu.memory_space<semaphore_mem>>)
        %dma_wait3A = arith.constant 9480 : i32
        %dma_wait3A_47 = arith.constant 0 : i32
        %dma_wait3A_48 = tpu.memref_slice %arg5[%arg0, %dma_wait3A, %dma_wait3A_47] : memref<2x10000x128xf32, #tpu.memory_space<hbm>> -> memref<1x520x128xf32, #tpu.memory_space<hbm>>
        %dma_wait3A_49 = tpu.memref_squeeze %dma_wait3A_48 : memref<1x520x128xf32, #tpu.memory_space<hbm>> -> memref<520x128xf32, #tpu.memory_space<hbm>>
        %dma_wait3A_50 = arith.constant 9480 : i32
        %dma_wait3A_51 = arith.constant 0 : i32
        %dma_wait3A_52 = tpu.memref_slice %arg13[%dma_wait3A_50, %dma_wait3A_51] : memref<10008x128xf32, #tpu.memory_space<vmem_shared>> -> memref<520x128xf32, #tpu.memory_space<vmem_shared>>
        tpu.wait_dma2 semaphore(%run_scoped3A_40 : memref<!tpu.dma_semaphore, #tpu.memory_space<semaphore_mem>>) src(%dma_wait3A_52 : memref<520x128xf32, #tpu.memory_space<vmem_shared>>) dst(%dma_wait3A_49 : memref<520x128xf32, #tpu.memory_space<hbm>>)
        tpu.yield
      }) : () -> ()
    } else {
    }
    return
  }
}

#map = affine_map<(d0, d1) -> (0, 0)>
#map1 = affine_map<(d0, d1) -> (0, 0, 0)>
module attributes {stable_mosaic.version = 14 : i64} {
  func.func @_agg_body(%arg0: i32, %arg1: i32, %arg2: memref<10000x128xf32, #tpu.memory_space<hbm>>, %arg3: memref<2x2560x128xi32, #tpu.memory_space<hbm>>, %arg4: memref<10000x128xf32, #tpu.memory_space<hbm>>, %arg5: memref<2x10000x128xf32, #tpu.memory_space<hbm>>, %arg6: memref<40x128xi32, #tpu.memory_space<vmem>>, %arg7: memref<40x128xi32, #tpu.memory_space<vmem>>, %arg8: memref<2x128x128xf32, #tpu.memory_space<vmem>>, %arg9: memref<!tpu.dma_semaphore, #tpu.memory_space<semaphore_mem>>, %arg10: memref<!tpu.dma_semaphore, #tpu.memory_space<semaphore_mem>>, %arg11: memref<!tpu.dma_semaphore, #tpu.memory_space<semaphore_mem>>, %arg12: memref<!tpu.dma_semaphore, #tpu.memory_space<semaphore_mem>>, %arg13: memref<10008x128xf32, #tpu.memory_space<vmem_shared>>) attributes {dimension_semantics = [#tpu.dimension_semantics<core_parallel>, #tpu.dimension_semantics<subcore_parallel>], iteration_bounds = array<i64: 2, 16>, scalar_prefetch = 0 : i64, scratch_operands = 8 : i64, tpu.core_type = #tpu.core_type<sc_vector_subcore>, window_params = [{transform_indices = #map}, {transform_indices = #map1}, {transform_indices = #map}, {transform_indices = #map1}]} {
    %mul3A = arith.constant 2 : i32
    %mul3A_0 = arith.muli %arg1, %mul3A : i32
    %add3A = arith.addi %mul3A_0, %arg0 : i32
    %mul3A_1 = arith.constant 80 : i32
    %mul3A_2 = arith.muli %add3A, %mul3A_1 : i32
    %multiple_of3A = tpu.assume_multiple %mul3A_2, 8 : i32
    %lt3A = arith.constant 15 : i32
    %lt3A_3 = arith.cmpi slt, %arg1, %lt3A : i32
    %convert_element_type3A = arith.extui %lt3A_3 : i1 to i32
    %cond3A = arith.constant 0 : i32
    %cond3A_4 = arith.cmpi ne, %convert_element_type3A, %cond3A : i32
    scf.if %cond3A_4 {
      %mul3A_40 = arith.constant 632 : i32
      %mul3A_41 = arith.muli %arg1, %mul3A_40 : i32
      %multiple_of3A_42 = tpu.assume_multiple %mul3A_41, 8 : i32
      "tpu.region"() ({
        %run_scoped3A_43 = tpu.sem_alloc : memref<!tpu.dma_semaphore, #tpu.memory_space<semaphore_mem>>
        %dma_start3A = arith.constant 0 : i32
        %dma_start3A_44 = tpu.memref_slice %arg13[%multiple_of3A_42, %dma_start3A] : memref<10008x128xf32, #tpu.memory_space<vmem_shared>> -> memref<632x128xf32, #tpu.memory_space<vmem_shared>>
        %dma_start3A_45 = arith.constant 0 : i32
        %dma_start3A_46 = tpu.memref_slice %arg4[%multiple_of3A_42, %dma_start3A_45] : memref<10000x128xf32, #tpu.memory_space<hbm>> -> memref<632x128xf32, #tpu.memory_space<hbm>>
        tpu.enqueue_dma source(%dma_start3A_46 : memref<632x128xf32, #tpu.memory_space<hbm>>) target(%dma_start3A_44 : memref<632x128xf32, #tpu.memory_space<vmem_shared>>) target_semaphore(%run_scoped3A_43 : memref<!tpu.dma_semaphore, #tpu.memory_space<semaphore_mem>>)
        %dma_wait3A = arith.constant 0 : i32
        %dma_wait3A_47 = tpu.memref_slice %arg13[%multiple_of3A_42, %dma_wait3A] : memref<10008x128xf32, #tpu.memory_space<vmem_shared>> -> memref<632x128xf32, #tpu.memory_space<vmem_shared>>
        %dma_wait3A_48 = arith.constant 0 : i32
        %dma_wait3A_49 = tpu.memref_slice %arg4[%multiple_of3A_42, %dma_wait3A_48] : memref<10000x128xf32, #tpu.memory_space<hbm>> -> memref<632x128xf32, #tpu.memory_space<hbm>>
        tpu.wait_dma2 semaphore(%run_scoped3A_43 : memref<!tpu.dma_semaphore, #tpu.memory_space<semaphore_mem>>) src(%dma_wait3A_49 : memref<632x128xf32, #tpu.memory_space<hbm>>) dst(%dma_wait3A_47 : memref<632x128xf32, #tpu.memory_space<vmem_shared>>)
        tpu.yield
      }) : () -> ()
    } else {
    }
    %eq3A = arith.constant 15 : i32
    %eq3A_5 = arith.cmpi eq, %arg1, %eq3A : i32
    %convert_element_type3A_6 = arith.extui %eq3A_5 : i1 to i32
    %cond3A_7 = arith.constant 0 : i32
    %cond3A_8 = arith.cmpi ne, %convert_element_type3A_6, %cond3A_7 : i32
    scf.if %cond3A_8 {
      "tpu.region"() ({
        %run_scoped3A_40 = tpu.sem_alloc : memref<!tpu.dma_semaphore, #tpu.memory_space<semaphore_mem>>
        %dma_start3A = arith.constant 9480 : i32
        %dma_start3A_41 = arith.constant 0 : i32
        %dma_start3A_42 = tpu.memref_slice %arg13[%dma_start3A, %dma_start3A_41] : memref<10008x128xf32, #tpu.memory_space<vmem_shared>> -> memref<520x128xf32, #tpu.memory_space<vmem_shared>>
        %dma_start3A_43 = arith.constant 9480 : i32
        %dma_start3A_44 = arith.constant 0 : i32
        %dma_start3A_45 = tpu.memref_slice %arg4[%dma_start3A_43, %dma_start3A_44] : memref<10000x128xf32, #tpu.memory_space<hbm>> -> memref<520x128xf32, #tpu.memory_space<hbm>>
        tpu.enqueue_dma source(%dma_start3A_45 : memref<520x128xf32, #tpu.memory_space<hbm>>) target(%dma_start3A_42 : memref<520x128xf32, #tpu.memory_space<vmem_shared>>) target_semaphore(%run_scoped3A_40 : memref<!tpu.dma_semaphore, #tpu.memory_space<semaphore_mem>>)
        %dma_wait3A = arith.constant 9480 : i32
        %dma_wait3A_46 = arith.constant 0 : i32
        %dma_wait3A_47 = tpu.memref_slice %arg13[%dma_wait3A, %dma_wait3A_46] : memref<10008x128xf32, #tpu.memory_space<vmem_shared>> -> memref<520x128xf32, #tpu.memory_space<vmem_shared>>
        %dma_wait3A_48 = arith.constant 9480 : i32
        %dma_wait3A_49 = arith.constant 0 : i32
        %dma_wait3A_50 = tpu.memref_slice %arg4[%dma_wait3A_48, %dma_wait3A_49] : memref<10000x128xf32, #tpu.memory_space<hbm>> -> memref<520x128xf32, #tpu.memory_space<hbm>>
        tpu.wait_dma2 semaphore(%run_scoped3A_40 : memref<!tpu.dma_semaphore, #tpu.memory_space<semaphore_mem>>) src(%dma_wait3A_50 : memref<520x128xf32, #tpu.memory_space<hbm>>) dst(%dma_wait3A_47 : memref<520x128xf32, #tpu.memory_space<vmem_shared>>)
        tpu.yield
      }) : () -> ()
    } else {
    }
    %barrier3A = arith.constant 0 : index
    tpu.barrier barrier_id(%barrier3A)
    %add3A_9 = arith.constant 0 : i32
    %add3A_10 = arith.addi %multiple_of3A, %add3A_9 : i32
    %run_scoped3A = arith.constant 0 : i32
    "tpu.region"() ({
      %run_scoped3A_40 = tpu.sem_alloc : memref<!tpu.dma_semaphore, #tpu.memory_space<semaphore_mem>>
      %dma_start3A = arith.constant 0 : i32
      %dma_start3A_41 = tpu.memref_slice %arg3[%run_scoped3A, %add3A_10, %dma_start3A] : memref<2x2560x128xi32, #tpu.memory_space<hbm>> -> memref<1x40x128xi32, #tpu.memory_space<hbm>>
      %dma_start3A_42 = tpu.memref_squeeze %dma_start3A_41 : memref<1x40x128xi32, #tpu.memory_space<hbm>> -> memref<40x128xi32, #tpu.memory_space<hbm>>
      %dma_start3A_43 = arith.constant 0 : i32
      %dma_start3A_44 = tpu.memref_slice %arg3[%run_scoped3A, %add3A_10, %dma_start3A_43] : memref<2x2560x128xi32, #tpu.memory_space<hbm>> -> memref<1x40x128xi32, #tpu.memory_space<hbm>>
      %dma_start3A_45 = tpu.memref_squeeze %dma_start3A_44 : memref<1x40x128xi32, #tpu.memory_space<hbm>> -> memref<40x128xi32, #tpu.memory_space<hbm>>
      tpu.enqueue_dma source(%dma_start3A_45 : memref<40x128xi32, #tpu.memory_space<hbm>>) target(%arg6 : memref<40x128xi32, #tpu.memory_space<vmem>>) target_semaphore(%run_scoped3A_40 : memref<!tpu.dma_semaphore, #tpu.memory_space<semaphore_mem>>)
      %dma_wait3A = arith.constant 0 : i32
      %dma_wait3A_46 = tpu.memref_slice %arg3[%run_scoped3A, %add3A_10, %dma_wait3A] : memref<2x2560x128xi32, #tpu.memory_space<hbm>> -> memref<1x40x128xi32, #tpu.memory_space<hbm>>
      %dma_wait3A_47 = tpu.memref_squeeze %dma_wait3A_46 : memref<1x40x128xi32, #tpu.memory_space<hbm>> -> memref<40x128xi32, #tpu.memory_space<hbm>>
      %dma_wait3A_48 = arith.constant 0 : i32
      %dma_wait3A_49 = tpu.memref_slice %arg3[%run_scoped3A, %add3A_10, %dma_wait3A_48] : memref<2x2560x128xi32, #tpu.memory_space<hbm>> -> memref<1x40x128xi32, #tpu.memory_space<hbm>>
      %dma_wait3A_50 = tpu.memref_squeeze %dma_wait3A_49 : memref<1x40x128xi32, #tpu.memory_space<hbm>> -> memref<40x128xi32, #tpu.memory_space<hbm>>
      tpu.wait_dma2 semaphore(%run_scoped3A_40 : memref<!tpu.dma_semaphore, #tpu.memory_space<semaphore_mem>>) src(%dma_wait3A_50 : memref<40x128xi32, #tpu.memory_space<hbm>>) dst(%arg6 : memref<40x128xi32, #tpu.memory_space<vmem>>)
      tpu.yield
    }) : () -> ()
    %add3A_11 = arith.constant 0 : i32
    %add3A_12 = arith.addi %multiple_of3A, %add3A_11 : i32
    %run_scoped3A_13 = arith.constant 1 : i32
    "tpu.region"() ({
      %run_scoped3A_40 = tpu.sem_alloc : memref<!tpu.dma_semaphore, #tpu.memory_space<semaphore_mem>>
      %dma_start3A = arith.constant 0 : i32
      %dma_start3A_41 = tpu.memref_slice %arg3[%run_scoped3A_13, %add3A_12, %dma_start3A] : memref<2x2560x128xi32, #tpu.memory_space<hbm>> -> memref<1x40x128xi32, #tpu.memory_space<hbm>>
      %dma_start3A_42 = tpu.memref_squeeze %dma_start3A_41 : memref<1x40x128xi32, #tpu.memory_space<hbm>> -> memref<40x128xi32, #tpu.memory_space<hbm>>
      %dma_start3A_43 = arith.constant 0 : i32
      %dma_start3A_44 = tpu.memref_slice %arg3[%run_scoped3A_13, %add3A_12, %dma_start3A_43] : memref<2x2560x128xi32, #tpu.memory_space<hbm>> -> memref<1x40x128xi32, #tpu.memory_space<hbm>>
      %dma_start3A_45 = tpu.memref_squeeze %dma_start3A_44 : memref<1x40x128xi32, #tpu.memory_space<hbm>> -> memref<40x128xi32, #tpu.memory_space<hbm>>
      tpu.enqueue_dma source(%dma_start3A_45 : memref<40x128xi32, #tpu.memory_space<hbm>>) target(%arg7 : memref<40x128xi32, #tpu.memory_space<vmem>>) target_semaphore(%run_scoped3A_40 : memref<!tpu.dma_semaphore, #tpu.memory_space<semaphore_mem>>)
      %dma_wait3A = arith.constant 0 : i32
      %dma_wait3A_46 = tpu.memref_slice %arg3[%run_scoped3A_13, %add3A_12, %dma_wait3A] : memref<2x2560x128xi32, #tpu.memory_space<hbm>> -> memref<1x40x128xi32, #tpu.memory_space<hbm>>
      %dma_wait3A_47 = tpu.memref_squeeze %dma_wait3A_46 : memref<1x40x128xi32, #tpu.memory_space<hbm>> -> memref<40x128xi32, #tpu.memory_space<hbm>>
      %dma_wait3A_48 = arith.constant 0 : i32
      %dma_wait3A_49 = tpu.memref_slice %arg3[%run_scoped3A_13, %add3A_12, %dma_wait3A_48] : memref<2x2560x128xi32, #tpu.memory_space<hbm>> -> memref<1x40x128xi32, #tpu.memory_space<hbm>>
      %dma_wait3A_50 = tpu.memref_squeeze %dma_wait3A_49 : memref<1x40x128xi32, #tpu.memory_space<hbm>> -> memref<40x128xi32, #tpu.memory_space<hbm>>
      tpu.wait_dma2 semaphore(%run_scoped3A_40 : memref<!tpu.dma_semaphore, #tpu.memory_space<semaphore_mem>>) src(%dma_wait3A_50 : memref<40x128xi32, #tpu.memory_space<hbm>>) dst(%arg7 : memref<40x128xi32, #tpu.memory_space<vmem>>)
      tpu.yield
    }) : () -> ()
    %scan3A = arith.constant 0 : i32
    %scan3A_14 = arith.constant 20 : i32
    %scan3A_15 = arith.addi %scan3A, %scan3A_14 : i32
    %scan3A_16 = arith.constant 1 : i32
    scf.for %scan3A_40 = %scan3A to %scan3A_15 step %scan3A_16  : i32 {
      %mul3A_41 = arith.constant 2 : i32
      %mul3A_42 = arith.muli %scan3A_40, %mul3A_41 : i32
      %add3A_43 = arith.constant 0 : i32
      %add3A_44 = arith.addi %add3A_43, %mul3A_42 : i32
      %add3A_45 = arith.constant 0 : i32
      %add3A_46 = arith.addi %add3A_44, %add3A_45 : i32
      %dma_start3A = arith.constant 0 : i32
      %dma_start3A_47 = arith.constant 0 : i32
      %dma_start3A_48 = arith.constant 0 : i32
      %dma_start3A_49 = tpu.memref_slice %arg8[%dma_start3A, %dma_start3A_47, %dma_start3A_48] : memref<2x128x128xf32, #tpu.memory_space<vmem>> -> memref<1x64x128xf32, #tpu.memory_space<vmem>>
      %dma_start3A_50 = tpu.memref_squeeze %dma_start3A_49 : memref<1x64x128xf32, #tpu.memory_space<vmem>> -> memref<64x128xf32, #tpu.memory_space<vmem>>
      %dma_start3A_51 = arith.constant 0 : i32
      %dma_start3A_52 = tpu.memref_slice %arg6[%add3A_46, %dma_start3A_51] : memref<40x128xi32, #tpu.memory_space<vmem>> -> memref<1x64xi32, #tpu.memory_space<vmem>>
      %dma_start3A_53 = tpu.memref_squeeze %dma_start3A_52 : memref<1x64xi32, #tpu.memory_space<vmem>> -> memref<64xi32, #tpu.memory_space<vmem>>
      %dma_start3A_54 = arith.constant 0 : i32
      %dma_start3A_55 = arith.constant 0 : i32
      %dma_start3A_56 = tpu.memref_slice %arg13[%dma_start3A_54, %dma_start3A_55] : memref<10008x128xf32, #tpu.memory_space<vmem_shared>> -> memref<10008x128xf32, #tpu.memory_space<vmem_shared>>
      tpu.enqueue_indirect_dma source(%dma_start3A_56 : memref<10008x128xf32, #tpu.memory_space<vmem_shared>>) target(%dma_start3A_50 : memref<64x128xf32, #tpu.memory_space<vmem>>) offsets(%dma_start3A_53 : memref<64xi32, #tpu.memory_space<vmem>>) semaphore(%arg9 : memref<!tpu.dma_semaphore, #tpu.memory_space<semaphore_mem>>)
      %add3A_57 = arith.constant 0 : i32
      %add3A_58 = arith.addi %add3A_44, %add3A_57 : i32
      %dma_start3A_59 = arith.constant 0 : i32
      %dma_start3A_60 = arith.constant 64 : i32
      %dma_start3A_61 = arith.constant 0 : i32
      %dma_start3A_62 = tpu.memref_slice %arg8[%dma_start3A_59, %dma_start3A_60, %dma_start3A_61] : memref<2x128x128xf32, #tpu.memory_space<vmem>> -> memref<1x64x128xf32, #tpu.memory_space<vmem>>
      %dma_start3A_63 = tpu.memref_squeeze %dma_start3A_62 : memref<1x64x128xf32, #tpu.memory_space<vmem>> -> memref<64x128xf32, #tpu.memory_space<vmem>>
      %dma_start3A_64 = arith.constant 64 : i32
      %dma_start3A_65 = tpu.memref_slice %arg6[%add3A_58, %dma_start3A_64] : memref<40x128xi32, #tpu.memory_space<vmem>> -> memref<1x64xi32, #tpu.memory_space<vmem>>
      %dma_start3A_66 = tpu.memref_squeeze %dma_start3A_65 : memref<1x64xi32, #tpu.memory_space<vmem>> -> memref<64xi32, #tpu.memory_space<vmem>>
      %dma_start3A_67 = arith.constant 0 : i32
      %dma_start3A_68 = arith.constant 0 : i32
      %dma_start3A_69 = tpu.memref_slice %arg13[%dma_start3A_67, %dma_start3A_68] : memref<10008x128xf32, #tpu.memory_space<vmem_shared>> -> memref<10008x128xf32, #tpu.memory_space<vmem_shared>>
      tpu.enqueue_indirect_dma source(%dma_start3A_69 : memref<10008x128xf32, #tpu.memory_space<vmem_shared>>) target(%dma_start3A_63 : memref<64x128xf32, #tpu.memory_space<vmem>>) offsets(%dma_start3A_66 : memref<64xi32, #tpu.memory_space<vmem>>) semaphore(%arg9 : memref<!tpu.dma_semaphore, #tpu.memory_space<semaphore_mem>>)
      %add3A_70 = arith.constant 1 : i32
      %add3A_71 = arith.addi %add3A_44, %add3A_70 : i32
      %dma_start3A_72 = arith.constant 1 : i32
      %dma_start3A_73 = arith.constant 0 : i32
      %dma_start3A_74 = arith.constant 0 : i32
      %dma_start3A_75 = tpu.memref_slice %arg8[%dma_start3A_72, %dma_start3A_73, %dma_start3A_74] : memref<2x128x128xf32, #tpu.memory_space<vmem>> -> memref<1x64x128xf32, #tpu.memory_space<vmem>>
      %dma_start3A_76 = tpu.memref_squeeze %dma_start3A_75 : memref<1x64x128xf32, #tpu.memory_space<vmem>> -> memref<64x128xf32, #tpu.memory_space<vmem>>
      %dma_start3A_77 = arith.constant 0 : i32
      %dma_start3A_78 = tpu.memref_slice %arg6[%add3A_71, %dma_start3A_77] : memref<40x128xi32, #tpu.memory_space<vmem>> -> memref<1x64xi32, #tpu.memory_space<vmem>>
      %dma_start3A_79 = tpu.memref_squeeze %dma_start3A_78 : memref<1x64xi32, #tpu.memory_space<vmem>> -> memref<64xi32, #tpu.memory_space<vmem>>
      %dma_start3A_80 = arith.constant 0 : i32
      %dma_start3A_81 = arith.constant 0 : i32
      %dma_start3A_82 = tpu.memref_slice %arg13[%dma_start3A_80, %dma_start3A_81] : memref<10008x128xf32, #tpu.memory_space<vmem_shared>> -> memref<10008x128xf32, #tpu.memory_space<vmem_shared>>
      tpu.enqueue_indirect_dma source(%dma_start3A_82 : memref<10008x128xf32, #tpu.memory_space<vmem_shared>>) target(%dma_start3A_76 : memref<64x128xf32, #tpu.memory_space<vmem>>) offsets(%dma_start3A_79 : memref<64xi32, #tpu.memory_space<vmem>>) semaphore(%arg10 : memref<!tpu.dma_semaphore, #tpu.memory_space<semaphore_mem>>)
      %add3A_83 = arith.constant 1 : i32
      %add3A_84 = arith.addi %add3A_44, %add3A_83 : i32
      %dma_start3A_85 = arith.constant 1 : i32
      %dma_start3A_86 = arith.constant 64 : i32
      %dma_start3A_87 = arith.constant 0 : i32
      %dma_start3A_88 = tpu.memref_slice %arg8[%dma_start3A_85, %dma_start3A_86, %dma_start3A_87] : memref<2x128x128xf32, #tpu.memory_space<vmem>> -> memref<1x64x128xf32, #tpu.memory_space<vmem>>
      %dma_start3A_89 = tpu.memref_squeeze %dma_start3A_88 : memref<1x64x128xf32, #tpu.memory_space<vmem>> -> memref<64x128xf32, #tpu.memory_space<vmem>>
      %dma_start3A_90 = arith.constant 64 : i32
      %dma_start3A_91 = tpu.memref_slice %arg6[%add3A_84, %dma_start3A_90] : memref<40x128xi32, #tpu.memory_space<vmem>> -> memref<1x64xi32, #tpu.memory_space<vmem>>
      %dma_start3A_92 = tpu.memref_squeeze %dma_start3A_91 : memref<1x64xi32, #tpu.memory_space<vmem>> -> memref<64xi32, #tpu.memory_space<vmem>>
      %dma_start3A_93 = arith.constant 0 : i32
      %dma_start3A_94 = arith.constant 0 : i32
      %dma_start3A_95 = tpu.memref_slice %arg13[%dma_start3A_93, %dma_start3A_94] : memref<10008x128xf32, #tpu.memory_space<vmem_shared>> -> memref<10008x128xf32, #tpu.memory_space<vmem_shared>>
      tpu.enqueue_indirect_dma source(%dma_start3A_95 : memref<10008x128xf32, #tpu.memory_space<vmem_shared>>) target(%dma_start3A_89 : memref<64x128xf32, #tpu.memory_space<vmem>>) offsets(%dma_start3A_92 : memref<64xi32, #tpu.memory_space<vmem>>) semaphore(%arg10 : memref<!tpu.dma_semaphore, #tpu.memory_space<semaphore_mem>>)
      %dma_wait3A = arith.constant 0 : i32
      %dma_wait3A_96 = arith.constant 0 : i32
      %dma_wait3A_97 = arith.constant 0 : i32
      %dma_wait3A_98 = tpu.memref_slice %arg8[%dma_wait3A, %dma_wait3A_96, %dma_wait3A_97] : memref<2x128x128xf32, #tpu.memory_space<vmem>> -> memref<1x64x128xf32, #tpu.memory_space<vmem>>
      %dma_wait3A_99 = tpu.memref_squeeze %dma_wait3A_98 : memref<1x64x128xf32, #tpu.memory_space<vmem>> -> memref<64x128xf32, #tpu.memory_space<vmem>>
      %dma_wait3A_100 = arith.constant 0 : i32
      %dma_wait3A_101 = tpu.memref_slice %arg6[%add3A_46, %dma_wait3A_100] : memref<40x128xi32, #tpu.memory_space<vmem>> -> memref<1x64xi32, #tpu.memory_space<vmem>>
      %dma_wait3A_102 = tpu.memref_squeeze %dma_wait3A_101 : memref<1x64xi32, #tpu.memory_space<vmem>> -> memref<64xi32, #tpu.memory_space<vmem>>
      %dma_wait3A_103 = arith.constant 0 : i32
      %dma_wait3A_104 = arith.constant 0 : i32
      %dma_wait3A_105 = tpu.memref_slice %arg13[%dma_wait3A_103, %dma_wait3A_104] : memref<10008x128xf32, #tpu.memory_space<vmem_shared>> -> memref<10008x128xf32, #tpu.memory_space<vmem_shared>>
      tpu.wait_indirect_dma semaphore(%arg9 : memref<!tpu.dma_semaphore, #tpu.memory_space<semaphore_mem>>) src(%dma_wait3A_105 : memref<10008x128xf32, #tpu.memory_space<vmem_shared>>) dst(%dma_wait3A_99 : memref<64x128xf32, #tpu.memory_space<vmem>>)
      %dma_wait3A_106 = arith.constant 0 : i32
      %dma_wait3A_107 = arith.constant 64 : i32
      %dma_wait3A_108 = arith.constant 0 : i32
      %dma_wait3A_109 = tpu.memref_slice %arg8[%dma_wait3A_106, %dma_wait3A_107, %dma_wait3A_108] : memref<2x128x128xf32, #tpu.memory_space<vmem>> -> memref<1x64x128xf32, #tpu.memory_space<vmem>>
      %dma_wait3A_110 = tpu.memref_squeeze %dma_wait3A_109 : memref<1x64x128xf32, #tpu.memory_space<vmem>> -> memref<64x128xf32, #tpu.memory_space<vmem>>
      %dma_wait3A_111 = arith.constant 64 : i32
      %dma_wait3A_112 = tpu.memref_slice %arg6[%add3A_58, %dma_wait3A_111] : memref<40x128xi32, #tpu.memory_space<vmem>> -> memref<1x64xi32, #tpu.memory_space<vmem>>
      %dma_wait3A_113 = tpu.memref_squeeze %dma_wait3A_112 : memref<1x64xi32, #tpu.memory_space<vmem>> -> memref<64xi32, #tpu.memory_space<vmem>>
      %dma_wait3A_114 = arith.constant 0 : i32
      %dma_wait3A_115 = arith.constant 0 : i32
      %dma_wait3A_116 = tpu.memref_slice %arg13[%dma_wait3A_114, %dma_wait3A_115] : memref<10008x128xf32, #tpu.memory_space<vmem_shared>> -> memref<10008x128xf32, #tpu.memory_space<vmem_shared>>
      tpu.wait_indirect_dma semaphore(%arg9 : memref<!tpu.dma_semaphore, #tpu.memory_space<semaphore_mem>>) src(%dma_wait3A_116 : memref<10008x128xf32, #tpu.memory_space<vmem_shared>>) dst(%dma_wait3A_110 : memref<64x128xf32, #tpu.memory_space<vmem>>)
      %add3A_117 = arith.constant 0 : i32
      %add3A_118 = arith.addi %add3A_44, %add3A_117 : i32
      %dma_start3A_119 = arith.constant 0 : i32
      %dma_start3A_120 = arith.constant 0 : i32
      %dma_start3A_121 = arith.constant 0 : i32
      %dma_start3A_122 = tpu.memref_slice %arg8[%dma_start3A_119, %dma_start3A_120, %dma_start3A_121] : memref<2x128x128xf32, #tpu.memory_space<vmem>> -> memref<1x128x128xf32, #tpu.memory_space<vmem>>
      %dma_start3A_123 = tpu.memref_squeeze %dma_start3A_122 : memref<1x128x128xf32, #tpu.memory_space<vmem>> -> memref<128x128xf32, #tpu.memory_space<vmem>>
      %dma_start3A_124 = arith.constant 0 : i32
      %dma_start3A_125 = tpu.memref_slice %arg7[%add3A_118, %dma_start3A_124] : memref<40x128xi32, #tpu.memory_space<vmem>> -> memref<1x128xi32, #tpu.memory_space<vmem>>
      %dma_start3A_126 = tpu.memref_squeeze %dma_start3A_125 : memref<1x128xi32, #tpu.memory_space<vmem>> -> memref<128xi32, #tpu.memory_space<vmem>>
      %dma_start3A_127 = arith.constant 0 : i32
      %dma_start3A_128 = arith.constant 0 : i32
      %dma_start3A_129 = tpu.memref_slice %arg13[%dma_start3A_127, %dma_start3A_128] : memref<10008x128xf32, #tpu.memory_space<vmem_shared>> -> memref<10008x128xf32, #tpu.memory_space<vmem_shared>>
      tpu.enqueue_indirect_dma source(%dma_start3A_123 : memref<128x128xf32, #tpu.memory_space<vmem>>) target(%dma_start3A_129 : memref<10008x128xf32, #tpu.memory_space<vmem_shared>>) offsets(%dma_start3A_126 : memref<128xi32, #tpu.memory_space<vmem>>) semaphore(%arg11 : memref<!tpu.dma_semaphore, #tpu.memory_space<semaphore_mem>>) {add = true}
      %dma_wait3A_130 = arith.constant 1 : i32
      %dma_wait3A_131 = arith.constant 0 : i32
      %dma_wait3A_132 = arith.constant 0 : i32
      %dma_wait3A_133 = tpu.memref_slice %arg8[%dma_wait3A_130, %dma_wait3A_131, %dma_wait3A_132] : memref<2x128x128xf32, #tpu.memory_space<vmem>> -> memref<1x64x128xf32, #tpu.memory_space<vmem>>
      %dma_wait3A_134 = tpu.memref_squeeze %dma_wait3A_133 : memref<1x64x128xf32, #tpu.memory_space<vmem>> -> memref<64x128xf32, #tpu.memory_space<vmem>>
      %dma_wait3A_135 = arith.constant 0 : i32
      %dma_wait3A_136 = tpu.memref_slice %arg6[%add3A_71, %dma_wait3A_135] : memref<40x128xi32, #tpu.memory_space<vmem>> -> memref<1x64xi32, #tpu.memory_space<vmem>>
      %dma_wait3A_137 = tpu.memref_squeeze %dma_wait3A_136 : memref<1x64xi32, #tpu.memory_space<vmem>> -> memref<64xi32, #tpu.memory_space<vmem>>
      %dma_wait3A_138 = arith.constant 0 : i32
      %dma_wait3A_139 = arith.constant 0 : i32
      %dma_wait3A_140 = tpu.memref_slice %arg13[%dma_wait3A_138, %dma_wait3A_139] : memref<10008x128xf32, #tpu.memory_space<vmem_shared>> -> memref<10008x128xf32, #tpu.memory_space<vmem_shared>>
      tpu.wait_indirect_dma semaphore(%arg10 : memref<!tpu.dma_semaphore, #tpu.memory_space<semaphore_mem>>) src(%dma_wait3A_140 : memref<10008x128xf32, #tpu.memory_space<vmem_shared>>) dst(%dma_wait3A_134 : memref<64x128xf32, #tpu.memory_space<vmem>>)
      %dma_wait3A_141 = arith.constant 1 : i32
      %dma_wait3A_142 = arith.constant 64 : i32
      %dma_wait3A_143 = arith.constant 0 : i32
      %dma_wait3A_144 = tpu.memref_slice %arg8[%dma_wait3A_141, %dma_wait3A_142, %dma_wait3A_143] : memref<2x128x128xf32, #tpu.memory_space<vmem>> -> memref<1x64x128xf32, #tpu.memory_space<vmem>>
      %dma_wait3A_145 = tpu.memref_squeeze %dma_wait3A_144 : memref<1x64x128xf32, #tpu.memory_space<vmem>> -> memref<64x128xf32, #tpu.memory_space<vmem>>
      %dma_wait3A_146 = arith.constant 64 : i32
      %dma_wait3A_147 = tpu.memref_slice %arg6[%add3A_84, %dma_wait3A_146] : memref<40x128xi32, #tpu.memory_space<vmem>> -> memref<1x64xi32, #tpu.memory_space<vmem>>
      %dma_wait3A_148 = tpu.memref_squeeze %dma_wait3A_147 : memref<1x64xi32, #tpu.memory_space<vmem>> -> memref<64xi32, #tpu.memory_space<vmem>>
      %dma_wait3A_149 = arith.constant 0 : i32
      %dma_wait3A_150 = arith.constant 0 : i32
      %dma_wait3A_151 = tpu.memref_slice %arg13[%dma_wait3A_149, %dma_wait3A_150] : memref<10008x128xf32, #tpu.memory_space<vmem_shared>> -> memref<10008x128xf32, #tpu.memory_space<vmem_shared>>
      tpu.wait_indirect_dma semaphore(%arg10 : memref<!tpu.dma_semaphore, #tpu.memory_space<semaphore_mem>>) src(%dma_wait3A_151 : memref<10008x128xf32, #tpu.memory_space<vmem_shared>>) dst(%dma_wait3A_145 : memref<64x128xf32, #tpu.memory_space<vmem>>)
      %add3A_152 = arith.constant 1 : i32
      %add3A_153 = arith.addi %add3A_44, %add3A_152 : i32
      %dma_start3A_154 = arith.constant 1 : i32
      %dma_start3A_155 = arith.constant 0 : i32
      %dma_start3A_156 = arith.constant 0 : i32
      %dma_start3A_157 = tpu.memref_slice %arg8[%dma_start3A_154, %dma_start3A_155, %dma_start3A_156] : memref<2x128x128xf32, #tpu.memory_space<vmem>> -> memref<1x128x128xf32, #tpu.memory_space<vmem>>
      %dma_start3A_158 = tpu.memref_squeeze %dma_start3A_157 : memref<1x128x128xf32, #tpu.memory_space<vmem>> -> memref<128x128xf32, #tpu.memory_space<vmem>>
      %dma_start3A_159 = arith.constant 0 : i32
      %dma_start3A_160 = tpu.memref_slice %arg7[%add3A_153, %dma_start3A_159] : memref<40x128xi32, #tpu.memory_space<vmem>> -> memref<1x128xi32, #tpu.memory_space<vmem>>
      %dma_start3A_161 = tpu.memref_squeeze %dma_start3A_160 : memref<1x128xi32, #tpu.memory_space<vmem>> -> memref<128xi32, #tpu.memory_space<vmem>>
      %dma_start3A_162 = arith.constant 0 : i32
      %dma_start3A_163 = arith.constant 0 : i32
      %dma_start3A_164 = tpu.memref_slice %arg13[%dma_start3A_162, %dma_start3A_163] : memref<10008x128xf32, #tpu.memory_space<vmem_shared>> -> memref<10008x128xf32, #tpu.memory_space<vmem_shared>>
      tpu.enqueue_indirect_dma source(%dma_start3A_158 : memref<128x128xf32, #tpu.memory_space<vmem>>) target(%dma_start3A_164 : memref<10008x128xf32, #tpu.memory_space<vmem_shared>>) offsets(%dma_start3A_161 : memref<128xi32, #tpu.memory_space<vmem>>) semaphore(%arg12 : memref<!tpu.dma_semaphore, #tpu.memory_space<semaphore_mem>>) {add = true}
      %dma_wait3A_165 = arith.constant 0 : i32
      %dma_wait3A_166 = arith.constant 0 : i32
      %dma_wait3A_167 = arith.constant 0 : i32
      %dma_wait3A_168 = tpu.memref_slice %arg8[%dma_wait3A_165, %dma_wait3A_166, %dma_wait3A_167] : memref<2x128x128xf32, #tpu.memory_space<vmem>> -> memref<1x128x128xf32, #tpu.memory_space<vmem>>
      %dma_wait3A_169 = tpu.memref_squeeze %dma_wait3A_168 : memref<1x128x128xf32, #tpu.memory_space<vmem>> -> memref<128x128xf32, #tpu.memory_space<vmem>>
      %dma_wait3A_170 = arith.constant 0 : i32
      %dma_wait3A_171 = tpu.memref_slice %arg7[%add3A_118, %dma_wait3A_170] : memref<40x128xi32, #tpu.memory_space<vmem>> -> memref<1x128xi32, #tpu.memory_space<vmem>>
      %dma_wait3A_172 = tpu.memref_squeeze %dma_wait3A_171 : memref<1x128xi32, #tpu.memory_space<vmem>> -> memref<128xi32, #tpu.memory_space<vmem>>
      %dma_wait3A_173 = arith.constant 0 : i32
      %dma_wait3A_174 = arith.constant 0 : i32
      %dma_wait3A_175 = tpu.memref_slice %arg13[%dma_wait3A_173, %dma_wait3A_174] : memref<10008x128xf32, #tpu.memory_space<vmem_shared>> -> memref<10008x128xf32, #tpu.memory_space<vmem_shared>>
      tpu.wait_indirect_dma semaphore(%arg11 : memref<!tpu.dma_semaphore, #tpu.memory_space<semaphore_mem>>) src(%dma_wait3A_169 : memref<128x128xf32, #tpu.memory_space<vmem>>) dst(%dma_wait3A_175 : memref<10008x128xf32, #tpu.memory_space<vmem_shared>>)
      %dma_wait3A_176 = arith.constant 1 : i32
      %dma_wait3A_177 = arith.constant 0 : i32
      %dma_wait3A_178 = arith.constant 0 : i32
      %dma_wait3A_179 = tpu.memref_slice %arg8[%dma_wait3A_176, %dma_wait3A_177, %dma_wait3A_178] : memref<2x128x128xf32, #tpu.memory_space<vmem>> -> memref<1x128x128xf32, #tpu.memory_space<vmem>>
      %dma_wait3A_180 = tpu.memref_squeeze %dma_wait3A_179 : memref<1x128x128xf32, #tpu.memory_space<vmem>> -> memref<128x128xf32, #tpu.memory_space<vmem>>
      %dma_wait3A_181 = arith.constant 0 : i32
      %dma_wait3A_182 = tpu.memref_slice %arg7[%add3A_153, %dma_wait3A_181] : memref<40x128xi32, #tpu.memory_space<vmem>> -> memref<1x128xi32, #tpu.memory_space<vmem>>
      %dma_wait3A_183 = tpu.memref_squeeze %dma_wait3A_182 : memref<1x128xi32, #tpu.memory_space<vmem>> -> memref<128xi32, #tpu.memory_space<vmem>>
      %dma_wait3A_184 = arith.constant 0 : i32
      %dma_wait3A_185 = arith.constant 0 : i32
      %dma_wait3A_186 = tpu.memref_slice %arg13[%dma_wait3A_184, %dma_wait3A_185] : memref<10008x128xf32, #tpu.memory_space<vmem_shared>> -> memref<10008x128xf32, #tpu.memory_space<vmem_shared>>
      tpu.wait_indirect_dma semaphore(%arg12 : memref<!tpu.dma_semaphore, #tpu.memory_space<semaphore_mem>>) src(%dma_wait3A_180 : memref<128x128xf32, #tpu.memory_space<vmem>>) dst(%dma_wait3A_186 : memref<10008x128xf32, #tpu.memory_space<vmem_shared>>)
    }
    %scan3A_17 = arith.constant 20 : i32
    %add3A_18 = arith.constant 40 : i32
    %add3A_19 = arith.addi %multiple_of3A, %add3A_18 : i32
    %run_scoped3A_20 = arith.constant 0 : i32
    "tpu.region"() ({
      %run_scoped3A_40 = tpu.sem_alloc : memref<!tpu.dma_semaphore, #tpu.memory_space<semaphore_mem>>
      %dma_start3A = arith.constant 0 : i32
      %dma_start3A_41 = tpu.memref_slice %arg3[%run_scoped3A_20, %add3A_19, %dma_start3A] : memref<2x2560x128xi32, #tpu.memory_space<hbm>> -> memref<1x40x128xi32, #tpu.memory_space<hbm>>
      %dma_start3A_42 = tpu.memref_squeeze %dma_start3A_41 : memref<1x40x128xi32, #tpu.memory_space<hbm>> -> memref<40x128xi32, #tpu.memory_space<hbm>>
      %dma_start3A_43 = arith.constant 0 : i32
      %dma_start3A_44 = tpu.memref_slice %arg3[%run_scoped3A_20, %add3A_19, %dma_start3A_43] : memref<2x2560x128xi32, #tpu.memory_space<hbm>> -> memref<1x40x128xi32, #tpu.memory_space<hbm>>
      %dma_start3A_45 = tpu.memref_squeeze %dma_start3A_44 : memref<1x40x128xi32, #tpu.memory_space<hbm>> -> memref<40x128xi32, #tpu.memory_space<hbm>>
      tpu.enqueue_dma source(%dma_start3A_45 : memref<40x128xi32, #tpu.memory_space<hbm>>) target(%arg6 : memref<40x128xi32, #tpu.memory_space<vmem>>) target_semaphore(%run_scoped3A_40 : memref<!tpu.dma_semaphore, #tpu.memory_space<semaphore_mem>>)
      %dma_wait3A = arith.constant 0 : i32
      %dma_wait3A_46 = tpu.memref_slice %arg3[%run_scoped3A_20, %add3A_19, %dma_wait3A] : memref<2x2560x128xi32, #tpu.memory_space<hbm>> -> memref<1x40x128xi32, #tpu.memory_space<hbm>>
      %dma_wait3A_47 = tpu.memref_squeeze %dma_wait3A_46 : memref<1x40x128xi32, #tpu.memory_space<hbm>> -> memref<40x128xi32, #tpu.memory_space<hbm>>
      %dma_wait3A_48 = arith.constant 0 : i32
      %dma_wait3A_49 = tpu.memref_slice %arg3[%run_scoped3A_20, %add3A_19, %dma_wait3A_48] : memref<2x2560x128xi32, #tpu.memory_space<hbm>> -> memref<1x40x128xi32, #tpu.memory_space<hbm>>
      %dma_wait3A_50 = tpu.memref_squeeze %dma_wait3A_49 : memref<1x40x128xi32, #tpu.memory_space<hbm>> -> memref<40x128xi32, #tpu.memory_space<hbm>>
      tpu.wait_dma2 semaphore(%run_scoped3A_40 : memref<!tpu.dma_semaphore, #tpu.memory_space<semaphore_mem>>) src(%dma_wait3A_50 : memref<40x128xi32, #tpu.memory_space<hbm>>) dst(%arg6 : memref<40x128xi32, #tpu.memory_space<vmem>>)
      tpu.yield
    }) : () -> ()
    %add3A_21 = arith.constant 40 : i32
    %add3A_22 = arith.addi %multiple_of3A, %add3A_21 : i32
    %run_scoped3A_23 = arith.constant 1 : i32
    "tpu.region"() ({
      %run_scoped3A_40 = tpu.sem_alloc : memref<!tpu.dma_semaphore, #tpu.memory_space<semaphore_mem>>
      %dma_start3A = arith.constant 0 : i32
      %dma_start3A_41 = tpu.memref_slice %arg3[%run_scoped3A_23, %add3A_22, %dma_start3A] : memref<2x2560x128xi32, #tpu.memory_space<hbm>> -> memref<1x40x128xi32, #tpu.memory_space<hbm>>
      %dma_start3A_42 = tpu.memref_squeeze %dma_start3A_41 : memref<1x40x128xi32, #tpu.memory_space<hbm>> -> memref<40x128xi32, #tpu.memory_space<hbm>>
      %dma_start3A_43 = arith.constant 0 : i32
      %dma_start3A_44 = tpu.memref_slice %arg3[%run_scoped3A_23, %add3A_22, %dma_start3A_43] : memref<2x2560x128xi32, #tpu.memory_space<hbm>> -> memref<1x40x128xi32, #tpu.memory_space<hbm>>
      %dma_start3A_45 = tpu.memref_squeeze %dma_start3A_44 : memref<1x40x128xi32, #tpu.memory_space<hbm>> -> memref<40x128xi32, #tpu.memory_space<hbm>>
      tpu.enqueue_dma source(%dma_start3A_45 : memref<40x128xi32, #tpu.memory_space<hbm>>) target(%arg7 : memref<40x128xi32, #tpu.memory_space<vmem>>) target_semaphore(%run_scoped3A_40 : memref<!tpu.dma_semaphore, #tpu.memory_space<semaphore_mem>>)
      %dma_wait3A = arith.constant 0 : i32
      %dma_wait3A_46 = tpu.memref_slice %arg3[%run_scoped3A_23, %add3A_22, %dma_wait3A] : memref<2x2560x128xi32, #tpu.memory_space<hbm>> -> memref<1x40x128xi32, #tpu.memory_space<hbm>>
      %dma_wait3A_47 = tpu.memref_squeeze %dma_wait3A_46 : memref<1x40x128xi32, #tpu.memory_space<hbm>> -> memref<40x128xi32, #tpu.memory_space<hbm>>
      %dma_wait3A_48 = arith.constant 0 : i32
      %dma_wait3A_49 = tpu.memref_slice %arg3[%run_scoped3A_23, %add3A_22, %dma_wait3A_48] : memref<2x2560x128xi32, #tpu.memory_space<hbm>> -> memref<1x40x128xi32, #tpu.memory_space<hbm>>
      %dma_wait3A_50 = tpu.memref_squeeze %dma_wait3A_49 : memref<1x40x128xi32, #tpu.memory_space<hbm>> -> memref<40x128xi32, #tpu.memory_space<hbm>>
      tpu.wait_dma2 semaphore(%run_scoped3A_40 : memref<!tpu.dma_semaphore, #tpu.memory_space<semaphore_mem>>) src(%dma_wait3A_50 : memref<40x128xi32, #tpu.memory_space<hbm>>) dst(%arg7 : memref<40x128xi32, #tpu.memory_space<vmem>>)
      tpu.yield
    }) : () -> ()
    %scan3A_24 = arith.constant 0 : i32
    %scan3A_25 = arith.constant 20 : i32
    %scan3A_26 = arith.addi %scan3A_24, %scan3A_25 : i32
    %scan3A_27 = arith.constant 1 : i32
    scf.for %scan3A_40 = %scan3A_24 to %scan3A_26 step %scan3A_27  : i32 {
      %mul3A_41 = arith.constant 2 : i32
      %mul3A_42 = arith.muli %scan3A_40, %mul3A_41 : i32
      %add3A_43 = arith.constant 0 : i32
      %add3A_44 = arith.addi %add3A_43, %mul3A_42 : i32
      %add3A_45 = arith.constant 0 : i32
      %add3A_46 = arith.addi %add3A_44, %add3A_45 : i32
      %dma_start3A = arith.constant 0 : i32
      %dma_start3A_47 = arith.constant 0 : i32
      %dma_start3A_48 = arith.constant 0 : i32
      %dma_start3A_49 = tpu.memref_slice %arg8[%dma_start3A, %dma_start3A_47, %dma_start3A_48] : memref<2x128x128xf32, #tpu.memory_space<vmem>> -> memref<1x64x128xf32, #tpu.memory_space<vmem>>
      %dma_start3A_50 = tpu.memref_squeeze %dma_start3A_49 : memref<1x64x128xf32, #tpu.memory_space<vmem>> -> memref<64x128xf32, #tpu.memory_space<vmem>>
      %dma_start3A_51 = arith.constant 0 : i32
      %dma_start3A_52 = tpu.memref_slice %arg6[%add3A_46, %dma_start3A_51] : memref<40x128xi32, #tpu.memory_space<vmem>> -> memref<1x64xi32, #tpu.memory_space<vmem>>
      %dma_start3A_53 = tpu.memref_squeeze %dma_start3A_52 : memref<1x64xi32, #tpu.memory_space<vmem>> -> memref<64xi32, #tpu.memory_space<vmem>>
      %dma_start3A_54 = arith.constant 0 : i32
      %dma_start3A_55 = arith.constant 0 : i32
      %dma_start3A_56 = tpu.memref_slice %arg13[%dma_start3A_54, %dma_start3A_55] : memref<10008x128xf32, #tpu.memory_space<vmem_shared>> -> memref<10008x128xf32, #tpu.memory_space<vmem_shared>>
      tpu.enqueue_indirect_dma source(%dma_start3A_56 : memref<10008x128xf32, #tpu.memory_space<vmem_shared>>) target(%dma_start3A_50 : memref<64x128xf32, #tpu.memory_space<vmem>>) offsets(%dma_start3A_53 : memref<64xi32, #tpu.memory_space<vmem>>) semaphore(%arg9 : memref<!tpu.dma_semaphore, #tpu.memory_space<semaphore_mem>>)
      %add3A_57 = arith.constant 0 : i32
      %add3A_58 = arith.addi %add3A_44, %add3A_57 : i32
      %dma_start3A_59 = arith.constant 0 : i32
      %dma_start3A_60 = arith.constant 64 : i32
      %dma_start3A_61 = arith.constant 0 : i32
      %dma_start3A_62 = tpu.memref_slice %arg8[%dma_start3A_59, %dma_start3A_60, %dma_start3A_61] : memref<2x128x128xf32, #tpu.memory_space<vmem>> -> memref<1x64x128xf32, #tpu.memory_space<vmem>>
      %dma_start3A_63 = tpu.memref_squeeze %dma_start3A_62 : memref<1x64x128xf32, #tpu.memory_space<vmem>> -> memref<64x128xf32, #tpu.memory_space<vmem>>
      %dma_start3A_64 = arith.constant 64 : i32
      %dma_start3A_65 = tpu.memref_slice %arg6[%add3A_58, %dma_start3A_64] : memref<40x128xi32, #tpu.memory_space<vmem>> -> memref<1x64xi32, #tpu.memory_space<vmem>>
      %dma_start3A_66 = tpu.memref_squeeze %dma_start3A_65 : memref<1x64xi32, #tpu.memory_space<vmem>> -> memref<64xi32, #tpu.memory_space<vmem>>
      %dma_start3A_67 = arith.constant 0 : i32
      %dma_start3A_68 = arith.constant 0 : i32
      %dma_start3A_69 = tpu.memref_slice %arg13[%dma_start3A_67, %dma_start3A_68] : memref<10008x128xf32, #tpu.memory_space<vmem_shared>> -> memref<10008x128xf32, #tpu.memory_space<vmem_shared>>
      tpu.enqueue_indirect_dma source(%dma_start3A_69 : memref<10008x128xf32, #tpu.memory_space<vmem_shared>>) target(%dma_start3A_63 : memref<64x128xf32, #tpu.memory_space<vmem>>) offsets(%dma_start3A_66 : memref<64xi32, #tpu.memory_space<vmem>>) semaphore(%arg9 : memref<!tpu.dma_semaphore, #tpu.memory_space<semaphore_mem>>)
      %add3A_70 = arith.constant 1 : i32
      %add3A_71 = arith.addi %add3A_44, %add3A_70 : i32
      %dma_start3A_72 = arith.constant 1 : i32
      %dma_start3A_73 = arith.constant 0 : i32
      %dma_start3A_74 = arith.constant 0 : i32
      %dma_start3A_75 = tpu.memref_slice %arg8[%dma_start3A_72, %dma_start3A_73, %dma_start3A_74] : memref<2x128x128xf32, #tpu.memory_space<vmem>> -> memref<1x64x128xf32, #tpu.memory_space<vmem>>
      %dma_start3A_76 = tpu.memref_squeeze %dma_start3A_75 : memref<1x64x128xf32, #tpu.memory_space<vmem>> -> memref<64x128xf32, #tpu.memory_space<vmem>>
      %dma_start3A_77 = arith.constant 0 : i32
      %dma_start3A_78 = tpu.memref_slice %arg6[%add3A_71, %dma_start3A_77] : memref<40x128xi32, #tpu.memory_space<vmem>> -> memref<1x64xi32, #tpu.memory_space<vmem>>
      %dma_start3A_79 = tpu.memref_squeeze %dma_start3A_78 : memref<1x64xi32, #tpu.memory_space<vmem>> -> memref<64xi32, #tpu.memory_space<vmem>>
      %dma_start3A_80 = arith.constant 0 : i32
      %dma_start3A_81 = arith.constant 0 : i32
      %dma_start3A_82 = tpu.memref_slice %arg13[%dma_start3A_80, %dma_start3A_81] : memref<10008x128xf32, #tpu.memory_space<vmem_shared>> -> memref<10008x128xf32, #tpu.memory_space<vmem_shared>>
      tpu.enqueue_indirect_dma source(%dma_start3A_82 : memref<10008x128xf32, #tpu.memory_space<vmem_shared>>) target(%dma_start3A_76 : memref<64x128xf32, #tpu.memory_space<vmem>>) offsets(%dma_start3A_79 : memref<64xi32, #tpu.memory_space<vmem>>) semaphore(%arg10 : memref<!tpu.dma_semaphore, #tpu.memory_space<semaphore_mem>>)
      %add3A_83 = arith.constant 1 : i32
      %add3A_84 = arith.addi %add3A_44, %add3A_83 : i32
      %dma_start3A_85 = arith.constant 1 : i32
      %dma_start3A_86 = arith.constant 64 : i32
      %dma_start3A_87 = arith.constant 0 : i32
      %dma_start3A_88 = tpu.memref_slice %arg8[%dma_start3A_85, %dma_start3A_86, %dma_start3A_87] : memref<2x128x128xf32, #tpu.memory_space<vmem>> -> memref<1x64x128xf32, #tpu.memory_space<vmem>>
      %dma_start3A_89 = tpu.memref_squeeze %dma_start3A_88 : memref<1x64x128xf32, #tpu.memory_space<vmem>> -> memref<64x128xf32, #tpu.memory_space<vmem>>
      %dma_start3A_90 = arith.constant 64 : i32
      %dma_start3A_91 = tpu.memref_slice %arg6[%add3A_84, %dma_start3A_90] : memref<40x128xi32, #tpu.memory_space<vmem>> -> memref<1x64xi32, #tpu.memory_space<vmem>>
      %dma_start3A_92 = tpu.memref_squeeze %dma_start3A_91 : memref<1x64xi32, #tpu.memory_space<vmem>> -> memref<64xi32, #tpu.memory_space<vmem>>
      %dma_start3A_93 = arith.constant 0 : i32
      %dma_start3A_94 = arith.constant 0 : i32
      %dma_start3A_95 = tpu.memref_slice %arg13[%dma_start3A_93, %dma_start3A_94] : memref<10008x128xf32, #tpu.memory_space<vmem_shared>> -> memref<10008x128xf32, #tpu.memory_space<vmem_shared>>
      tpu.enqueue_indirect_dma source(%dma_start3A_95 : memref<10008x128xf32, #tpu.memory_space<vmem_shared>>) target(%dma_start3A_89 : memref<64x128xf32, #tpu.memory_space<vmem>>) offsets(%dma_start3A_92 : memref<64xi32, #tpu.memory_space<vmem>>) semaphore(%arg10 : memref<!tpu.dma_semaphore, #tpu.memory_space<semaphore_mem>>)
      %dma_wait3A = arith.constant 0 : i32
      %dma_wait3A_96 = arith.constant 0 : i32
      %dma_wait3A_97 = arith.constant 0 : i32
      %dma_wait3A_98 = tpu.memref_slice %arg8[%dma_wait3A, %dma_wait3A_96, %dma_wait3A_97] : memref<2x128x128xf32, #tpu.memory_space<vmem>> -> memref<1x64x128xf32, #tpu.memory_space<vmem>>
      %dma_wait3A_99 = tpu.memref_squeeze %dma_wait3A_98 : memref<1x64x128xf32, #tpu.memory_space<vmem>> -> memref<64x128xf32, #tpu.memory_space<vmem>>
      %dma_wait3A_100 = arith.constant 0 : i32
      %dma_wait3A_101 = tpu.memref_slice %arg6[%add3A_46, %dma_wait3A_100] : memref<40x128xi32, #tpu.memory_space<vmem>> -> memref<1x64xi32, #tpu.memory_space<vmem>>
      %dma_wait3A_102 = tpu.memref_squeeze %dma_wait3A_101 : memref<1x64xi32, #tpu.memory_space<vmem>> -> memref<64xi32, #tpu.memory_space<vmem>>
      %dma_wait3A_103 = arith.constant 0 : i32
      %dma_wait3A_104 = arith.constant 0 : i32
      %dma_wait3A_105 = tpu.memref_slice %arg13[%dma_wait3A_103, %dma_wait3A_104] : memref<10008x128xf32, #tpu.memory_space<vmem_shared>> -> memref<10008x128xf32, #tpu.memory_space<vmem_shared>>
      tpu.wait_indirect_dma semaphore(%arg9 : memref<!tpu.dma_semaphore, #tpu.memory_space<semaphore_mem>>) src(%dma_wait3A_105 : memref<10008x128xf32, #tpu.memory_space<vmem_shared>>) dst(%dma_wait3A_99 : memref<64x128xf32, #tpu.memory_space<vmem>>)
      %dma_wait3A_106 = arith.constant 0 : i32
      %dma_wait3A_107 = arith.constant 64 : i32
      %dma_wait3A_108 = arith.constant 0 : i32
      %dma_wait3A_109 = tpu.memref_slice %arg8[%dma_wait3A_106, %dma_wait3A_107, %dma_wait3A_108] : memref<2x128x128xf32, #tpu.memory_space<vmem>> -> memref<1x64x128xf32, #tpu.memory_space<vmem>>
      %dma_wait3A_110 = tpu.memref_squeeze %dma_wait3A_109 : memref<1x64x128xf32, #tpu.memory_space<vmem>> -> memref<64x128xf32, #tpu.memory_space<vmem>>
      %dma_wait3A_111 = arith.constant 64 : i32
      %dma_wait3A_112 = tpu.memref_slice %arg6[%add3A_58, %dma_wait3A_111] : memref<40x128xi32, #tpu.memory_space<vmem>> -> memref<1x64xi32, #tpu.memory_space<vmem>>
      %dma_wait3A_113 = tpu.memref_squeeze %dma_wait3A_112 : memref<1x64xi32, #tpu.memory_space<vmem>> -> memref<64xi32, #tpu.memory_space<vmem>>
      %dma_wait3A_114 = arith.constant 0 : i32
      %dma_wait3A_115 = arith.constant 0 : i32
      %dma_wait3A_116 = tpu.memref_slice %arg13[%dma_wait3A_114, %dma_wait3A_115] : memref<10008x128xf32, #tpu.memory_space<vmem_shared>> -> memref<10008x128xf32, #tpu.memory_space<vmem_shared>>
      tpu.wait_indirect_dma semaphore(%arg9 : memref<!tpu.dma_semaphore, #tpu.memory_space<semaphore_mem>>) src(%dma_wait3A_116 : memref<10008x128xf32, #tpu.memory_space<vmem_shared>>) dst(%dma_wait3A_110 : memref<64x128xf32, #tpu.memory_space<vmem>>)
      %add3A_117 = arith.constant 0 : i32
      %add3A_118 = arith.addi %add3A_44, %add3A_117 : i32
      %dma_start3A_119 = arith.constant 0 : i32
      %dma_start3A_120 = arith.constant 0 : i32
      %dma_start3A_121 = arith.constant 0 : i32
      %dma_start3A_122 = tpu.memref_slice %arg8[%dma_start3A_119, %dma_start3A_120, %dma_start3A_121] : memref<2x128x128xf32, #tpu.memory_space<vmem>> -> memref<1x128x128xf32, #tpu.memory_space<vmem>>
      %dma_start3A_123 = tpu.memref_squeeze %dma_start3A_122 : memref<1x128x128xf32, #tpu.memory_space<vmem>> -> memref<128x128xf32, #tpu.memory_space<vmem>>
      %dma_start3A_124 = arith.constant 0 : i32
      %dma_start3A_125 = tpu.memref_slice %arg7[%add3A_118, %dma_start3A_124] : memref<40x128xi32, #tpu.memory_space<vmem>> -> memref<1x128xi32, #tpu.memory_space<vmem>>
      %dma_start3A_126 = tpu.memref_squeeze %dma_start3A_125 : memref<1x128xi32, #tpu.memory_space<vmem>> -> memref<128xi32, #tpu.memory_space<vmem>>
      %dma_start3A_127 = arith.constant 0 : i32
      %dma_start3A_128 = arith.constant 0 : i32
      %dma_start3A_129 = tpu.memref_slice %arg13[%dma_start3A_127, %dma_start3A_128] : memref<10008x128xf32, #tpu.memory_space<vmem_shared>> -> memref<10008x128xf32, #tpu.memory_space<vmem_shared>>
      tpu.enqueue_indirect_dma source(%dma_start3A_123 : memref<128x128xf32, #tpu.memory_space<vmem>>) target(%dma_start3A_129 : memref<10008x128xf32, #tpu.memory_space<vmem_shared>>) offsets(%dma_start3A_126 : memref<128xi32, #tpu.memory_space<vmem>>) semaphore(%arg11 : memref<!tpu.dma_semaphore, #tpu.memory_space<semaphore_mem>>) {add = true}
      %dma_wait3A_130 = arith.constant 1 : i32
      %dma_wait3A_131 = arith.constant 0 : i32
      %dma_wait3A_132 = arith.constant 0 : i32
      %dma_wait3A_133 = tpu.memref_slice %arg8[%dma_wait3A_130, %dma_wait3A_131, %dma_wait3A_132] : memref<2x128x128xf32, #tpu.memory_space<vmem>> -> memref<1x64x128xf32, #tpu.memory_space<vmem>>
      %dma_wait3A_134 = tpu.memref_squeeze %dma_wait3A_133 : memref<1x64x128xf32, #tpu.memory_space<vmem>> -> memref<64x128xf32, #tpu.memory_space<vmem>>
      %dma_wait3A_135 = arith.constant 0 : i32
      %dma_wait3A_136 = tpu.memref_slice %arg6[%add3A_71, %dma_wait3A_135] : memref<40x128xi32, #tpu.memory_space<vmem>> -> memref<1x64xi32, #tpu.memory_space<vmem>>
      %dma_wait3A_137 = tpu.memref_squeeze %dma_wait3A_136 : memref<1x64xi32, #tpu.memory_space<vmem>> -> memref<64xi32, #tpu.memory_space<vmem>>
      %dma_wait3A_138 = arith.constant 0 : i32
      %dma_wait3A_139 = arith.constant 0 : i32
      %dma_wait3A_140 = tpu.memref_slice %arg13[%dma_wait3A_138, %dma_wait3A_139] : memref<10008x128xf32, #tpu.memory_space<vmem_shared>> -> memref<10008x128xf32, #tpu.memory_space<vmem_shared>>
      tpu.wait_indirect_dma semaphore(%arg10 : memref<!tpu.dma_semaphore, #tpu.memory_space<semaphore_mem>>) src(%dma_wait3A_140 : memref<10008x128xf32, #tpu.memory_space<vmem_shared>>) dst(%dma_wait3A_134 : memref<64x128xf32, #tpu.memory_space<vmem>>)
      %dma_wait3A_141 = arith.constant 1 : i32
      %dma_wait3A_142 = arith.constant 64 : i32
      %dma_wait3A_143 = arith.constant 0 : i32
      %dma_wait3A_144 = tpu.memref_slice %arg8[%dma_wait3A_141, %dma_wait3A_142, %dma_wait3A_143] : memref<2x128x128xf32, #tpu.memory_space<vmem>> -> memref<1x64x128xf32, #tpu.memory_space<vmem>>
      %dma_wait3A_145 = tpu.memref_squeeze %dma_wait3A_144 : memref<1x64x128xf32, #tpu.memory_space<vmem>> -> memref<64x128xf32, #tpu.memory_space<vmem>>
      %dma_wait3A_146 = arith.constant 64 : i32
      %dma_wait3A_147 = tpu.memref_slice %arg6[%add3A_84, %dma_wait3A_146] : memref<40x128xi32, #tpu.memory_space<vmem>> -> memref<1x64xi32, #tpu.memory_space<vmem>>
      %dma_wait3A_148 = tpu.memref_squeeze %dma_wait3A_147 : memref<1x64xi32, #tpu.memory_space<vmem>> -> memref<64xi32, #tpu.memory_space<vmem>>
      %dma_wait3A_149 = arith.constant 0 : i32
      %dma_wait3A_150 = arith.constant 0 : i32
      %dma_wait3A_151 = tpu.memref_slice %arg13[%dma_wait3A_149, %dma_wait3A_150] : memref<10008x128xf32, #tpu.memory_space<vmem_shared>> -> memref<10008x128xf32, #tpu.memory_space<vmem_shared>>
      tpu.wait_indirect_dma semaphore(%arg10 : memref<!tpu.dma_semaphore, #tpu.memory_space<semaphore_mem>>) src(%dma_wait3A_151 : memref<10008x128xf32, #tpu.memory_space<vmem_shared>>) dst(%dma_wait3A_145 : memref<64x128xf32, #tpu.memory_space<vmem>>)
      %add3A_152 = arith.constant 1 : i32
      %add3A_153 = arith.addi %add3A_44, %add3A_152 : i32
      %dma_start3A_154 = arith.constant 1 : i32
      %dma_start3A_155 = arith.constant 0 : i32
      %dma_start3A_156 = arith.constant 0 : i32
      %dma_start3A_157 = tpu.memref_slice %arg8[%dma_start3A_154, %dma_start3A_155, %dma_start3A_156] : memref<2x128x128xf32, #tpu.memory_space<vmem>> -> memref<1x128x128xf32, #tpu.memory_space<vmem>>
      %dma_start3A_158 = tpu.memref_squeeze %dma_start3A_157 : memref<1x128x128xf32, #tpu.memory_space<vmem>> -> memref<128x128xf32, #tpu.memory_space<vmem>>
      %dma_start3A_159 = arith.constant 0 : i32
      %dma_start3A_160 = tpu.memref_slice %arg7[%add3A_153, %dma_start3A_159] : memref<40x128xi32, #tpu.memory_space<vmem>> -> memref<1x128xi32, #tpu.memory_space<vmem>>
      %dma_start3A_161 = tpu.memref_squeeze %dma_start3A_160 : memref<1x128xi32, #tpu.memory_space<vmem>> -> memref<128xi32, #tpu.memory_space<vmem>>
      %dma_start3A_162 = arith.constant 0 : i32
      %dma_start3A_163 = arith.constant 0 : i32
      %dma_start3A_164 = tpu.memref_slice %arg13[%dma_start3A_162, %dma_start3A_163] : memref<10008x128xf32, #tpu.memory_space<vmem_shared>> -> memref<10008x128xf32, #tpu.memory_space<vmem_shared>>
      tpu.enqueue_indirect_dma source(%dma_start3A_158 : memref<128x128xf32, #tpu.memory_space<vmem>>) target(%dma_start3A_164 : memref<10008x128xf32, #tpu.memory_space<vmem_shared>>) offsets(%dma_start3A_161 : memref<128xi32, #tpu.memory_space<vmem>>) semaphore(%arg12 : memref<!tpu.dma_semaphore, #tpu.memory_space<semaphore_mem>>) {add = true}
      %dma_wait3A_165 = arith.constant 0 : i32
      %dma_wait3A_166 = arith.constant 0 : i32
      %dma_wait3A_167 = arith.constant 0 : i32
      %dma_wait3A_168 = tpu.memref_slice %arg8[%dma_wait3A_165, %dma_wait3A_166, %dma_wait3A_167] : memref<2x128x128xf32, #tpu.memory_space<vmem>> -> memref<1x128x128xf32, #tpu.memory_space<vmem>>
      %dma_wait3A_169 = tpu.memref_squeeze %dma_wait3A_168 : memref<1x128x128xf32, #tpu.memory_space<vmem>> -> memref<128x128xf32, #tpu.memory_space<vmem>>
      %dma_wait3A_170 = arith.constant 0 : i32
      %dma_wait3A_171 = tpu.memref_slice %arg7[%add3A_118, %dma_wait3A_170] : memref<40x128xi32, #tpu.memory_space<vmem>> -> memref<1x128xi32, #tpu.memory_space<vmem>>
      %dma_wait3A_172 = tpu.memref_squeeze %dma_wait3A_171 : memref<1x128xi32, #tpu.memory_space<vmem>> -> memref<128xi32, #tpu.memory_space<vmem>>
      %dma_wait3A_173 = arith.constant 0 : i32
      %dma_wait3A_174 = arith.constant 0 : i32
      %dma_wait3A_175 = tpu.memref_slice %arg13[%dma_wait3A_173, %dma_wait3A_174] : memref<10008x128xf32, #tpu.memory_space<vmem_shared>> -> memref<10008x128xf32, #tpu.memory_space<vmem_shared>>
      tpu.wait_indirect_dma semaphore(%arg11 : memref<!tpu.dma_semaphore, #tpu.memory_space<semaphore_mem>>) src(%dma_wait3A_169 : memref<128x128xf32, #tpu.memory_space<vmem>>) dst(%dma_wait3A_175 : memref<10008x128xf32, #tpu.memory_space<vmem_shared>>)
      %dma_wait3A_176 = arith.constant 1 : i32
      %dma_wait3A_177 = arith.constant 0 : i32
      %dma_wait3A_178 = arith.constant 0 : i32
      %dma_wait3A_179 = tpu.memref_slice %arg8[%dma_wait3A_176, %dma_wait3A_177, %dma_wait3A_178] : memref<2x128x128xf32, #tpu.memory_space<vmem>> -> memref<1x128x128xf32, #tpu.memory_space<vmem>>
      %dma_wait3A_180 = tpu.memref_squeeze %dma_wait3A_179 : memref<1x128x128xf32, #tpu.memory_space<vmem>> -> memref<128x128xf32, #tpu.memory_space<vmem>>
      %dma_wait3A_181 = arith.constant 0 : i32
      %dma_wait3A_182 = tpu.memref_slice %arg7[%add3A_153, %dma_wait3A_181] : memref<40x128xi32, #tpu.memory_space<vmem>> -> memref<1x128xi32, #tpu.memory_space<vmem>>
      %dma_wait3A_183 = tpu.memref_squeeze %dma_wait3A_182 : memref<1x128xi32, #tpu.memory_space<vmem>> -> memref<128xi32, #tpu.memory_space<vmem>>
      %dma_wait3A_184 = arith.constant 0 : i32
      %dma_wait3A_185 = arith.constant 0 : i32
      %dma_wait3A_186 = tpu.memref_slice %arg13[%dma_wait3A_184, %dma_wait3A_185] : memref<10008x128xf32, #tpu.memory_space<vmem_shared>> -> memref<10008x128xf32, #tpu.memory_space<vmem_shared>>
      tpu.wait_indirect_dma semaphore(%arg12 : memref<!tpu.dma_semaphore, #tpu.memory_space<semaphore_mem>>) src(%dma_wait3A_180 : memref<128x128xf32, #tpu.memory_space<vmem>>) dst(%dma_wait3A_186 : memref<10008x128xf32, #tpu.memory_space<vmem_shared>>)
    }
    %scan3A_28 = arith.constant 20 : i32
    %barrier3A_29 = arith.constant 0 : index
    tpu.barrier barrier_id(%barrier3A_29)
    %lt3A_30 = arith.constant 15 : i32
    %lt3A_31 = arith.cmpi slt, %arg1, %lt3A_30 : i32
    %convert_element_type3A_32 = arith.extui %lt3A_31 : i1 to i32
    %cond3A_33 = arith.constant 0 : i32
    %cond3A_34 = arith.cmpi ne, %convert_element_type3A_32, %cond3A_33 : i32
    scf.if %cond3A_34 {
      %mul3A_40 = arith.constant 632 : i32
      %mul3A_41 = arith.muli %arg1, %mul3A_40 : i32
      %multiple_of3A_42 = tpu.assume_multiple %mul3A_41, 8 : i32
      "tpu.region"() ({
        %run_scoped3A_43 = tpu.sem_alloc : memref<!tpu.dma_semaphore, #tpu.memory_space<semaphore_mem>>
        %dma_start3A = arith.constant 0 : i32
        %dma_start3A_44 = tpu.memref_slice %arg5[%arg0, %multiple_of3A_42, %dma_start3A] : memref<2x10000x128xf32, #tpu.memory_space<hbm>> -> memref<1x632x128xf32, #tpu.memory_space<hbm>>
        %dma_start3A_45 = tpu.memref_squeeze %dma_start3A_44 : memref<1x632x128xf32, #tpu.memory_space<hbm>> -> memref<632x128xf32, #tpu.memory_space<hbm>>
        %dma_start3A_46 = arith.constant 0 : i32
        %dma_start3A_47 = tpu.memref_slice %arg13[%multiple_of3A_42, %dma_start3A_46] : memref<10008x128xf32, #tpu.memory_space<vmem_shared>> -> memref<632x128xf32, #tpu.memory_space<vmem_shared>>
        tpu.enqueue_dma source(%dma_start3A_47 : memref<632x128xf32, #tpu.memory_space<vmem_shared>>) target(%dma_start3A_45 : memref<632x128xf32, #tpu.memory_space<hbm>>) target_semaphore(%run_scoped3A_43 : memref<!tpu.dma_semaphore, #tpu.memory_space<semaphore_mem>>)
        %dma_wait3A = arith.constant 0 : i32
        %dma_wait3A_48 = tpu.memref_slice %arg5[%arg0, %multiple_of3A_42, %dma_wait3A] : memref<2x10000x128xf32, #tpu.memory_space<hbm>> -> memref<1x632x128xf32, #tpu.memory_space<hbm>>
        %dma_wait3A_49 = tpu.memref_squeeze %dma_wait3A_48 : memref<1x632x128xf32, #tpu.memory_space<hbm>> -> memref<632x128xf32, #tpu.memory_space<hbm>>
        %dma_wait3A_50 = arith.constant 0 : i32
        %dma_wait3A_51 = tpu.memref_slice %arg13[%multiple_of3A_42, %dma_wait3A_50] : memref<10008x128xf32, #tpu.memory_space<vmem_shared>> -> memref<632x128xf32, #tpu.memory_space<vmem_shared>>
        tpu.wait_dma2 semaphore(%run_scoped3A_43 : memref<!tpu.dma_semaphore, #tpu.memory_space<semaphore_mem>>) src(%dma_wait3A_51 : memref<632x128xf32, #tpu.memory_space<vmem_shared>>) dst(%dma_wait3A_49 : memref<632x128xf32, #tpu.memory_space<hbm>>)
        tpu.yield
      }) : () -> ()
    } else {
    }
    %eq3A_35 = arith.constant 15 : i32
    %eq3A_36 = arith.cmpi eq, %arg1, %eq3A_35 : i32
    %convert_element_type3A_37 = arith.extui %eq3A_36 : i1 to i32
    %cond3A_38 = arith.constant 0 : i32
    %cond3A_39 = arith.cmpi ne, %convert_element_type3A_37, %cond3A_38 : i32
    scf.if %cond3A_39 {
      "tpu.region"() ({
        %run_scoped3A_40 = tpu.sem_alloc : memref<!tpu.dma_semaphore, #tpu.memory_space<semaphore_mem>>
        %dma_start3A = arith.constant 9480 : i32
        %dma_start3A_41 = arith.constant 0 : i32
        %dma_start3A_42 = tpu.memref_slice %arg5[%arg0, %dma_start3A, %dma_start3A_41] : memref<2x10000x128xf32, #tpu.memory_space<hbm>> -> memref<1x520x128xf32, #tpu.memory_space<hbm>>
        %dma_start3A_43 = tpu.memref_squeeze %dma_start3A_42 : memref<1x520x128xf32, #tpu.memory_space<hbm>> -> memref<520x128xf32, #tpu.memory_space<hbm>>
        %dma_start3A_44 = arith.constant 9480 : i32
        %dma_start3A_45 = arith.constant 0 : i32
        %dma_start3A_46 = tpu.memref_slice %arg13[%dma_start3A_44, %dma_start3A_45] : memref<10008x128xf32, #tpu.memory_space<vmem_shared>> -> memref<520x128xf32, #tpu.memory_space<vmem_shared>>
        tpu.enqueue_dma source(%dma_start3A_46 : memref<520x128xf32, #tpu.memory_space<vmem_shared>>) target(%dma_start3A_43 : memref<520x128xf32, #tpu.memory_space<hbm>>) target_semaphore(%run_scoped3A_40 : memref<!tpu.dma_semaphore, #tpu.memory_space<semaphore_mem>>)
        %dma_wait3A = arith.constant 9480 : i32
        %dma_wait3A_47 = arith.constant 0 : i32
        %dma_wait3A_48 = tpu.memref_slice %arg5[%arg0, %dma_wait3A, %dma_wait3A_47] : memref<2x10000x128xf32, #tpu.memory_space<hbm>> -> memref<1x520x128xf32, #tpu.memory_space<hbm>>
        %dma_wait3A_49 = tpu.memref_squeeze %dma_wait3A_48 : memref<1x520x128xf32, #tpu.memory_space<hbm>> -> memref<520x128xf32, #tpu.memory_space<hbm>>
        %dma_wait3A_50 = arith.constant 9480 : i32
        %dma_wait3A_51 = arith.constant 0 : i32
        %dma_wait3A_52 = tpu.memref_slice %arg13[%dma_wait3A_50, %dma_wait3A_51] : memref<10008x128xf32, #tpu.memory_space<vmem_shared>> -> memref<520x128xf32, #tpu.memory_space<vmem_shared>>
        tpu.wait_dma2 semaphore(%run_scoped3A_40 : memref<!tpu.dma_semaphore, #tpu.memory_space<semaphore_mem>>) src(%dma_wait3A_52 : memref<520x128xf32, #tpu.memory_space<vmem_shared>>) dst(%dma_wait3A_49 : memref<520x128xf32, #tpu.memory_space<hbm>>)
        tpu.yield
      }) : () -> ()
    } else {
    }
    return
  }
}

#map = affine_map<(d0, d1) -> (0, 0)>
#map1 = affine_map<(d0, d1) -> (0, 0, 0)>
module attributes {stable_mosaic.version = 14 : i64} {
  func.func @_agg_body(%arg0: i32, %arg1: i32, %arg2: memref<10000x128xf32, #tpu.memory_space<hbm>>, %arg3: memref<2x2560x128xi32, #tpu.memory_space<hbm>>, %arg4: memref<10000x128xf32, #tpu.memory_space<hbm>>, %arg5: memref<2x10000x128xf32, #tpu.memory_space<hbm>>, %arg6: memref<40x128xi32, #tpu.memory_space<vmem>>, %arg7: memref<40x128xi32, #tpu.memory_space<vmem>>, %arg8: memref<2x128x128xf32, #tpu.memory_space<vmem>>, %arg9: memref<!tpu.dma_semaphore, #tpu.memory_space<semaphore_mem>>, %arg10: memref<!tpu.dma_semaphore, #tpu.memory_space<semaphore_mem>>, %arg11: memref<!tpu.dma_semaphore, #tpu.memory_space<semaphore_mem>>, %arg12: memref<!tpu.dma_semaphore, #tpu.memory_space<semaphore_mem>>, %arg13: memref<10008x128xf32, #tpu.memory_space<vmem_shared>>) attributes {dimension_semantics = [#tpu.dimension_semantics<core_parallel>, #tpu.dimension_semantics<subcore_parallel>], iteration_bounds = array<i64: 2, 16>, scalar_prefetch = 0 : i64, scratch_operands = 8 : i64, tpu.core_type = #tpu.core_type<sc_vector_subcore>, window_params = [{transform_indices = #map}, {transform_indices = #map1}, {transform_indices = #map}, {transform_indices = #map1}]} {
    %mul3A = arith.constant 2 : i32
    %mul3A_0 = arith.muli %arg1, %mul3A : i32
    %add3A = arith.addi %mul3A_0, %arg0 : i32
    %mul3A_1 = arith.constant 80 : i32
    %mul3A_2 = arith.muli %add3A, %mul3A_1 : i32
    %multiple_of3A = tpu.assume_multiple %mul3A_2, 8 : i32
    %lt3A = arith.constant 15 : i32
    %lt3A_3 = arith.cmpi slt, %arg1, %lt3A : i32
    %convert_element_type3A = arith.extui %lt3A_3 : i1 to i32
    %cond3A = arith.constant 0 : i32
    %cond3A_4 = arith.cmpi ne, %convert_element_type3A, %cond3A : i32
    scf.if %cond3A_4 {
      %mul3A_40 = arith.constant 632 : i32
      %mul3A_41 = arith.muli %arg1, %mul3A_40 : i32
      %multiple_of3A_42 = tpu.assume_multiple %mul3A_41, 8 : i32
      "tpu.region"() ({
        %run_scoped3A_43 = tpu.sem_alloc : memref<!tpu.dma_semaphore, #tpu.memory_space<semaphore_mem>>
        %dma_start3A = arith.constant 0 : i32
        %dma_start3A_44 = tpu.memref_slice %arg13[%multiple_of3A_42, %dma_start3A] : memref<10008x128xf32, #tpu.memory_space<vmem_shared>> -> memref<632x128xf32, #tpu.memory_space<vmem_shared>>
        %dma_start3A_45 = arith.constant 0 : i32
        %dma_start3A_46 = tpu.memref_slice %arg4[%multiple_of3A_42, %dma_start3A_45] : memref<10000x128xf32, #tpu.memory_space<hbm>> -> memref<632x128xf32, #tpu.memory_space<hbm>>
        tpu.enqueue_dma source(%dma_start3A_46 : memref<632x128xf32, #tpu.memory_space<hbm>>) target(%dma_start3A_44 : memref<632x128xf32, #tpu.memory_space<vmem_shared>>) target_semaphore(%run_scoped3A_43 : memref<!tpu.dma_semaphore, #tpu.memory_space<semaphore_mem>>)
        %dma_wait3A = arith.constant 0 : i32
        %dma_wait3A_47 = tpu.memref_slice %arg13[%multiple_of3A_42, %dma_wait3A] : memref<10008x128xf32, #tpu.memory_space<vmem_shared>> -> memref<632x128xf32, #tpu.memory_space<vmem_shared>>
        %dma_wait3A_48 = arith.constant 0 : i32
        %dma_wait3A_49 = tpu.memref_slice %arg4[%multiple_of3A_42, %dma_wait3A_48] : memref<10000x128xf32, #tpu.memory_space<hbm>> -> memref<632x128xf32, #tpu.memory_space<hbm>>
        tpu.wait_dma2 semaphore(%run_scoped3A_43 : memref<!tpu.dma_semaphore, #tpu.memory_space<semaphore_mem>>) src(%dma_wait3A_49 : memref<632x128xf32, #tpu.memory_space<hbm>>) dst(%dma_wait3A_47 : memref<632x128xf32, #tpu.memory_space<vmem_shared>>)
        tpu.yield
      }) : () -> ()
    } else {
    }
    %eq3A = arith.constant 15 : i32
    %eq3A_5 = arith.cmpi eq, %arg1, %eq3A : i32
    %convert_element_type3A_6 = arith.extui %eq3A_5 : i1 to i32
    %cond3A_7 = arith.constant 0 : i32
    %cond3A_8 = arith.cmpi ne, %convert_element_type3A_6, %cond3A_7 : i32
    scf.if %cond3A_8 {
      "tpu.region"() ({
        %run_scoped3A_40 = tpu.sem_alloc : memref<!tpu.dma_semaphore, #tpu.memory_space<semaphore_mem>>
        %dma_start3A = arith.constant 9480 : i32
        %dma_start3A_41 = arith.constant 0 : i32
        %dma_start3A_42 = tpu.memref_slice %arg13[%dma_start3A, %dma_start3A_41] : memref<10008x128xf32, #tpu.memory_space<vmem_shared>> -> memref<520x128xf32, #tpu.memory_space<vmem_shared>>
        %dma_start3A_43 = arith.constant 9480 : i32
        %dma_start3A_44 = arith.constant 0 : i32
        %dma_start3A_45 = tpu.memref_slice %arg4[%dma_start3A_43, %dma_start3A_44] : memref<10000x128xf32, #tpu.memory_space<hbm>> -> memref<520x128xf32, #tpu.memory_space<hbm>>
        tpu.enqueue_dma source(%dma_start3A_45 : memref<520x128xf32, #tpu.memory_space<hbm>>) target(%dma_start3A_42 : memref<520x128xf32, #tpu.memory_space<vmem_shared>>) target_semaphore(%run_scoped3A_40 : memref<!tpu.dma_semaphore, #tpu.memory_space<semaphore_mem>>)
        %dma_wait3A = arith.constant 9480 : i32
        %dma_wait3A_46 = arith.constant 0 : i32
        %dma_wait3A_47 = tpu.memref_slice %arg13[%dma_wait3A, %dma_wait3A_46] : memref<10008x128xf32, #tpu.memory_space<vmem_shared>> -> memref<520x128xf32, #tpu.memory_space<vmem_shared>>
        %dma_wait3A_48 = arith.constant 9480 : i32
        %dma_wait3A_49 = arith.constant 0 : i32
        %dma_wait3A_50 = tpu.memref_slice %arg4[%dma_wait3A_48, %dma_wait3A_49] : memref<10000x128xf32, #tpu.memory_space<hbm>> -> memref<520x128xf32, #tpu.memory_space<hbm>>
        tpu.wait_dma2 semaphore(%run_scoped3A_40 : memref<!tpu.dma_semaphore, #tpu.memory_space<semaphore_mem>>) src(%dma_wait3A_50 : memref<520x128xf32, #tpu.memory_space<hbm>>) dst(%dma_wait3A_47 : memref<520x128xf32, #tpu.memory_space<vmem_shared>>)
        tpu.yield
      }) : () -> ()
    } else {
    }
    %barrier3A = arith.constant 0 : index
    tpu.barrier barrier_id(%barrier3A)
    %add3A_9 = arith.constant 0 : i32
    %add3A_10 = arith.addi %multiple_of3A, %add3A_9 : i32
    %run_scoped3A = arith.constant 0 : i32
    "tpu.region"() ({
      %run_scoped3A_40 = tpu.sem_alloc : memref<!tpu.dma_semaphore, #tpu.memory_space<semaphore_mem>>
      %dma_start3A = arith.constant 0 : i32
      %dma_start3A_41 = tpu.memref_slice %arg3[%run_scoped3A, %add3A_10, %dma_start3A] : memref<2x2560x128xi32, #tpu.memory_space<hbm>> -> memref<1x40x128xi32, #tpu.memory_space<hbm>>
      %dma_start3A_42 = tpu.memref_squeeze %dma_start3A_41 : memref<1x40x128xi32, #tpu.memory_space<hbm>> -> memref<40x128xi32, #tpu.memory_space<hbm>>
      %dma_start3A_43 = arith.constant 0 : i32
      %dma_start3A_44 = tpu.memref_slice %arg3[%run_scoped3A, %add3A_10, %dma_start3A_43] : memref<2x2560x128xi32, #tpu.memory_space<hbm>> -> memref<1x40x128xi32, #tpu.memory_space<hbm>>
      %dma_start3A_45 = tpu.memref_squeeze %dma_start3A_44 : memref<1x40x128xi32, #tpu.memory_space<hbm>> -> memref<40x128xi32, #tpu.memory_space<hbm>>
      tpu.enqueue_dma source(%dma_start3A_45 : memref<40x128xi32, #tpu.memory_space<hbm>>) target(%arg6 : memref<40x128xi32, #tpu.memory_space<vmem>>) target_semaphore(%run_scoped3A_40 : memref<!tpu.dma_semaphore, #tpu.memory_space<semaphore_mem>>)
      %dma_wait3A = arith.constant 0 : i32
      %dma_wait3A_46 = tpu.memref_slice %arg3[%run_scoped3A, %add3A_10, %dma_wait3A] : memref<2x2560x128xi32, #tpu.memory_space<hbm>> -> memref<1x40x128xi32, #tpu.memory_space<hbm>>
      %dma_wait3A_47 = tpu.memref_squeeze %dma_wait3A_46 : memref<1x40x128xi32, #tpu.memory_space<hbm>> -> memref<40x128xi32, #tpu.memory_space<hbm>>
      %dma_wait3A_48 = arith.constant 0 : i32
      %dma_wait3A_49 = tpu.memref_slice %arg3[%run_scoped3A, %add3A_10, %dma_wait3A_48] : memref<2x2560x128xi32, #tpu.memory_space<hbm>> -> memref<1x40x128xi32, #tpu.memory_space<hbm>>
      %dma_wait3A_50 = tpu.memref_squeeze %dma_wait3A_49 : memref<1x40x128xi32, #tpu.memory_space<hbm>> -> memref<40x128xi32, #tpu.memory_space<hbm>>
      tpu.wait_dma2 semaphore(%run_scoped3A_40 : memref<!tpu.dma_semaphore, #tpu.memory_space<semaphore_mem>>) src(%dma_wait3A_50 : memref<40x128xi32, #tpu.memory_space<hbm>>) dst(%arg6 : memref<40x128xi32, #tpu.memory_space<vmem>>)
      tpu.yield
    }) : () -> ()
    %add3A_11 = arith.constant 0 : i32
    %add3A_12 = arith.addi %multiple_of3A, %add3A_11 : i32
    %run_scoped3A_13 = arith.constant 1 : i32
    "tpu.region"() ({
      %run_scoped3A_40 = tpu.sem_alloc : memref<!tpu.dma_semaphore, #tpu.memory_space<semaphore_mem>>
      %dma_start3A = arith.constant 0 : i32
      %dma_start3A_41 = tpu.memref_slice %arg3[%run_scoped3A_13, %add3A_12, %dma_start3A] : memref<2x2560x128xi32, #tpu.memory_space<hbm>> -> memref<1x40x128xi32, #tpu.memory_space<hbm>>
      %dma_start3A_42 = tpu.memref_squeeze %dma_start3A_41 : memref<1x40x128xi32, #tpu.memory_space<hbm>> -> memref<40x128xi32, #tpu.memory_space<hbm>>
      %dma_start3A_43 = arith.constant 0 : i32
      %dma_start3A_44 = tpu.memref_slice %arg3[%run_scoped3A_13, %add3A_12, %dma_start3A_43] : memref<2x2560x128xi32, #tpu.memory_space<hbm>> -> memref<1x40x128xi32, #tpu.memory_space<hbm>>
      %dma_start3A_45 = tpu.memref_squeeze %dma_start3A_44 : memref<1x40x128xi32, #tpu.memory_space<hbm>> -> memref<40x128xi32, #tpu.memory_space<hbm>>
      tpu.enqueue_dma source(%dma_start3A_45 : memref<40x128xi32, #tpu.memory_space<hbm>>) target(%arg7 : memref<40x128xi32, #tpu.memory_space<vmem>>) target_semaphore(%run_scoped3A_40 : memref<!tpu.dma_semaphore, #tpu.memory_space<semaphore_mem>>)
      %dma_wait3A = arith.constant 0 : i32
      %dma_wait3A_46 = tpu.memref_slice %arg3[%run_scoped3A_13, %add3A_12, %dma_wait3A] : memref<2x2560x128xi32, #tpu.memory_space<hbm>> -> memref<1x40x128xi32, #tpu.memory_space<hbm>>
      %dma_wait3A_47 = tpu.memref_squeeze %dma_wait3A_46 : memref<1x40x128xi32, #tpu.memory_space<hbm>> -> memref<40x128xi32, #tpu.memory_space<hbm>>
      %dma_wait3A_48 = arith.constant 0 : i32
      %dma_wait3A_49 = tpu.memref_slice %arg3[%run_scoped3A_13, %add3A_12, %dma_wait3A_48] : memref<2x2560x128xi32, #tpu.memory_space<hbm>> -> memref<1x40x128xi32, #tpu.memory_space<hbm>>
      %dma_wait3A_50 = tpu.memref_squeeze %dma_wait3A_49 : memref<1x40x128xi32, #tpu.memory_space<hbm>> -> memref<40x128xi32, #tpu.memory_space<hbm>>
      tpu.wait_dma2 semaphore(%run_scoped3A_40 : memref<!tpu.dma_semaphore, #tpu.memory_space<semaphore_mem>>) src(%dma_wait3A_50 : memref<40x128xi32, #tpu.memory_space<hbm>>) dst(%arg7 : memref<40x128xi32, #tpu.memory_space<vmem>>)
      tpu.yield
    }) : () -> ()
    %scan3A = arith.constant 0 : i32
    %scan3A_14 = arith.constant 20 : i32
    %scan3A_15 = arith.addi %scan3A, %scan3A_14 : i32
    %scan3A_16 = arith.constant 1 : i32
    scf.for %scan3A_40 = %scan3A to %scan3A_15 step %scan3A_16  : i32 {
      %mul3A_41 = arith.constant 2 : i32
      %mul3A_42 = arith.muli %scan3A_40, %mul3A_41 : i32
      %add3A_43 = arith.constant 0 : i32
      %add3A_44 = arith.addi %add3A_43, %mul3A_42 : i32
      %add3A_45 = arith.constant 0 : i32
      %add3A_46 = arith.addi %add3A_44, %add3A_45 : i32
      %dma_start3A = arith.constant 0 : i32
      %dma_start3A_47 = arith.constant 0 : i32
      %dma_start3A_48 = arith.constant 0 : i32
      %dma_start3A_49 = tpu.memref_slice %arg8[%dma_start3A, %dma_start3A_47, %dma_start3A_48] : memref<2x128x128xf32, #tpu.memory_space<vmem>> -> memref<1x64x128xf32, #tpu.memory_space<vmem>>
      %dma_start3A_50 = tpu.memref_squeeze %dma_start3A_49 : memref<1x64x128xf32, #tpu.memory_space<vmem>> -> memref<64x128xf32, #tpu.memory_space<vmem>>
      %dma_start3A_51 = arith.constant 0 : i32
      %dma_start3A_52 = tpu.memref_slice %arg6[%add3A_46, %dma_start3A_51] : memref<40x128xi32, #tpu.memory_space<vmem>> -> memref<1x64xi32, #tpu.memory_space<vmem>>
      %dma_start3A_53 = tpu.memref_squeeze %dma_start3A_52 : memref<1x64xi32, #tpu.memory_space<vmem>> -> memref<64xi32, #tpu.memory_space<vmem>>
      %dma_start3A_54 = arith.constant 0 : i32
      %dma_start3A_55 = arith.constant 0 : i32
      %dma_start3A_56 = tpu.memref_slice %arg13[%dma_start3A_54, %dma_start3A_55] : memref<10008x128xf32, #tpu.memory_space<vmem_shared>> -> memref<10008x128xf32, #tpu.memory_space<vmem_shared>>
      tpu.enqueue_indirect_dma source(%dma_start3A_56 : memref<10008x128xf32, #tpu.memory_space<vmem_shared>>) target(%dma_start3A_50 : memref<64x128xf32, #tpu.memory_space<vmem>>) offsets(%dma_start3A_53 : memref<64xi32, #tpu.memory_space<vmem>>) semaphore(%arg9 : memref<!tpu.dma_semaphore, #tpu.memory_space<semaphore_mem>>)
      %add3A_57 = arith.constant 0 : i32
      %add3A_58 = arith.addi %add3A_44, %add3A_57 : i32
      %dma_start3A_59 = arith.constant 0 : i32
      %dma_start3A_60 = arith.constant 64 : i32
      %dma_start3A_61 = arith.constant 0 : i32
      %dma_start3A_62 = tpu.memref_slice %arg8[%dma_start3A_59, %dma_start3A_60, %dma_start3A_61] : memref<2x128x128xf32, #tpu.memory_space<vmem>> -> memref<1x64x128xf32, #tpu.memory_space<vmem>>
      %dma_start3A_63 = tpu.memref_squeeze %dma_start3A_62 : memref<1x64x128xf32, #tpu.memory_space<vmem>> -> memref<64x128xf32, #tpu.memory_space<vmem>>
      %dma_start3A_64 = arith.constant 64 : i32
      %dma_start3A_65 = tpu.memref_slice %arg6[%add3A_58, %dma_start3A_64] : memref<40x128xi32, #tpu.memory_space<vmem>> -> memref<1x64xi32, #tpu.memory_space<vmem>>
      %dma_start3A_66 = tpu.memref_squeeze %dma_start3A_65 : memref<1x64xi32, #tpu.memory_space<vmem>> -> memref<64xi32, #tpu.memory_space<vmem>>
      %dma_start3A_67 = arith.constant 0 : i32
      %dma_start3A_68 = arith.constant 0 : i32
      %dma_start3A_69 = tpu.memref_slice %arg13[%dma_start3A_67, %dma_start3A_68] : memref<10008x128xf32, #tpu.memory_space<vmem_shared>> -> memref<10008x128xf32, #tpu.memory_space<vmem_shared>>
      tpu.enqueue_indirect_dma source(%dma_start3A_69 : memref<10008x128xf32, #tpu.memory_space<vmem_shared>>) target(%dma_start3A_63 : memref<64x128xf32, #tpu.memory_space<vmem>>) offsets(%dma_start3A_66 : memref<64xi32, #tpu.memory_space<vmem>>) semaphore(%arg9 : memref<!tpu.dma_semaphore, #tpu.memory_space<semaphore_mem>>)
      %add3A_70 = arith.constant 1 : i32
      %add3A_71 = arith.addi %add3A_44, %add3A_70 : i32
      %dma_start3A_72 = arith.constant 1 : i32
      %dma_start3A_73 = arith.constant 0 : i32
      %dma_start3A_74 = arith.constant 0 : i32
      %dma_start3A_75 = tpu.memref_slice %arg8[%dma_start3A_72, %dma_start3A_73, %dma_start3A_74] : memref<2x128x128xf32, #tpu.memory_space<vmem>> -> memref<1x64x128xf32, #tpu.memory_space<vmem>>
      %dma_start3A_76 = tpu.memref_squeeze %dma_start3A_75 : memref<1x64x128xf32, #tpu.memory_space<vmem>> -> memref<64x128xf32, #tpu.memory_space<vmem>>
      %dma_start3A_77 = arith.constant 0 : i32
      %dma_start3A_78 = tpu.memref_slice %arg6[%add3A_71, %dma_start3A_77] : memref<40x128xi32, #tpu.memory_space<vmem>> -> memref<1x64xi32, #tpu.memory_space<vmem>>
      %dma_start3A_79 = tpu.memref_squeeze %dma_start3A_78 : memref<1x64xi32, #tpu.memory_space<vmem>> -> memref<64xi32, #tpu.memory_space<vmem>>
      %dma_start3A_80 = arith.constant 0 : i32
      %dma_start3A_81 = arith.constant 0 : i32
      %dma_start3A_82 = tpu.memref_slice %arg13[%dma_start3A_80, %dma_start3A_81] : memref<10008x128xf32, #tpu.memory_space<vmem_shared>> -> memref<10008x128xf32, #tpu.memory_space<vmem_shared>>
      tpu.enqueue_indirect_dma source(%dma_start3A_82 : memref<10008x128xf32, #tpu.memory_space<vmem_shared>>) target(%dma_start3A_76 : memref<64x128xf32, #tpu.memory_space<vmem>>) offsets(%dma_start3A_79 : memref<64xi32, #tpu.memory_space<vmem>>) semaphore(%arg10 : memref<!tpu.dma_semaphore, #tpu.memory_space<semaphore_mem>>)
      %add3A_83 = arith.constant 1 : i32
      %add3A_84 = arith.addi %add3A_44, %add3A_83 : i32
      %dma_start3A_85 = arith.constant 1 : i32
      %dma_start3A_86 = arith.constant 64 : i32
      %dma_start3A_87 = arith.constant 0 : i32
      %dma_start3A_88 = tpu.memref_slice %arg8[%dma_start3A_85, %dma_start3A_86, %dma_start3A_87] : memref<2x128x128xf32, #tpu.memory_space<vmem>> -> memref<1x64x128xf32, #tpu.memory_space<vmem>>
      %dma_start3A_89 = tpu.memref_squeeze %dma_start3A_88 : memref<1x64x128xf32, #tpu.memory_space<vmem>> -> memref<64x128xf32, #tpu.memory_space<vmem>>
      %dma_start3A_90 = arith.constant 64 : i32
      %dma_start3A_91 = tpu.memref_slice %arg6[%add3A_84, %dma_start3A_90] : memref<40x128xi32, #tpu.memory_space<vmem>> -> memref<1x64xi32, #tpu.memory_space<vmem>>
      %dma_start3A_92 = tpu.memref_squeeze %dma_start3A_91 : memref<1x64xi32, #tpu.memory_space<vmem>> -> memref<64xi32, #tpu.memory_space<vmem>>
      %dma_start3A_93 = arith.constant 0 : i32
      %dma_start3A_94 = arith.constant 0 : i32
      %dma_start3A_95 = tpu.memref_slice %arg13[%dma_start3A_93, %dma_start3A_94] : memref<10008x128xf32, #tpu.memory_space<vmem_shared>> -> memref<10008x128xf32, #tpu.memory_space<vmem_shared>>
      tpu.enqueue_indirect_dma source(%dma_start3A_95 : memref<10008x128xf32, #tpu.memory_space<vmem_shared>>) target(%dma_start3A_89 : memref<64x128xf32, #tpu.memory_space<vmem>>) offsets(%dma_start3A_92 : memref<64xi32, #tpu.memory_space<vmem>>) semaphore(%arg10 : memref<!tpu.dma_semaphore, #tpu.memory_space<semaphore_mem>>)
      %dma_wait3A = arith.constant 0 : i32
      %dma_wait3A_96 = arith.constant 0 : i32
      %dma_wait3A_97 = arith.constant 0 : i32
      %dma_wait3A_98 = tpu.memref_slice %arg8[%dma_wait3A, %dma_wait3A_96, %dma_wait3A_97] : memref<2x128x128xf32, #tpu.memory_space<vmem>> -> memref<1x64x128xf32, #tpu.memory_space<vmem>>
      %dma_wait3A_99 = tpu.memref_squeeze %dma_wait3A_98 : memref<1x64x128xf32, #tpu.memory_space<vmem>> -> memref<64x128xf32, #tpu.memory_space<vmem>>
      %dma_wait3A_100 = arith.constant 0 : i32
      %dma_wait3A_101 = tpu.memref_slice %arg6[%add3A_46, %dma_wait3A_100] : memref<40x128xi32, #tpu.memory_space<vmem>> -> memref<1x64xi32, #tpu.memory_space<vmem>>
      %dma_wait3A_102 = tpu.memref_squeeze %dma_wait3A_101 : memref<1x64xi32, #tpu.memory_space<vmem>> -> memref<64xi32, #tpu.memory_space<vmem>>
      %dma_wait3A_103 = arith.constant 0 : i32
      %dma_wait3A_104 = arith.constant 0 : i32
      %dma_wait3A_105 = tpu.memref_slice %arg13[%dma_wait3A_103, %dma_wait3A_104] : memref<10008x128xf32, #tpu.memory_space<vmem_shared>> -> memref<10008x128xf32, #tpu.memory_space<vmem_shared>>
      tpu.wait_indirect_dma semaphore(%arg9 : memref<!tpu.dma_semaphore, #tpu.memory_space<semaphore_mem>>) src(%dma_wait3A_105 : memref<10008x128xf32, #tpu.memory_space<vmem_shared>>) dst(%dma_wait3A_99 : memref<64x128xf32, #tpu.memory_space<vmem>>)
      %dma_wait3A_106 = arith.constant 0 : i32
      %dma_wait3A_107 = arith.constant 64 : i32
      %dma_wait3A_108 = arith.constant 0 : i32
      %dma_wait3A_109 = tpu.memref_slice %arg8[%dma_wait3A_106, %dma_wait3A_107, %dma_wait3A_108] : memref<2x128x128xf32, #tpu.memory_space<vmem>> -> memref<1x64x128xf32, #tpu.memory_space<vmem>>
      %dma_wait3A_110 = tpu.memref_squeeze %dma_wait3A_109 : memref<1x64x128xf32, #tpu.memory_space<vmem>> -> memref<64x128xf32, #tpu.memory_space<vmem>>
      %dma_wait3A_111 = arith.constant 64 : i32
      %dma_wait3A_112 = tpu.memref_slice %arg6[%add3A_58, %dma_wait3A_111] : memref<40x128xi32, #tpu.memory_space<vmem>> -> memref<1x64xi32, #tpu.memory_space<vmem>>
      %dma_wait3A_113 = tpu.memref_squeeze %dma_wait3A_112 : memref<1x64xi32, #tpu.memory_space<vmem>> -> memref<64xi32, #tpu.memory_space<vmem>>
      %dma_wait3A_114 = arith.constant 0 : i32
      %dma_wait3A_115 = arith.constant 0 : i32
      %dma_wait3A_116 = tpu.memref_slice %arg13[%dma_wait3A_114, %dma_wait3A_115] : memref<10008x128xf32, #tpu.memory_space<vmem_shared>> -> memref<10008x128xf32, #tpu.memory_space<vmem_shared>>
      tpu.wait_indirect_dma semaphore(%arg9 : memref<!tpu.dma_semaphore, #tpu.memory_space<semaphore_mem>>) src(%dma_wait3A_116 : memref<10008x128xf32, #tpu.memory_space<vmem_shared>>) dst(%dma_wait3A_110 : memref<64x128xf32, #tpu.memory_space<vmem>>)
      %add3A_117 = arith.constant 0 : i32
      %add3A_118 = arith.addi %add3A_44, %add3A_117 : i32
      %dma_start3A_119 = arith.constant 0 : i32
      %dma_start3A_120 = arith.constant 0 : i32
      %dma_start3A_121 = arith.constant 0 : i32
      %dma_start3A_122 = tpu.memref_slice %arg8[%dma_start3A_119, %dma_start3A_120, %dma_start3A_121] : memref<2x128x128xf32, #tpu.memory_space<vmem>> -> memref<1x128x128xf32, #tpu.memory_space<vmem>>
      %dma_start3A_123 = tpu.memref_squeeze %dma_start3A_122 : memref<1x128x128xf32, #tpu.memory_space<vmem>> -> memref<128x128xf32, #tpu.memory_space<vmem>>
      %dma_start3A_124 = arith.constant 0 : i32
      %dma_start3A_125 = tpu.memref_slice %arg7[%add3A_118, %dma_start3A_124] : memref<40x128xi32, #tpu.memory_space<vmem>> -> memref<1x128xi32, #tpu.memory_space<vmem>>
      %dma_start3A_126 = tpu.memref_squeeze %dma_start3A_125 : memref<1x128xi32, #tpu.memory_space<vmem>> -> memref<128xi32, #tpu.memory_space<vmem>>
      %dma_start3A_127 = arith.constant 0 : i32
      %dma_start3A_128 = arith.constant 0 : i32
      %dma_start3A_129 = tpu.memref_slice %arg13[%dma_start3A_127, %dma_start3A_128] : memref<10008x128xf32, #tpu.memory_space<vmem_shared>> -> memref<10008x128xf32, #tpu.memory_space<vmem_shared>>
      tpu.enqueue_indirect_dma source(%dma_start3A_123 : memref<128x128xf32, #tpu.memory_space<vmem>>) target(%dma_start3A_129 : memref<10008x128xf32, #tpu.memory_space<vmem_shared>>) offsets(%dma_start3A_126 : memref<128xi32, #tpu.memory_space<vmem>>) semaphore(%arg11 : memref<!tpu.dma_semaphore, #tpu.memory_space<semaphore_mem>>) {add = true}
      %dma_wait3A_130 = arith.constant 1 : i32
      %dma_wait3A_131 = arith.constant 0 : i32
      %dma_wait3A_132 = arith.constant 0 : i32
      %dma_wait3A_133 = tpu.memref_slice %arg8[%dma_wait3A_130, %dma_wait3A_131, %dma_wait3A_132] : memref<2x128x128xf32, #tpu.memory_space<vmem>> -> memref<1x64x128xf32, #tpu.memory_space<vmem>>
      %dma_wait3A_134 = tpu.memref_squeeze %dma_wait3A_133 : memref<1x64x128xf32, #tpu.memory_space<vmem>> -> memref<64x128xf32, #tpu.memory_space<vmem>>
      %dma_wait3A_135 = arith.constant 0 : i32
      %dma_wait3A_136 = tpu.memref_slice %arg6[%add3A_71, %dma_wait3A_135] : memref<40x128xi32, #tpu.memory_space<vmem>> -> memref<1x64xi32, #tpu.memory_space<vmem>>
      %dma_wait3A_137 = tpu.memref_squeeze %dma_wait3A_136 : memref<1x64xi32, #tpu.memory_space<vmem>> -> memref<64xi32, #tpu.memory_space<vmem>>
      %dma_wait3A_138 = arith.constant 0 : i32
      %dma_wait3A_139 = arith.constant 0 : i32
      %dma_wait3A_140 = tpu.memref_slice %arg13[%dma_wait3A_138, %dma_wait3A_139] : memref<10008x128xf32, #tpu.memory_space<vmem_shared>> -> memref<10008x128xf32, #tpu.memory_space<vmem_shared>>
      tpu.wait_indirect_dma semaphore(%arg10 : memref<!tpu.dma_semaphore, #tpu.memory_space<semaphore_mem>>) src(%dma_wait3A_140 : memref<10008x128xf32, #tpu.memory_space<vmem_shared>>) dst(%dma_wait3A_134 : memref<64x128xf32, #tpu.memory_space<vmem>>)
      %dma_wait3A_141 = arith.constant 1 : i32
      %dma_wait3A_142 = arith.constant 64 : i32
      %dma_wait3A_143 = arith.constant 0 : i32
      %dma_wait3A_144 = tpu.memref_slice %arg8[%dma_wait3A_141, %dma_wait3A_142, %dma_wait3A_143] : memref<2x128x128xf32, #tpu.memory_space<vmem>> -> memref<1x64x128xf32, #tpu.memory_space<vmem>>
      %dma_wait3A_145 = tpu.memref_squeeze %dma_wait3A_144 : memref<1x64x128xf32, #tpu.memory_space<vmem>> -> memref<64x128xf32, #tpu.memory_space<vmem>>
      %dma_wait3A_146 = arith.constant 64 : i32
      %dma_wait3A_147 = tpu.memref_slice %arg6[%add3A_84, %dma_wait3A_146] : memref<40x128xi32, #tpu.memory_space<vmem>> -> memref<1x64xi32, #tpu.memory_space<vmem>>
      %dma_wait3A_148 = tpu.memref_squeeze %dma_wait3A_147 : memref<1x64xi32, #tpu.memory_space<vmem>> -> memref<64xi32, #tpu.memory_space<vmem>>
      %dma_wait3A_149 = arith.constant 0 : i32
      %dma_wait3A_150 = arith.constant 0 : i32
      %dma_wait3A_151 = tpu.memref_slice %arg13[%dma_wait3A_149, %dma_wait3A_150] : memref<10008x128xf32, #tpu.memory_space<vmem_shared>> -> memref<10008x128xf32, #tpu.memory_space<vmem_shared>>
      tpu.wait_indirect_dma semaphore(%arg10 : memref<!tpu.dma_semaphore, #tpu.memory_space<semaphore_mem>>) src(%dma_wait3A_151 : memref<10008x128xf32, #tpu.memory_space<vmem_shared>>) dst(%dma_wait3A_145 : memref<64x128xf32, #tpu.memory_space<vmem>>)
      %add3A_152 = arith.constant 1 : i32
      %add3A_153 = arith.addi %add3A_44, %add3A_152 : i32
      %dma_start3A_154 = arith.constant 1 : i32
      %dma_start3A_155 = arith.constant 0 : i32
      %dma_start3A_156 = arith.constant 0 : i32
      %dma_start3A_157 = tpu.memref_slice %arg8[%dma_start3A_154, %dma_start3A_155, %dma_start3A_156] : memref<2x128x128xf32, #tpu.memory_space<vmem>> -> memref<1x128x128xf32, #tpu.memory_space<vmem>>
      %dma_start3A_158 = tpu.memref_squeeze %dma_start3A_157 : memref<1x128x128xf32, #tpu.memory_space<vmem>> -> memref<128x128xf32, #tpu.memory_space<vmem>>
      %dma_start3A_159 = arith.constant 0 : i32
      %dma_start3A_160 = tpu.memref_slice %arg7[%add3A_153, %dma_start3A_159] : memref<40x128xi32, #tpu.memory_space<vmem>> -> memref<1x128xi32, #tpu.memory_space<vmem>>
      %dma_start3A_161 = tpu.memref_squeeze %dma_start3A_160 : memref<1x128xi32, #tpu.memory_space<vmem>> -> memref<128xi32, #tpu.memory_space<vmem>>
      %dma_start3A_162 = arith.constant 0 : i32
      %dma_start3A_163 = arith.constant 0 : i32
      %dma_start3A_164 = tpu.memref_slice %arg13[%dma_start3A_162, %dma_start3A_163] : memref<10008x128xf32, #tpu.memory_space<vmem_shared>> -> memref<10008x128xf32, #tpu.memory_space<vmem_shared>>
      tpu.enqueue_indirect_dma source(%dma_start3A_158 : memref<128x128xf32, #tpu.memory_space<vmem>>) target(%dma_start3A_164 : memref<10008x128xf32, #tpu.memory_space<vmem_shared>>) offsets(%dma_start3A_161 : memref<128xi32, #tpu.memory_space<vmem>>) semaphore(%arg12 : memref<!tpu.dma_semaphore, #tpu.memory_space<semaphore_mem>>) {add = true}
      %dma_wait3A_165 = arith.constant 0 : i32
      %dma_wait3A_166 = arith.constant 0 : i32
      %dma_wait3A_167 = arith.constant 0 : i32
      %dma_wait3A_168 = tpu.memref_slice %arg8[%dma_wait3A_165, %dma_wait3A_166, %dma_wait3A_167] : memref<2x128x128xf32, #tpu.memory_space<vmem>> -> memref<1x128x128xf32, #tpu.memory_space<vmem>>
      %dma_wait3A_169 = tpu.memref_squeeze %dma_wait3A_168 : memref<1x128x128xf32, #tpu.memory_space<vmem>> -> memref<128x128xf32, #tpu.memory_space<vmem>>
      %dma_wait3A_170 = arith.constant 0 : i32
      %dma_wait3A_171 = tpu.memref_slice %arg7[%add3A_118, %dma_wait3A_170] : memref<40x128xi32, #tpu.memory_space<vmem>> -> memref<1x128xi32, #tpu.memory_space<vmem>>
      %dma_wait3A_172 = tpu.memref_squeeze %dma_wait3A_171 : memref<1x128xi32, #tpu.memory_space<vmem>> -> memref<128xi32, #tpu.memory_space<vmem>>
      %dma_wait3A_173 = arith.constant 0 : i32
      %dma_wait3A_174 = arith.constant 0 : i32
      %dma_wait3A_175 = tpu.memref_slice %arg13[%dma_wait3A_173, %dma_wait3A_174] : memref<10008x128xf32, #tpu.memory_space<vmem_shared>> -> memref<10008x128xf32, #tpu.memory_space<vmem_shared>>
      tpu.wait_indirect_dma semaphore(%arg11 : memref<!tpu.dma_semaphore, #tpu.memory_space<semaphore_mem>>) src(%dma_wait3A_169 : memref<128x128xf32, #tpu.memory_space<vmem>>) dst(%dma_wait3A_175 : memref<10008x128xf32, #tpu.memory_space<vmem_shared>>)
      %dma_wait3A_176 = arith.constant 1 : i32
      %dma_wait3A_177 = arith.constant 0 : i32
      %dma_wait3A_178 = arith.constant 0 : i32
      %dma_wait3A_179 = tpu.memref_slice %arg8[%dma_wait3A_176, %dma_wait3A_177, %dma_wait3A_178] : memref<2x128x128xf32, #tpu.memory_space<vmem>> -> memref<1x128x128xf32, #tpu.memory_space<vmem>>
      %dma_wait3A_180 = tpu.memref_squeeze %dma_wait3A_179 : memref<1x128x128xf32, #tpu.memory_space<vmem>> -> memref<128x128xf32, #tpu.memory_space<vmem>>
      %dma_wait3A_181 = arith.constant 0 : i32
      %dma_wait3A_182 = tpu.memref_slice %arg7[%add3A_153, %dma_wait3A_181] : memref<40x128xi32, #tpu.memory_space<vmem>> -> memref<1x128xi32, #tpu.memory_space<vmem>>
      %dma_wait3A_183 = tpu.memref_squeeze %dma_wait3A_182 : memref<1x128xi32, #tpu.memory_space<vmem>> -> memref<128xi32, #tpu.memory_space<vmem>>
      %dma_wait3A_184 = arith.constant 0 : i32
      %dma_wait3A_185 = arith.constant 0 : i32
      %dma_wait3A_186 = tpu.memref_slice %arg13[%dma_wait3A_184, %dma_wait3A_185] : memref<10008x128xf32, #tpu.memory_space<vmem_shared>> -> memref<10008x128xf32, #tpu.memory_space<vmem_shared>>
      tpu.wait_indirect_dma semaphore(%arg12 : memref<!tpu.dma_semaphore, #tpu.memory_space<semaphore_mem>>) src(%dma_wait3A_180 : memref<128x128xf32, #tpu.memory_space<vmem>>) dst(%dma_wait3A_186 : memref<10008x128xf32, #tpu.memory_space<vmem_shared>>)
    }
    %scan3A_17 = arith.constant 20 : i32
    %add3A_18 = arith.constant 40 : i32
    %add3A_19 = arith.addi %multiple_of3A, %add3A_18 : i32
    %run_scoped3A_20 = arith.constant 0 : i32
    "tpu.region"() ({
      %run_scoped3A_40 = tpu.sem_alloc : memref<!tpu.dma_semaphore, #tpu.memory_space<semaphore_mem>>
      %dma_start3A = arith.constant 0 : i32
      %dma_start3A_41 = tpu.memref_slice %arg3[%run_scoped3A_20, %add3A_19, %dma_start3A] : memref<2x2560x128xi32, #tpu.memory_space<hbm>> -> memref<1x40x128xi32, #tpu.memory_space<hbm>>
      %dma_start3A_42 = tpu.memref_squeeze %dma_start3A_41 : memref<1x40x128xi32, #tpu.memory_space<hbm>> -> memref<40x128xi32, #tpu.memory_space<hbm>>
      %dma_start3A_43 = arith.constant 0 : i32
      %dma_start3A_44 = tpu.memref_slice %arg3[%run_scoped3A_20, %add3A_19, %dma_start3A_43] : memref<2x2560x128xi32, #tpu.memory_space<hbm>> -> memref<1x40x128xi32, #tpu.memory_space<hbm>>
      %dma_start3A_45 = tpu.memref_squeeze %dma_start3A_44 : memref<1x40x128xi32, #tpu.memory_space<hbm>> -> memref<40x128xi32, #tpu.memory_space<hbm>>
      tpu.enqueue_dma source(%dma_start3A_45 : memref<40x128xi32, #tpu.memory_space<hbm>>) target(%arg6 : memref<40x128xi32, #tpu.memory_space<vmem>>) target_semaphore(%run_scoped3A_40 : memref<!tpu.dma_semaphore, #tpu.memory_space<semaphore_mem>>)
      %dma_wait3A = arith.constant 0 : i32
      %dma_wait3A_46 = tpu.memref_slice %arg3[%run_scoped3A_20, %add3A_19, %dma_wait3A] : memref<2x2560x128xi32, #tpu.memory_space<hbm>> -> memref<1x40x128xi32, #tpu.memory_space<hbm>>
      %dma_wait3A_47 = tpu.memref_squeeze %dma_wait3A_46 : memref<1x40x128xi32, #tpu.memory_space<hbm>> -> memref<40x128xi32, #tpu.memory_space<hbm>>
      %dma_wait3A_48 = arith.constant 0 : i32
      %dma_wait3A_49 = tpu.memref_slice %arg3[%run_scoped3A_20, %add3A_19, %dma_wait3A_48] : memref<2x2560x128xi32, #tpu.memory_space<hbm>> -> memref<1x40x128xi32, #tpu.memory_space<hbm>>
      %dma_wait3A_50 = tpu.memref_squeeze %dma_wait3A_49 : memref<1x40x128xi32, #tpu.memory_space<hbm>> -> memref<40x128xi32, #tpu.memory_space<hbm>>
      tpu.wait_dma2 semaphore(%run_scoped3A_40 : memref<!tpu.dma_semaphore, #tpu.memory_space<semaphore_mem>>) src(%dma_wait3A_50 : memref<40x128xi32, #tpu.memory_space<hbm>>) dst(%arg6 : memref<40x128xi32, #tpu.memory_space<vmem>>)
      tpu.yield
    }) : () -> ()
    %add3A_21 = arith.constant 40 : i32
    %add3A_22 = arith.addi %multiple_of3A, %add3A_21 : i32
    %run_scoped3A_23 = arith.constant 1 : i32
    "tpu.region"() ({
      %run_scoped3A_40 = tpu.sem_alloc : memref<!tpu.dma_semaphore, #tpu.memory_space<semaphore_mem>>
      %dma_start3A = arith.constant 0 : i32
      %dma_start3A_41 = tpu.memref_slice %arg3[%run_scoped3A_23, %add3A_22, %dma_start3A] : memref<2x2560x128xi32, #tpu.memory_space<hbm>> -> memref<1x40x128xi32, #tpu.memory_space<hbm>>
      %dma_start3A_42 = tpu.memref_squeeze %dma_start3A_41 : memref<1x40x128xi32, #tpu.memory_space<hbm>> -> memref<40x128xi32, #tpu.memory_space<hbm>>
      %dma_start3A_43 = arith.constant 0 : i32
      %dma_start3A_44 = tpu.memref_slice %arg3[%run_scoped3A_23, %add3A_22, %dma_start3A_43] : memref<2x2560x128xi32, #tpu.memory_space<hbm>> -> memref<1x40x128xi32, #tpu.memory_space<hbm>>
      %dma_start3A_45 = tpu.memref_squeeze %dma_start3A_44 : memref<1x40x128xi32, #tpu.memory_space<hbm>> -> memref<40x128xi32, #tpu.memory_space<hbm>>
      tpu.enqueue_dma source(%dma_start3A_45 : memref<40x128xi32, #tpu.memory_space<hbm>>) target(%arg7 : memref<40x128xi32, #tpu.memory_space<vmem>>) target_semaphore(%run_scoped3A_40 : memref<!tpu.dma_semaphore, #tpu.memory_space<semaphore_mem>>)
      %dma_wait3A = arith.constant 0 : i32
      %dma_wait3A_46 = tpu.memref_slice %arg3[%run_scoped3A_23, %add3A_22, %dma_wait3A] : memref<2x2560x128xi32, #tpu.memory_space<hbm>> -> memref<1x40x128xi32, #tpu.memory_space<hbm>>
      %dma_wait3A_47 = tpu.memref_squeeze %dma_wait3A_46 : memref<1x40x128xi32, #tpu.memory_space<hbm>> -> memref<40x128xi32, #tpu.memory_space<hbm>>
      %dma_wait3A_48 = arith.constant 0 : i32
      %dma_wait3A_49 = tpu.memref_slice %arg3[%run_scoped3A_23, %add3A_22, %dma_wait3A_48] : memref<2x2560x128xi32, #tpu.memory_space<hbm>> -> memref<1x40x128xi32, #tpu.memory_space<hbm>>
      %dma_wait3A_50 = tpu.memref_squeeze %dma_wait3A_49 : memref<1x40x128xi32, #tpu.memory_space<hbm>> -> memref<40x128xi32, #tpu.memory_space<hbm>>
      tpu.wait_dma2 semaphore(%run_scoped3A_40 : memref<!tpu.dma_semaphore, #tpu.memory_space<semaphore_mem>>) src(%dma_wait3A_50 : memref<40x128xi32, #tpu.memory_space<hbm>>) dst(%arg7 : memref<40x128xi32, #tpu.memory_space<vmem>>)
      tpu.yield
    }) : () -> ()
    %scan3A_24 = arith.constant 0 : i32
    %scan3A_25 = arith.constant 20 : i32
    %scan3A_26 = arith.addi %scan3A_24, %scan3A_25 : i32
    %scan3A_27 = arith.constant 1 : i32
    scf.for %scan3A_40 = %scan3A_24 to %scan3A_26 step %scan3A_27  : i32 {
      %mul3A_41 = arith.constant 2 : i32
      %mul3A_42 = arith.muli %scan3A_40, %mul3A_41 : i32
      %add3A_43 = arith.constant 0 : i32
      %add3A_44 = arith.addi %add3A_43, %mul3A_42 : i32
      %add3A_45 = arith.constant 0 : i32
      %add3A_46 = arith.addi %add3A_44, %add3A_45 : i32
      %dma_start3A = arith.constant 0 : i32
      %dma_start3A_47 = arith.constant 0 : i32
      %dma_start3A_48 = arith.constant 0 : i32
      %dma_start3A_49 = tpu.memref_slice %arg8[%dma_start3A, %dma_start3A_47, %dma_start3A_48] : memref<2x128x128xf32, #tpu.memory_space<vmem>> -> memref<1x64x128xf32, #tpu.memory_space<vmem>>
      %dma_start3A_50 = tpu.memref_squeeze %dma_start3A_49 : memref<1x64x128xf32, #tpu.memory_space<vmem>> -> memref<64x128xf32, #tpu.memory_space<vmem>>
      %dma_start3A_51 = arith.constant 0 : i32
      %dma_start3A_52 = tpu.memref_slice %arg6[%add3A_46, %dma_start3A_51] : memref<40x128xi32, #tpu.memory_space<vmem>> -> memref<1x64xi32, #tpu.memory_space<vmem>>
      %dma_start3A_53 = tpu.memref_squeeze %dma_start3A_52 : memref<1x64xi32, #tpu.memory_space<vmem>> -> memref<64xi32, #tpu.memory_space<vmem>>
      %dma_start3A_54 = arith.constant 0 : i32
      %dma_start3A_55 = arith.constant 0 : i32
      %dma_start3A_56 = tpu.memref_slice %arg13[%dma_start3A_54, %dma_start3A_55] : memref<10008x128xf32, #tpu.memory_space<vmem_shared>> -> memref<10008x128xf32, #tpu.memory_space<vmem_shared>>
      tpu.enqueue_indirect_dma source(%dma_start3A_56 : memref<10008x128xf32, #tpu.memory_space<vmem_shared>>) target(%dma_start3A_50 : memref<64x128xf32, #tpu.memory_space<vmem>>) offsets(%dma_start3A_53 : memref<64xi32, #tpu.memory_space<vmem>>) semaphore(%arg9 : memref<!tpu.dma_semaphore, #tpu.memory_space<semaphore_mem>>)
      %add3A_57 = arith.constant 0 : i32
      %add3A_58 = arith.addi %add3A_44, %add3A_57 : i32
      %dma_start3A_59 = arith.constant 0 : i32
      %dma_start3A_60 = arith.constant 64 : i32
      %dma_start3A_61 = arith.constant 0 : i32
      %dma_start3A_62 = tpu.memref_slice %arg8[%dma_start3A_59, %dma_start3A_60, %dma_start3A_61] : memref<2x128x128xf32, #tpu.memory_space<vmem>> -> memref<1x64x128xf32, #tpu.memory_space<vmem>>
      %dma_start3A_63 = tpu.memref_squeeze %dma_start3A_62 : memref<1x64x128xf32, #tpu.memory_space<vmem>> -> memref<64x128xf32, #tpu.memory_space<vmem>>
      %dma_start3A_64 = arith.constant 64 : i32
      %dma_start3A_65 = tpu.memref_slice %arg6[%add3A_58, %dma_start3A_64] : memref<40x128xi32, #tpu.memory_space<vmem>> -> memref<1x64xi32, #tpu.memory_space<vmem>>
      %dma_start3A_66 = tpu.memref_squeeze %dma_start3A_65 : memref<1x64xi32, #tpu.memory_space<vmem>> -> memref<64xi32, #tpu.memory_space<vmem>>
      %dma_start3A_67 = arith.constant 0 : i32
      %dma_start3A_68 = arith.constant 0 : i32
      %dma_start3A_69 = tpu.memref_slice %arg13[%dma_start3A_67, %dma_start3A_68] : memref<10008x128xf32, #tpu.memory_space<vmem_shared>> -> memref<10008x128xf32, #tpu.memory_space<vmem_shared>>
      tpu.enqueue_indirect_dma source(%dma_start3A_69 : memref<10008x128xf32, #tpu.memory_space<vmem_shared>>) target(%dma_start3A_63 : memref<64x128xf32, #tpu.memory_space<vmem>>) offsets(%dma_start3A_66 : memref<64xi32, #tpu.memory_space<vmem>>) semaphore(%arg9 : memref<!tpu.dma_semaphore, #tpu.memory_space<semaphore_mem>>)
      %add3A_70 = arith.constant 1 : i32
      %add3A_71 = arith.addi %add3A_44, %add3A_70 : i32
      %dma_start3A_72 = arith.constant 1 : i32
      %dma_start3A_73 = arith.constant 0 : i32
      %dma_start3A_74 = arith.constant 0 : i32
      %dma_start3A_75 = tpu.memref_slice %arg8[%dma_start3A_72, %dma_start3A_73, %dma_start3A_74] : memref<2x128x128xf32, #tpu.memory_space<vmem>> -> memref<1x64x128xf32, #tpu.memory_space<vmem>>
      %dma_start3A_76 = tpu.memref_squeeze %dma_start3A_75 : memref<1x64x128xf32, #tpu.memory_space<vmem>> -> memref<64x128xf32, #tpu.memory_space<vmem>>
      %dma_start3A_77 = arith.constant 0 : i32
      %dma_start3A_78 = tpu.memref_slice %arg6[%add3A_71, %dma_start3A_77] : memref<40x128xi32, #tpu.memory_space<vmem>> -> memref<1x64xi32, #tpu.memory_space<vmem>>
      %dma_start3A_79 = tpu.memref_squeeze %dma_start3A_78 : memref<1x64xi32, #tpu.memory_space<vmem>> -> memref<64xi32, #tpu.memory_space<vmem>>
      %dma_start3A_80 = arith.constant 0 : i32
      %dma_start3A_81 = arith.constant 0 : i32
      %dma_start3A_82 = tpu.memref_slice %arg13[%dma_start3A_80, %dma_start3A_81] : memref<10008x128xf32, #tpu.memory_space<vmem_shared>> -> memref<10008x128xf32, #tpu.memory_space<vmem_shared>>
      tpu.enqueue_indirect_dma source(%dma_start3A_82 : memref<10008x128xf32, #tpu.memory_space<vmem_shared>>) target(%dma_start3A_76 : memref<64x128xf32, #tpu.memory_space<vmem>>) offsets(%dma_start3A_79 : memref<64xi32, #tpu.memory_space<vmem>>) semaphore(%arg10 : memref<!tpu.dma_semaphore, #tpu.memory_space<semaphore_mem>>)
      %add3A_83 = arith.constant 1 : i32
      %add3A_84 = arith.addi %add3A_44, %add3A_83 : i32
      %dma_start3A_85 = arith.constant 1 : i32
      %dma_start3A_86 = arith.constant 64 : i32
      %dma_start3A_87 = arith.constant 0 : i32
      %dma_start3A_88 = tpu.memref_slice %arg8[%dma_start3A_85, %dma_start3A_86, %dma_start3A_87] : memref<2x128x128xf32, #tpu.memory_space<vmem>> -> memref<1x64x128xf32, #tpu.memory_space<vmem>>
      %dma_start3A_89 = tpu.memref_squeeze %dma_start3A_88 : memref<1x64x128xf32, #tpu.memory_space<vmem>> -> memref<64x128xf32, #tpu.memory_space<vmem>>
      %dma_start3A_90 = arith.constant 64 : i32
      %dma_start3A_91 = tpu.memref_slice %arg6[%add3A_84, %dma_start3A_90] : memref<40x128xi32, #tpu.memory_space<vmem>> -> memref<1x64xi32, #tpu.memory_space<vmem>>
      %dma_start3A_92 = tpu.memref_squeeze %dma_start3A_91 : memref<1x64xi32, #tpu.memory_space<vmem>> -> memref<64xi32, #tpu.memory_space<vmem>>
      %dma_start3A_93 = arith.constant 0 : i32
      %dma_start3A_94 = arith.constant 0 : i32
      %dma_start3A_95 = tpu.memref_slice %arg13[%dma_start3A_93, %dma_start3A_94] : memref<10008x128xf32, #tpu.memory_space<vmem_shared>> -> memref<10008x128xf32, #tpu.memory_space<vmem_shared>>
      tpu.enqueue_indirect_dma source(%dma_start3A_95 : memref<10008x128xf32, #tpu.memory_space<vmem_shared>>) target(%dma_start3A_89 : memref<64x128xf32, #tpu.memory_space<vmem>>) offsets(%dma_start3A_92 : memref<64xi32, #tpu.memory_space<vmem>>) semaphore(%arg10 : memref<!tpu.dma_semaphore, #tpu.memory_space<semaphore_mem>>)
      %dma_wait3A = arith.constant 0 : i32
      %dma_wait3A_96 = arith.constant 0 : i32
      %dma_wait3A_97 = arith.constant 0 : i32
      %dma_wait3A_98 = tpu.memref_slice %arg8[%dma_wait3A, %dma_wait3A_96, %dma_wait3A_97] : memref<2x128x128xf32, #tpu.memory_space<vmem>> -> memref<1x64x128xf32, #tpu.memory_space<vmem>>
      %dma_wait3A_99 = tpu.memref_squeeze %dma_wait3A_98 : memref<1x64x128xf32, #tpu.memory_space<vmem>> -> memref<64x128xf32, #tpu.memory_space<vmem>>
      %dma_wait3A_100 = arith.constant 0 : i32
      %dma_wait3A_101 = tpu.memref_slice %arg6[%add3A_46, %dma_wait3A_100] : memref<40x128xi32, #tpu.memory_space<vmem>> -> memref<1x64xi32, #tpu.memory_space<vmem>>
      %dma_wait3A_102 = tpu.memref_squeeze %dma_wait3A_101 : memref<1x64xi32, #tpu.memory_space<vmem>> -> memref<64xi32, #tpu.memory_space<vmem>>
      %dma_wait3A_103 = arith.constant 0 : i32
      %dma_wait3A_104 = arith.constant 0 : i32
      %dma_wait3A_105 = tpu.memref_slice %arg13[%dma_wait3A_103, %dma_wait3A_104] : memref<10008x128xf32, #tpu.memory_space<vmem_shared>> -> memref<10008x128xf32, #tpu.memory_space<vmem_shared>>
      tpu.wait_indirect_dma semaphore(%arg9 : memref<!tpu.dma_semaphore, #tpu.memory_space<semaphore_mem>>) src(%dma_wait3A_105 : memref<10008x128xf32, #tpu.memory_space<vmem_shared>>) dst(%dma_wait3A_99 : memref<64x128xf32, #tpu.memory_space<vmem>>)
      %dma_wait3A_106 = arith.constant 0 : i32
      %dma_wait3A_107 = arith.constant 64 : i32
      %dma_wait3A_108 = arith.constant 0 : i32
      %dma_wait3A_109 = tpu.memref_slice %arg8[%dma_wait3A_106, %dma_wait3A_107, %dma_wait3A_108] : memref<2x128x128xf32, #tpu.memory_space<vmem>> -> memref<1x64x128xf32, #tpu.memory_space<vmem>>
      %dma_wait3A_110 = tpu.memref_squeeze %dma_wait3A_109 : memref<1x64x128xf32, #tpu.memory_space<vmem>> -> memref<64x128xf32, #tpu.memory_space<vmem>>
      %dma_wait3A_111 = arith.constant 64 : i32
      %dma_wait3A_112 = tpu.memref_slice %arg6[%add3A_58, %dma_wait3A_111] : memref<40x128xi32, #tpu.memory_space<vmem>> -> memref<1x64xi32, #tpu.memory_space<vmem>>
      %dma_wait3A_113 = tpu.memref_squeeze %dma_wait3A_112 : memref<1x64xi32, #tpu.memory_space<vmem>> -> memref<64xi32, #tpu.memory_space<vmem>>
      %dma_wait3A_114 = arith.constant 0 : i32
      %dma_wait3A_115 = arith.constant 0 : i32
      %dma_wait3A_116 = tpu.memref_slice %arg13[%dma_wait3A_114, %dma_wait3A_115] : memref<10008x128xf32, #tpu.memory_space<vmem_shared>> -> memref<10008x128xf32, #tpu.memory_space<vmem_shared>>
      tpu.wait_indirect_dma semaphore(%arg9 : memref<!tpu.dma_semaphore, #tpu.memory_space<semaphore_mem>>) src(%dma_wait3A_116 : memref<10008x128xf32, #tpu.memory_space<vmem_shared>>) dst(%dma_wait3A_110 : memref<64x128xf32, #tpu.memory_space<vmem>>)
      %add3A_117 = arith.constant 0 : i32
      %add3A_118 = arith.addi %add3A_44, %add3A_117 : i32
      %dma_start3A_119 = arith.constant 0 : i32
      %dma_start3A_120 = arith.constant 0 : i32
      %dma_start3A_121 = arith.constant 0 : i32
      %dma_start3A_122 = tpu.memref_slice %arg8[%dma_start3A_119, %dma_start3A_120, %dma_start3A_121] : memref<2x128x128xf32, #tpu.memory_space<vmem>> -> memref<1x128x128xf32, #tpu.memory_space<vmem>>
      %dma_start3A_123 = tpu.memref_squeeze %dma_start3A_122 : memref<1x128x128xf32, #tpu.memory_space<vmem>> -> memref<128x128xf32, #tpu.memory_space<vmem>>
      %dma_start3A_124 = arith.constant 0 : i32
      %dma_start3A_125 = tpu.memref_slice %arg7[%add3A_118, %dma_start3A_124] : memref<40x128xi32, #tpu.memory_space<vmem>> -> memref<1x128xi32, #tpu.memory_space<vmem>>
      %dma_start3A_126 = tpu.memref_squeeze %dma_start3A_125 : memref<1x128xi32, #tpu.memory_space<vmem>> -> memref<128xi32, #tpu.memory_space<vmem>>
      %dma_start3A_127 = arith.constant 0 : i32
      %dma_start3A_128 = arith.constant 0 : i32
      %dma_start3A_129 = tpu.memref_slice %arg13[%dma_start3A_127, %dma_start3A_128] : memref<10008x128xf32, #tpu.memory_space<vmem_shared>> -> memref<10008x128xf32, #tpu.memory_space<vmem_shared>>
      tpu.enqueue_indirect_dma source(%dma_start3A_123 : memref<128x128xf32, #tpu.memory_space<vmem>>) target(%dma_start3A_129 : memref<10008x128xf32, #tpu.memory_space<vmem_shared>>) offsets(%dma_start3A_126 : memref<128xi32, #tpu.memory_space<vmem>>) semaphore(%arg11 : memref<!tpu.dma_semaphore, #tpu.memory_space<semaphore_mem>>) {add = true}
      %dma_wait3A_130 = arith.constant 1 : i32
      %dma_wait3A_131 = arith.constant 0 : i32
      %dma_wait3A_132 = arith.constant 0 : i32
      %dma_wait3A_133 = tpu.memref_slice %arg8[%dma_wait3A_130, %dma_wait3A_131, %dma_wait3A_132] : memref<2x128x128xf32, #tpu.memory_space<vmem>> -> memref<1x64x128xf32, #tpu.memory_space<vmem>>
      %dma_wait3A_134 = tpu.memref_squeeze %dma_wait3A_133 : memref<1x64x128xf32, #tpu.memory_space<vmem>> -> memref<64x128xf32, #tpu.memory_space<vmem>>
      %dma_wait3A_135 = arith.constant 0 : i32
      %dma_wait3A_136 = tpu.memref_slice %arg6[%add3A_71, %dma_wait3A_135] : memref<40x128xi32, #tpu.memory_space<vmem>> -> memref<1x64xi32, #tpu.memory_space<vmem>>
      %dma_wait3A_137 = tpu.memref_squeeze %dma_wait3A_136 : memref<1x64xi32, #tpu.memory_space<vmem>> -> memref<64xi32, #tpu.memory_space<vmem>>
      %dma_wait3A_138 = arith.constant 0 : i32
      %dma_wait3A_139 = arith.constant 0 : i32
      %dma_wait3A_140 = tpu.memref_slice %arg13[%dma_wait3A_138, %dma_wait3A_139] : memref<10008x128xf32, #tpu.memory_space<vmem_shared>> -> memref<10008x128xf32, #tpu.memory_space<vmem_shared>>
      tpu.wait_indirect_dma semaphore(%arg10 : memref<!tpu.dma_semaphore, #tpu.memory_space<semaphore_mem>>) src(%dma_wait3A_140 : memref<10008x128xf32, #tpu.memory_space<vmem_shared>>) dst(%dma_wait3A_134 : memref<64x128xf32, #tpu.memory_space<vmem>>)
      %dma_wait3A_141 = arith.constant 1 : i32
      %dma_wait3A_142 = arith.constant 64 : i32
      %dma_wait3A_143 = arith.constant 0 : i32
      %dma_wait3A_144 = tpu.memref_slice %arg8[%dma_wait3A_141, %dma_wait3A_142, %dma_wait3A_143] : memref<2x128x128xf32, #tpu.memory_space<vmem>> -> memref<1x64x128xf32, #tpu.memory_space<vmem>>
      %dma_wait3A_145 = tpu.memref_squeeze %dma_wait3A_144 : memref<1x64x128xf32, #tpu.memory_space<vmem>> -> memref<64x128xf32, #tpu.memory_space<vmem>>
      %dma_wait3A_146 = arith.constant 64 : i32
      %dma_wait3A_147 = tpu.memref_slice %arg6[%add3A_84, %dma_wait3A_146] : memref<40x128xi32, #tpu.memory_space<vmem>> -> memref<1x64xi32, #tpu.memory_space<vmem>>
      %dma_wait3A_148 = tpu.memref_squeeze %dma_wait3A_147 : memref<1x64xi32, #tpu.memory_space<vmem>> -> memref<64xi32, #tpu.memory_space<vmem>>
      %dma_wait3A_149 = arith.constant 0 : i32
      %dma_wait3A_150 = arith.constant 0 : i32
      %dma_wait3A_151 = tpu.memref_slice %arg13[%dma_wait3A_149, %dma_wait3A_150] : memref<10008x128xf32, #tpu.memory_space<vmem_shared>> -> memref<10008x128xf32, #tpu.memory_space<vmem_shared>>
      tpu.wait_indirect_dma semaphore(%arg10 : memref<!tpu.dma_semaphore, #tpu.memory_space<semaphore_mem>>) src(%dma_wait3A_151 : memref<10008x128xf32, #tpu.memory_space<vmem_shared>>) dst(%dma_wait3A_145 : memref<64x128xf32, #tpu.memory_space<vmem>>)
      %add3A_152 = arith.constant 1 : i32
      %add3A_153 = arith.addi %add3A_44, %add3A_152 : i32
      %dma_start3A_154 = arith.constant 1 : i32
      %dma_start3A_155 = arith.constant 0 : i32
      %dma_start3A_156 = arith.constant 0 : i32
      %dma_start3A_157 = tpu.memref_slice %arg8[%dma_start3A_154, %dma_start3A_155, %dma_start3A_156] : memref<2x128x128xf32, #tpu.memory_space<vmem>> -> memref<1x128x128xf32, #tpu.memory_space<vmem>>
      %dma_start3A_158 = tpu.memref_squeeze %dma_start3A_157 : memref<1x128x128xf32, #tpu.memory_space<vmem>> -> memref<128x128xf32, #tpu.memory_space<vmem>>
      %dma_start3A_159 = arith.constant 0 : i32
      %dma_start3A_160 = tpu.memref_slice %arg7[%add3A_153, %dma_start3A_159] : memref<40x128xi32, #tpu.memory_space<vmem>> -> memref<1x128xi32, #tpu.memory_space<vmem>>
      %dma_start3A_161 = tpu.memref_squeeze %dma_start3A_160 : memref<1x128xi32, #tpu.memory_space<vmem>> -> memref<128xi32, #tpu.memory_space<vmem>>
      %dma_start3A_162 = arith.constant 0 : i32
      %dma_start3A_163 = arith.constant 0 : i32
      %dma_start3A_164 = tpu.memref_slice %arg13[%dma_start3A_162, %dma_start3A_163] : memref<10008x128xf32, #tpu.memory_space<vmem_shared>> -> memref<10008x128xf32, #tpu.memory_space<vmem_shared>>
      tpu.enqueue_indirect_dma source(%dma_start3A_158 : memref<128x128xf32, #tpu.memory_space<vmem>>) target(%dma_start3A_164 : memref<10008x128xf32, #tpu.memory_space<vmem_shared>>) offsets(%dma_start3A_161 : memref<128xi32, #tpu.memory_space<vmem>>) semaphore(%arg12 : memref<!tpu.dma_semaphore, #tpu.memory_space<semaphore_mem>>) {add = true}
      %dma_wait3A_165 = arith.constant 0 : i32
      %dma_wait3A_166 = arith.constant 0 : i32
      %dma_wait3A_167 = arith.constant 0 : i32
      %dma_wait3A_168 = tpu.memref_slice %arg8[%dma_wait3A_165, %dma_wait3A_166, %dma_wait3A_167] : memref<2x128x128xf32, #tpu.memory_space<vmem>> -> memref<1x128x128xf32, #tpu.memory_space<vmem>>
      %dma_wait3A_169 = tpu.memref_squeeze %dma_wait3A_168 : memref<1x128x128xf32, #tpu.memory_space<vmem>> -> memref<128x128xf32, #tpu.memory_space<vmem>>
      %dma_wait3A_170 = arith.constant 0 : i32
      %dma_wait3A_171 = tpu.memref_slice %arg7[%add3A_118, %dma_wait3A_170] : memref<40x128xi32, #tpu.memory_space<vmem>> -> memref<1x128xi32, #tpu.memory_space<vmem>>
      %dma_wait3A_172 = tpu.memref_squeeze %dma_wait3A_171 : memref<1x128xi32, #tpu.memory_space<vmem>> -> memref<128xi32, #tpu.memory_space<vmem>>
      %dma_wait3A_173 = arith.constant 0 : i32
      %dma_wait3A_174 = arith.constant 0 : i32
      %dma_wait3A_175 = tpu.memref_slice %arg13[%dma_wait3A_173, %dma_wait3A_174] : memref<10008x128xf32, #tpu.memory_space<vmem_shared>> -> memref<10008x128xf32, #tpu.memory_space<vmem_shared>>
      tpu.wait_indirect_dma semaphore(%arg11 : memref<!tpu.dma_semaphore, #tpu.memory_space<semaphore_mem>>) src(%dma_wait3A_169 : memref<128x128xf32, #tpu.memory_space<vmem>>) dst(%dma_wait3A_175 : memref<10008x128xf32, #tpu.memory_space<vmem_shared>>)
      %dma_wait3A_176 = arith.constant 1 : i32
      %dma_wait3A_177 = arith.constant 0 : i32
      %dma_wait3A_178 = arith.constant 0 : i32
      %dma_wait3A_179 = tpu.memref_slice %arg8[%dma_wait3A_176, %dma_wait3A_177, %dma_wait3A_178] : memref<2x128x128xf32, #tpu.memory_space<vmem>> -> memref<1x128x128xf32, #tpu.memory_space<vmem>>
      %dma_wait3A_180 = tpu.memref_squeeze %dma_wait3A_179 : memref<1x128x128xf32, #tpu.memory_space<vmem>> -> memref<128x128xf32, #tpu.memory_space<vmem>>
      %dma_wait3A_181 = arith.constant 0 : i32
      %dma_wait3A_182 = tpu.memref_slice %arg7[%add3A_153, %dma_wait3A_181] : memref<40x128xi32, #tpu.memory_space<vmem>> -> memref<1x128xi32, #tpu.memory_space<vmem>>
      %dma_wait3A_183 = tpu.memref_squeeze %dma_wait3A_182 : memref<1x128xi32, #tpu.memory_space<vmem>> -> memref<128xi32, #tpu.memory_space<vmem>>
      %dma_wait3A_184 = arith.constant 0 : i32
      %dma_wait3A_185 = arith.constant 0 : i32
      %dma_wait3A_186 = tpu.memref_slice %arg13[%dma_wait3A_184, %dma_wait3A_185] : memref<10008x128xf32, #tpu.memory_space<vmem_shared>> -> memref<10008x128xf32, #tpu.memory_space<vmem_shared>>
      tpu.wait_indirect_dma semaphore(%arg12 : memref<!tpu.dma_semaphore, #tpu.memory_space<semaphore_mem>>) src(%dma_wait3A_180 : memref<128x128xf32, #tpu.memory_space<vmem>>) dst(%dma_wait3A_186 : memref<10008x128xf32, #tpu.memory_space<vmem_shared>>)
    }
    %scan3A_28 = arith.constant 20 : i32
    %barrier3A_29 = arith.constant 0 : index
    tpu.barrier barrier_id(%barrier3A_29)
    %lt3A_30 = arith.constant 15 : i32
    %lt3A_31 = arith.cmpi slt, %arg1, %lt3A_30 : i32
    %convert_element_type3A_32 = arith.extui %lt3A_31 : i1 to i32
    %cond3A_33 = arith.constant 0 : i32
    %cond3A_34 = arith.cmpi ne, %convert_element_type3A_32, %cond3A_33 : i32
    scf.if %cond3A_34 {
      %mul3A_40 = arith.constant 632 : i32
      %mul3A_41 = arith.muli %arg1, %mul3A_40 : i32
      %multiple_of3A_42 = tpu.assume_multiple %mul3A_41, 8 : i32
      "tpu.region"() ({
        %run_scoped3A_43 = tpu.sem_alloc : memref<!tpu.dma_semaphore, #tpu.memory_space<semaphore_mem>>
        %dma_start3A = arith.constant 0 : i32
        %dma_start3A_44 = tpu.memref_slice %arg5[%arg0, %multiple_of3A_42, %dma_start3A] : memref<2x10000x128xf32, #tpu.memory_space<hbm>> -> memref<1x632x128xf32, #tpu.memory_space<hbm>>
        %dma_start3A_45 = tpu.memref_squeeze %dma_start3A_44 : memref<1x632x128xf32, #tpu.memory_space<hbm>> -> memref<632x128xf32, #tpu.memory_space<hbm>>
        %dma_start3A_46 = arith.constant 0 : i32
        %dma_start3A_47 = tpu.memref_slice %arg13[%multiple_of3A_42, %dma_start3A_46] : memref<10008x128xf32, #tpu.memory_space<vmem_shared>> -> memref<632x128xf32, #tpu.memory_space<vmem_shared>>
        tpu.enqueue_dma source(%dma_start3A_47 : memref<632x128xf32, #tpu.memory_space<vmem_shared>>) target(%dma_start3A_45 : memref<632x128xf32, #tpu.memory_space<hbm>>) target_semaphore(%run_scoped3A_43 : memref<!tpu.dma_semaphore, #tpu.memory_space<semaphore_mem>>)
        %dma_wait3A = arith.constant 0 : i32
        %dma_wait3A_48 = tpu.memref_slice %arg5[%arg0, %multiple_of3A_42, %dma_wait3A] : memref<2x10000x128xf32, #tpu.memory_space<hbm>> -> memref<1x632x128xf32, #tpu.memory_space<hbm>>
        %dma_wait3A_49 = tpu.memref_squeeze %dma_wait3A_48 : memref<1x632x128xf32, #tpu.memory_space<hbm>> -> memref<632x128xf32, #tpu.memory_space<hbm>>
        %dma_wait3A_50 = arith.constant 0 : i32
        %dma_wait3A_51 = tpu.memref_slice %arg13[%multiple_of3A_42, %dma_wait3A_50] : memref<10008x128xf32, #tpu.memory_space<vmem_shared>> -> memref<632x128xf32, #tpu.memory_space<vmem_shared>>
        tpu.wait_dma2 semaphore(%run_scoped3A_43 : memref<!tpu.dma_semaphore, #tpu.memory_space<semaphore_mem>>) src(%dma_wait3A_51 : memref<632x128xf32, #tpu.memory_space<vmem_shared>>) dst(%dma_wait3A_49 : memref<632x128xf32, #tpu.memory_space<hbm>>)
        tpu.yield
      }) : () -> ()
    } else {
    }
    %eq3A_35 = arith.constant 15 : i32
    %eq3A_36 = arith.cmpi eq, %arg1, %eq3A_35 : i32
    %convert_element_type3A_37 = arith.extui %eq3A_36 : i1 to i32
    %cond3A_38 = arith.constant 0 : i32
    %cond3A_39 = arith.cmpi ne, %convert_element_type3A_37, %cond3A_38 : i32
    scf.if %cond3A_39 {
      "tpu.region"() ({
        %run_scoped3A_40 = tpu.sem_alloc : memref<!tpu.dma_semaphore, #tpu.memory_space<semaphore_mem>>
        %dma_start3A = arith.constant 9480 : i32
        %dma_start3A_41 = arith.constant 0 : i32
        %dma_start3A_42 = tpu.memref_slice %arg5[%arg0, %dma_start3A, %dma_start3A_41] : memref<2x10000x128xf32, #tpu.memory_space<hbm>> -> memref<1x520x128xf32, #tpu.memory_space<hbm>>
        %dma_start3A_43 = tpu.memref_squeeze %dma_start3A_42 : memref<1x520x128xf32, #tpu.memory_space<hbm>> -> memref<520x128xf32, #tpu.memory_space<hbm>>
        %dma_start3A_44 = arith.constant 9480 : i32
        %dma_start3A_45 = arith.constant 0 : i32
        %dma_start3A_46 = tpu.memref_slice %arg13[%dma_start3A_44, %dma_start3A_45] : memref<10008x128xf32, #tpu.memory_space<vmem_shared>> -> memref<520x128xf32, #tpu.memory_space<vmem_shared>>
        tpu.enqueue_dma source(%dma_start3A_46 : memref<520x128xf32, #tpu.memory_space<vmem_shared>>) target(%dma_start3A_43 : memref<520x128xf32, #tpu.memory_space<hbm>>) target_semaphore(%run_scoped3A_40 : memref<!tpu.dma_semaphore, #tpu.memory_space<semaphore_mem>>)
        %dma_wait3A = arith.constant 9480 : i32
        %dma_wait3A_47 = arith.constant 0 : i32
        %dma_wait3A_48 = tpu.memref_slice %arg5[%arg0, %dma_wait3A, %dma_wait3A_47] : memref<2x10000x128xf32, #tpu.memory_space<hbm>> -> memref<1x520x128xf32, #tpu.memory_space<hbm>>
        %dma_wait3A_49 = tpu.memref_squeeze %dma_wait3A_48 : memref<1x520x128xf32, #tpu.memory_space<hbm>> -> memref<520x128xf32, #tpu.memory_space<hbm>>
        %dma_wait3A_50 = arith.constant 9480 : i32
        %dma_wait3A_51 = arith.constant 0 : i32
        %dma_wait3A_52 = tpu.memref_slice %arg13[%dma_wait3A_50, %dma_wait3A_51] : memref<10008x128xf32, #tpu.memory_space<vmem_shared>> -> memref<520x128xf32, #tpu.memory_space<vmem_shared>>
        tpu.wait_dma2 semaphore(%run_scoped3A_40 : memref<!tpu.dma_semaphore, #tpu.memory_space<semaphore_mem>>) src(%dma_wait3A_52 : memref<520x128xf32, #tpu.memory_space<vmem_shared>>) dst(%dma_wait3A_49 : memref<520x128xf32, #tpu.memory_space<hbm>>)
        tpu.yield
      }) : () -> ()
    } else {
    }
    return
  }
}

module attributes {stable_mosaic.version = 14 : i64} {
  func.func @_mlp_body(%arg0: i32, %arg1: memref<1000x128xf32, #tpu.memory_space<vmem>>, %arg2: memref<2x1000x128xf32, #tpu.memory_space<vmem>>, %arg3: memref<128x128xf32, #tpu.memory_space<vmem>>, %arg4: memref<1x128xf32, #tpu.memory_space<vmem>>, %arg5: memref<128x128xf32, #tpu.memory_space<vmem>>, %arg6: memref<1x128xf32, #tpu.memory_space<vmem>>, %arg7: memref<1x128xf32, #tpu.memory_space<vmem>>, %arg8: memref<1x128xf32, #tpu.memory_space<vmem>>, %arg9: memref<1000x128xf32, #tpu.memory_space<vmem>>) attributes {dimension_semantics = [#tpu.dimension_semantics<arbitrary>], iteration_bounds = array<i64: 10>, scalar_prefetch = 0 : i64, scratch_operands = 0 : i64, tpu.core_type = #tpu.core_type<tc>, window_params = [{transform_indices = @transform_0, window_bounds = array<i64: 1000, 128>}, {transform_indices = @transform_1, window_bounds = array<i64: 2, 1000, 128>}, {pipeline_mode = #tpu.pipeline_mode<synchronous>, transform_indices = @transform_2, window_bounds = array<i64: 128, 128>}, {pipeline_mode = #tpu.pipeline_mode<synchronous>, transform_indices = @transform_3, window_bounds = array<i64: 1, 128>}, {pipeline_mode = #tpu.pipeline_mode<synchronous>, transform_indices = @transform_4, window_bounds = array<i64: 128, 128>}, {pipeline_mode = #tpu.pipeline_mode<synchronous>, transform_indices = @transform_5, window_bounds = array<i64: 1, 128>}, {pipeline_mode = #tpu.pipeline_mode<synchronous>, transform_indices = @transform_6, window_bounds = array<i64: 1, 128>}, {pipeline_mode = #tpu.pipeline_mode<synchronous>, transform_indices = @transform_7, window_bounds = array<i64: 1, 128>}, {transform_indices = @transform_8, window_bounds = array<i64: 1000, 128>}]} {
    %get3A = arith.constant 0 : index
    %get3A_0 = arith.constant 0 : index
    %get3A_1 = vector.load %arg1[%get3A, %get3A_0] : memref<1000x128xf32, #tpu.memory_space<vmem>>, vector<1000x128xf32>
    %get3A_2 = arith.constant 0 : index
    %get3A_3 = arith.constant 0 : index
    %get3A_4 = arith.constant 0 : index
    %get3A_5 = vector.load %arg2[%get3A_2, %get3A_3, %get3A_4] : memref<2x1000x128xf32, #tpu.memory_space<vmem>>, vector<1x1000x128xf32>
    %get3A_6 = vector.shape_cast %get3A_5 : vector<1x1000x128xf32> to vector<1000x128xf32>
    %add3A = arith.addf %get3A_1, %get3A_6 : vector<1000x128xf32>
    %get3A_7 = arith.constant 1 : index
    %get3A_8 = arith.constant 0 : index
    %get3A_9 = arith.constant 0 : index
    %get3A_10 = vector.load %arg2[%get3A_7, %get3A_8, %get3A_9] : memref<2x1000x128xf32, #tpu.memory_space<vmem>>, vector<1x1000x128xf32>
    %get3A_11 = vector.shape_cast %get3A_10 : vector<1x1000x128xf32> to vector<1000x128xf32>
    %add3A_12 = arith.addf %add3A, %get3A_11 : vector<1000x128xf32>
    %get3A_13 = arith.constant 0 : index
    %get3A_14 = arith.constant 0 : index
    %get3A_15 = vector.load %arg3[%get3A_13, %get3A_14] : memref<128x128xf32, #tpu.memory_space<vmem>>, vector<128x128xf32>
    %dot_general3A = arith.constant dense<0.000000e+00> : vector<1000x128xf32>
    %dot_general3A_16 = tpu.matmul %add3A_12, %get3A_15, %dot_general3A {dimension_numbers = #tpu.dot_dimension_numbers<[1], [0], [0], [1], [0, 0, 1, 1], [], []>, transpose_lhs_hint = false} : vector<1000x128xf32>, vector<128x128xf32>, vector<1000x128xf32> -> vector<1000x128xf32>
    %get3A_17 = arith.constant 0 : index
    %get3A_18 = arith.constant 0 : index
    %get3A_19 = vector.load %arg4[%get3A_17, %get3A_18] : memref<1x128xf32, #tpu.memory_space<vmem>>, vector<1x128xf32>
    %add3A_20 = vector.broadcast %get3A_19 : vector<1x128xf32> to vector<1000x128xf32>
    %add3A_21 = arith.addf %dot_general3A_16, %add3A_20 : vector<1000x128xf32>
    %ge3A = arith.constant 0.000000e+00 : f32
    %ge3A_22 = vector.broadcast %ge3A : f32 to vector<1000x128xf32>
    %ge3A_23 = arith.cmpf oge, %add3A_21, %ge3A_22 : vector<1000x128xf32>
    %mul3A = arith.constant 0.00999999977 : f32
    %mul3A_24 = vector.broadcast %mul3A : f32 to vector<1000x128xf32>
    %mul3A_25 = arith.mulf %mul3A_24, %add3A_21 : vector<1000x128xf32>
    %select_n3A = arith.select %ge3A_23, %add3A_21, %mul3A_25 : vector<1000x128xi1>, vector<1000x128xf32>
    %get3A_26 = arith.constant 0 : index
    %get3A_27 = arith.constant 0 : index
    %get3A_28 = vector.load %arg5[%get3A_26, %get3A_27] : memref<128x128xf32, #tpu.memory_space<vmem>>, vector<128x128xf32>
    %dot_general3A_29 = arith.constant dense<0.000000e+00> : vector<1000x128xf32>
    %dot_general3A_30 = tpu.matmul %select_n3A, %get3A_28, %dot_general3A_29 {dimension_numbers = #tpu.dot_dimension_numbers<[1], [0], [0], [1], [0, 0, 1, 1], [], []>, transpose_lhs_hint = false} : vector<1000x128xf32>, vector<128x128xf32>, vector<1000x128xf32> -> vector<1000x128xf32>
    %get3A_31 = arith.constant 0 : index
    %get3A_32 = arith.constant 0 : index
    %get3A_33 = vector.load %arg6[%get3A_31, %get3A_32] : memref<1x128xf32, #tpu.memory_space<vmem>>, vector<1x128xf32>
    %add3A_34 = vector.broadcast %get3A_33 : vector<1x128xf32> to vector<1000x128xf32>
    %add3A_35 = arith.addf %dot_general3A_30, %add3A_34 : vector<1000x128xf32>
    %ge3A_36 = arith.constant 0.000000e+00 : f32
    %ge3A_37 = vector.broadcast %ge3A_36 : f32 to vector<1000x128xf32>
    %ge3A_38 = arith.cmpf oge, %add3A_35, %ge3A_37 : vector<1000x128xf32>
    %mul3A_39 = arith.constant 0.00999999977 : f32
    %mul3A_40 = vector.broadcast %mul3A_39 : f32 to vector<1000x128xf32>
    %mul3A_41 = arith.mulf %mul3A_40, %add3A_35 : vector<1000x128xf32>
    %select_n3A_42 = arith.select %ge3A_38, %add3A_35, %mul3A_41 : vector<1000x128xi1>, vector<1000x128xf32>
    %reduce_sum3A = arith.constant dense<0.000000e+00> : vector<1000xf32>
    %reduce_sum3A_43 = vector.multi_reduction <add>, %select_n3A_42, %reduce_sum3A [1] : vector<1000x128xf32> to vector<1000xf32>
    %broadcast_in_dim3A = vector.shape_cast %reduce_sum3A_43 : vector<1000xf32> to vector<1000x1xf32>
    %div3A = arith.constant 1.280000e+02 : f32
    %div3A_44 = vector.broadcast %div3A : f32 to vector<1000x1xf32>
    %div3A_45 = arith.divf %broadcast_in_dim3A, %div3A_44 : vector<1000x1xf32>
    %sub3A = vector.broadcast %div3A_45 : vector<1000x1xf32> to vector<1000x128xf32>
    %sub3A_46 = arith.subf %select_n3A_42, %sub3A : vector<1000x128xf32>
    %sub3A_47 = vector.broadcast %div3A_45 : vector<1000x1xf32> to vector<1000x128xf32>
    %sub3A_48 = arith.subf %select_n3A_42, %sub3A_47 : vector<1000x128xf32>
    %mul3A_49 = arith.mulf %sub3A_46, %sub3A_48 : vector<1000x128xf32>
    %reduce_sum3A_50 = arith.constant dense<0.000000e+00> : vector<1000xf32>
    %reduce_sum3A_51 = vector.multi_reduction <add>, %mul3A_49, %reduce_sum3A_50 [1] : vector<1000x128xf32> to vector<1000xf32>
    %broadcast_in_dim3A_52 = vector.shape_cast %reduce_sum3A_51 : vector<1000xf32> to vector<1000x1xf32>
    %div3A_53 = arith.constant 1.280000e+02 : f32
    %div3A_54 = vector.broadcast %div3A_53 : f32 to vector<1000x1xf32>
    %div3A_55 = arith.divf %broadcast_in_dim3A_52, %div3A_54 : vector<1000x1xf32>
    %sub3A_56 = vector.broadcast %div3A_45 : vector<1000x1xf32> to vector<1000x128xf32>
    %sub3A_57 = arith.subf %select_n3A_42, %sub3A_56 : vector<1000x128xf32>
    %add3A_58 = arith.constant 9.99999974E-6 : f32
    %add3A_59 = vector.broadcast %add3A_58 : f32 to vector<1000x1xf32>
    %add3A_60 = arith.addf %div3A_55, %add3A_59 : vector<1000x1xf32>
    %rsqrt3A = math.rsqrt %add3A_60 : vector<1000x1xf32>
    %mul3A_61 = vector.broadcast %rsqrt3A : vector<1000x1xf32> to vector<1000x128xf32>
    %mul3A_62 = arith.mulf %sub3A_57, %mul3A_61 : vector<1000x128xf32>
    %get3A_63 = arith.constant 0 : index
    %get3A_64 = arith.constant 0 : index
    %get3A_65 = vector.load %arg7[%get3A_63, %get3A_64] : memref<1x128xf32, #tpu.memory_space<vmem>>, vector<1x128xf32>
    %mul3A_66 = vector.broadcast %get3A_65 : vector<1x128xf32> to vector<1000x128xf32>
    %mul3A_67 = arith.mulf %mul3A_62, %mul3A_66 : vector<1000x128xf32>
    %get3A_68 = arith.constant 0 : index
    %get3A_69 = arith.constant 0 : index
    %get3A_70 = vector.load %arg8[%get3A_68, %get3A_69] : memref<1x128xf32, #tpu.memory_space<vmem>>, vector<1x128xf32>
    %add3A_71 = vector.broadcast %get3A_70 : vector<1x128xf32> to vector<1000x128xf32>
    %add3A_72 = arith.addf %mul3A_67, %add3A_71 : vector<1000x128xf32>
    %swap3A = arith.constant 0 : index
    %swap3A_73 = arith.constant 0 : index
    %swap3A_74 = vector.load %arg9[%swap3A, %swap3A_73] : memref<1000x128xf32, #tpu.memory_space<vmem>>, vector<1000x128xf32>
    tpu.vector_store %arg9[%swap3A, %swap3A_73], %add3A_72 {strides = array<i32>} : memref<1000x128xf32, #tpu.memory_space<vmem>>, vector<1000x128xf32>,
    return
  }
  func.func @transform_0(%arg0: i32) -> (i32, i32) {
    %c0_i32 = arith.constant 0 : i32
    %c0_i32_0 = arith.constant 0 : i32
    return %arg0, %c0_i32 : i32, i32
  }
  func.func @transform_1(%arg0: i32) -> (i32, i32, i32) {
    %c0_i32 = arith.constant 0 : i32
    %c0_i32_0 = arith.constant 0 : i32
    %c0_i32_1 = arith.constant 0 : i32
    return %c0_i32, %arg0, %c0_i32_0 : i32, i32, i32
  }
  func.func @transform_2(%arg0: i32) -> (i32, i32) {
    %c0_i32 = arith.constant 0 : i32
    %c0_i32_0 = arith.constant 0 : i32
    %c0_i32_1 = arith.constant 0 : i32
    return %c0_i32, %c0_i32_0 : i32, i32
  }
  func.func @transform_3(%arg0: i32) -> (i32, i32) {
    %c0_i32 = arith.constant 0 : i32
    %c0_i32_0 = arith.constant 0 : i32
    %c0_i32_1 = arith.constant 0 : i32
    return %c0_i32, %c0_i32_0 : i32, i32
  }
  func.func @transform_4(%arg0: i32) -> (i32, i32) {
    %c0_i32 = arith.constant 0 : i32
    %c0_i32_0 = arith.constant 0 : i32
    %c0_i32_1 = arith.constant 0 : i32
    return %c0_i32, %c0_i32_0 : i32, i32
  }
  func.func @transform_5(%arg0: i32) -> (i32, i32) {
    %c0_i32 = arith.constant 0 : i32
    %c0_i32_0 = arith.constant 0 : i32
    %c0_i32_1 = arith.constant 0 : i32
    return %c0_i32, %c0_i32_0 : i32, i32
  }
  func.func @transform_6(%arg0: i32) -> (i32, i32) {
    %c0_i32 = arith.constant 0 : i32
    %c0_i32_0 = arith.constant 0 : i32
    %c0_i32_1 = arith.constant 0 : i32
    return %c0_i32, %c0_i32_0 : i32, i32
  }
  func.func @transform_7(%arg0: i32) -> (i32, i32) {
    %c0_i32 = arith.constant 0 : i32
    %c0_i32_0 = arith.constant 0 : i32
    %c0_i32_1 = arith.constant 0 : i32
    return %c0_i32, %c0_i32_0 : i32, i32
  }
  func.func @transform_8(%arg0: i32) -> (i32, i32) {
    %c0_i32 = arith.constant 0 : i32
    %c0_i32_0 = arith.constant 0 : i32
    return %arg0, %c0_i32 : i32, i32
  }
}

module attributes {stable_mosaic.version = 14 : i64} {
  func.func @_mlp_body(%arg0: i32, %arg1: memref<1000x128xf32, #tpu.memory_space<vmem>>, %arg2: memref<2x1000x128xf32, #tpu.memory_space<vmem>>, %arg3: memref<128x128xf32, #tpu.memory_space<vmem>>, %arg4: memref<1x128xf32, #tpu.memory_space<vmem>>, %arg5: memref<128x128xf32, #tpu.memory_space<vmem>>, %arg6: memref<1x128xf32, #tpu.memory_space<vmem>>, %arg7: memref<1x128xf32, #tpu.memory_space<vmem>>, %arg8: memref<1x128xf32, #tpu.memory_space<vmem>>, %arg9: memref<1000x128xf32, #tpu.memory_space<vmem>>) attributes {dimension_semantics = [#tpu.dimension_semantics<arbitrary>], iteration_bounds = array<i64: 10>, scalar_prefetch = 0 : i64, scratch_operands = 0 : i64, tpu.core_type = #tpu.core_type<tc>, window_params = [{transform_indices = @transform_0, window_bounds = array<i64: 1000, 128>}, {transform_indices = @transform_1, window_bounds = array<i64: 2, 1000, 128>}, {pipeline_mode = #tpu.pipeline_mode<synchronous>, transform_indices = @transform_2, window_bounds = array<i64: 128, 128>}, {pipeline_mode = #tpu.pipeline_mode<synchronous>, transform_indices = @transform_3, window_bounds = array<i64: 1, 128>}, {pipeline_mode = #tpu.pipeline_mode<synchronous>, transform_indices = @transform_4, window_bounds = array<i64: 128, 128>}, {pipeline_mode = #tpu.pipeline_mode<synchronous>, transform_indices = @transform_5, window_bounds = array<i64: 1, 128>}, {pipeline_mode = #tpu.pipeline_mode<synchronous>, transform_indices = @transform_6, window_bounds = array<i64: 1, 128>}, {pipeline_mode = #tpu.pipeline_mode<synchronous>, transform_indices = @transform_7, window_bounds = array<i64: 1, 128>}, {transform_indices = @transform_8, window_bounds = array<i64: 1000, 128>}]} {
    %get3A = arith.constant 0 : index
    %get3A_0 = arith.constant 0 : index
    %get3A_1 = vector.load %arg1[%get3A, %get3A_0] : memref<1000x128xf32, #tpu.memory_space<vmem>>, vector<1000x128xf32>
    %get3A_2 = arith.constant 0 : index
    %get3A_3 = arith.constant 0 : index
    %get3A_4 = arith.constant 0 : index
    %get3A_5 = vector.load %arg2[%get3A_2, %get3A_3, %get3A_4] : memref<2x1000x128xf32, #tpu.memory_space<vmem>>, vector<1x1000x128xf32>
    %get3A_6 = vector.shape_cast %get3A_5 : vector<1x1000x128xf32> to vector<1000x128xf32>
    %add3A = arith.addf %get3A_1, %get3A_6 : vector<1000x128xf32>
    %get3A_7 = arith.constant 1 : index
    %get3A_8 = arith.constant 0 : index
    %get3A_9 = arith.constant 0 : index
    %get3A_10 = vector.load %arg2[%get3A_7, %get3A_8, %get3A_9] : memref<2x1000x128xf32, #tpu.memory_space<vmem>>, vector<1x1000x128xf32>
    %get3A_11 = vector.shape_cast %get3A_10 : vector<1x1000x128xf32> to vector<1000x128xf32>
    %add3A_12 = arith.addf %add3A, %get3A_11 : vector<1000x128xf32>
    %get3A_13 = arith.constant 0 : index
    %get3A_14 = arith.constant 0 : index
    %get3A_15 = vector.load %arg3[%get3A_13, %get3A_14] : memref<128x128xf32, #tpu.memory_space<vmem>>, vector<128x128xf32>
    %dot_general3A = arith.constant dense<0.000000e+00> : vector<1000x128xf32>
    %dot_general3A_16 = tpu.matmul %add3A_12, %get3A_15, %dot_general3A {dimension_numbers = #tpu.dot_dimension_numbers<[1], [0], [0], [1], [0, 0, 1, 1], [], []>, transpose_lhs_hint = false} : vector<1000x128xf32>, vector<128x128xf32>, vector<1000x128xf32> -> vector<1000x128xf32>
    %get3A_17 = arith.constant 0 : index
    %get3A_18 = arith.constant 0 : index
    %get3A_19 = vector.load %arg4[%get3A_17, %get3A_18] : memref<1x128xf32, #tpu.memory_space<vmem>>, vector<1x128xf32>
    %add3A_20 = vector.broadcast %get3A_19 : vector<1x128xf32> to vector<1000x128xf32>
    %add3A_21 = arith.addf %dot_general3A_16, %add3A_20 : vector<1000x128xf32>
    %ge3A = arith.constant 0.000000e+00 : f32
    %ge3A_22 = vector.broadcast %ge3A : f32 to vector<1000x128xf32>
    %ge3A_23 = arith.cmpf oge, %add3A_21, %ge3A_22 : vector<1000x128xf32>
    %mul3A = arith.constant 0.00999999977 : f32
    %mul3A_24 = vector.broadcast %mul3A : f32 to vector<1000x128xf32>
    %mul3A_25 = arith.mulf %mul3A_24, %add3A_21 : vector<1000x128xf32>
    %select_n3A = arith.select %ge3A_23, %add3A_21, %mul3A_25 : vector<1000x128xi1>, vector<1000x128xf32>
    %get3A_26 = arith.constant 0 : index
    %get3A_27 = arith.constant 0 : index
    %get3A_28 = vector.load %arg5[%get3A_26, %get3A_27] : memref<128x128xf32, #tpu.memory_space<vmem>>, vector<128x128xf32>
    %dot_general3A_29 = arith.constant dense<0.000000e+00> : vector<1000x128xf32>
    %dot_general3A_30 = tpu.matmul %select_n3A, %get3A_28, %dot_general3A_29 {dimension_numbers = #tpu.dot_dimension_numbers<[1], [0], [0], [1], [0, 0, 1, 1], [], []>, transpose_lhs_hint = false} : vector<1000x128xf32>, vector<128x128xf32>, vector<1000x128xf32> -> vector<1000x128xf32>
    %get3A_31 = arith.constant 0 : index
    %get3A_32 = arith.constant 0 : index
    %get3A_33 = vector.load %arg6[%get3A_31, %get3A_32] : memref<1x128xf32, #tpu.memory_space<vmem>>, vector<1x128xf32>
    %add3A_34 = vector.broadcast %get3A_33 : vector<1x128xf32> to vector<1000x128xf32>
    %add3A_35 = arith.addf %dot_general3A_30, %add3A_34 : vector<1000x128xf32>
    %swap3A = arith.constant 0 : index
    %swap3A_36 = arith.constant 0 : index
    %swap3A_37 = vector.load %arg9[%swap3A, %swap3A_36] : memref<1000x128xf32, #tpu.memory_space<vmem>>, vector<1000x128xf32>
    tpu.vector_store %arg9[%swap3A, %swap3A_36], %add3A_35 {strides = array<i32>} : memref<1000x128xf32, #tpu.memory_space<vmem>>, vector<1000x128xf32>,
    return
  }
  func.func @transform_0(%arg0: i32) -> (i32, i32) {
    %c0_i32 = arith.constant 0 : i32
    %c0_i32_0 = arith.constant 0 : i32
    return %arg0, %c0_i32 : i32, i32
  }
  func.func @transform_1(%arg0: i32) -> (i32, i32, i32) {
    %c0_i32 = arith.constant 0 : i32
    %c0_i32_0 = arith.constant 0 : i32
    %c0_i32_1 = arith.constant 0 : i32
    return %c0_i32, %arg0, %c0_i32_0 : i32, i32, i32
  }
  func.func @transform_2(%arg0: i32) -> (i32, i32) {
    %c0_i32 = arith.constant 0 : i32
    %c0_i32_0 = arith.constant 0 : i32
    %c0_i32_1 = arith.constant 0 : i32
    return %c0_i32, %c0_i32_0 : i32, i32
  }
  func.func @transform_3(%arg0: i32) -> (i32, i32) {
    %c0_i32 = arith.constant 0 : i32
    %c0_i32_0 = arith.constant 0 : i32
    %c0_i32_1 = arith.constant 0 : i32
    return %c0_i32, %c0_i32_0 : i32, i32
  }
  func.func @transform_4(%arg0: i32) -> (i32, i32) {
    %c0_i32 = arith.constant 0 : i32
    %c0_i32_0 = arith.constant 0 : i32
    %c0_i32_1 = arith.constant 0 : i32
    return %c0_i32, %c0_i32_0 : i32, i32
  }
  func.func @transform_5(%arg0: i32) -> (i32, i32) {
    %c0_i32 = arith.constant 0 : i32
    %c0_i32_0 = arith.constant 0 : i32
    %c0_i32_1 = arith.constant 0 : i32
    return %c0_i32, %c0_i32_0 : i32, i32
  }
  func.func @transform_6(%arg0: i32) -> (i32, i32) {
    %c0_i32 = arith.constant 0 : i32
    %c0_i32_0 = arith.constant 0 : i32
    %c0_i32_1 = arith.constant 0 : i32
    return %c0_i32, %c0_i32_0 : i32, i32
  }
  func.func @transform_7(%arg0: i32) -> (i32, i32) {
    %c0_i32 = arith.constant 0 : i32
    %c0_i32_0 = arith.constant 0 : i32
    %c0_i32_1 = arith.constant 0 : i32
    return %c0_i32, %c0_i32_0 : i32, i32
  }
  func.func @transform_8(%arg0: i32) -> (i32, i32) {
    %c0_i32 = arith.constant 0 : i32
    %c0_i32_0 = arith.constant 0 : i32
    return %arg0, %c0_i32 : i32, i32
  }
}

module attributes {stable_mosaic.version = 14 : i64} {
  func.func @_pool_body(%arg0: memref<10000x128xf32, #tpu.memory_space<vmem>>, %arg1: memref<10000x1xi32, #tpu.memory_space<vmem>>, %arg2: memref<128x128xf32, #tpu.memory_space<vmem>>, %arg3: memref<1x128xf32, #tpu.memory_space<vmem>>, %arg4: memref<128x128xf32, #tpu.memory_space<vmem>>, %arg5: memref<1x128xf32, #tpu.memory_space<vmem>>, %arg6: memref<64x128xf32, #tpu.memory_space<vmem>>) attributes {dimension_semantics = [], scalar_prefetch = 0 : i64, scratch_operands = 0 : i64, tpu.core_type = #tpu.core_type<tc>} {
    %get3A = arith.constant 0 : index
    %get3A_0 = arith.constant 0 : index
    %get3A_1 = vector.load %arg0[%get3A, %get3A_0] : memref<10000x128xf32, #tpu.memory_space<vmem>>, vector<10000x128xf32>
    %ge3A = arith.constant 0.000000e+00 : f32
    %ge3A_2 = vector.broadcast %ge3A : f32 to vector<10000x128xf32>
    %ge3A_3 = arith.cmpf oge, %get3A_1, %ge3A_2 : vector<10000x128xf32>
    %mul3A = arith.constant 0.00999999977 : f32
    %mul3A_4 = vector.broadcast %mul3A : f32 to vector<10000x128xf32>
    %mul3A_5 = arith.mulf %mul3A_4, %get3A_1 : vector<10000x128xf32>
    %select_n3A = arith.select %ge3A_3, %get3A_1, %mul3A_5 : vector<10000x128xi1>, vector<10000x128xf32>
    %iota3A = tpu.iota {dimensions = array<i32: 1>} : vector<10000x64xi32>
    %get3A_6 = arith.constant 0 : index
    %get3A_7 = arith.constant 0 : index
    %get3A_8 = vector.load %arg1[%get3A_6, %get3A_7] : memref<10000x1xi32, #tpu.memory_space<vmem>>, vector<10000x1xi32>
    %eq3A = vector.broadcast %get3A_8 : vector<10000x1xi32> to vector<10000x64xi32>
    %eq3A_9 = arith.cmpi eq, %eq3A, %iota3A : vector<10000x64xi32>
    %convert_element_type3A = arith.extui %eq3A_9 : vector<10000x64xi1> to vector<10000x64xi32>
    %convert_element_type3A_10 = arith.sitofp %convert_element_type3A : vector<10000x64xi32> to vector<10000x64xf32>
    %dot_general3A = arith.constant dense<0.000000e+00> : vector<64x128xf32>
    %dot_general3A_11 = tpu.matmul %convert_element_type3A_10, %select_n3A, %dot_general3A {dimension_numbers = #tpu.dot_dimension_numbers<[0], [0], [1], [1], [0, 1, 1, 1], [], []>, transpose_lhs_hint = false} : vector<10000x64xf32>, vector<10000x128xf32>, vector<64x128xf32> -> vector<64x128xf32>
    %broadcast_in_dim3A = arith.constant 1.000000e+00 : f32
    %broadcast_in_dim3A_12 = vector.broadcast %broadcast_in_dim3A : f32 to vector<10000x1xf32>
    %dot_general3A_13 = arith.constant dense<0.000000e+00> : vector<64x1xf32>
    %dot_general3A_14 = tpu.matmul %convert_element_type3A_10, %broadcast_in_dim3A_12, %dot_general3A_13 {dimension_numbers = #tpu.dot_dimension_numbers<[0], [0], [1], [1], [0, 1, 1, 1], [], []>, transpose_lhs_hint = false} : vector<10000x64xf32>, vector<10000x1xf32>, vector<64x1xf32> -> vector<64x1xf32>
    %max3A = arith.constant 1.000000e+00 : f32
    %max3A_15 = vector.broadcast %max3A : f32 to vector<64x1xf32>
    %max3A_16 = arith.maximumf %dot_general3A_14, %max3A_15 : vector<64x1xf32>
    %div3A = vector.broadcast %max3A_16 : vector<64x1xf32> to vector<64x128xf32>
    %div3A_17 = arith.divf %dot_general3A_11, %div3A : vector<64x128xf32>
    %get3A_18 = arith.constant 0 : index
    %get3A_19 = arith.constant 0 : index
    %get3A_20 = vector.load %arg2[%get3A_18, %get3A_19] : memref<128x128xf32, #tpu.memory_space<vmem>>, vector<128x128xf32>
    %dot_general3A_21 = arith.constant dense<0.000000e+00> : vector<64x128xf32>
    %dot_general3A_22 = tpu.matmul %div3A_17, %get3A_20, %dot_general3A_21 {dimension_numbers = #tpu.dot_dimension_numbers<[1], [0], [0], [1], [0, 0, 1, 1], [], []>, transpose_lhs_hint = false} : vector<64x128xf32>, vector<128x128xf32>, vector<64x128xf32> -> vector<64x128xf32>
    %get3A_23 = arith.constant 0 : index
    %get3A_24 = arith.constant 0 : index
    %get3A_25 = vector.load %arg3[%get3A_23, %get3A_24] : memref<1x128xf32, #tpu.memory_space<vmem>>, vector<1x128xf32>
    %add3A = vector.broadcast %get3A_25 : vector<1x128xf32> to vector<64x128xf32>
    %add3A_26 = arith.addf %dot_general3A_22, %add3A : vector<64x128xf32>
    %get3A_27 = arith.constant 0 : index
    %get3A_28 = arith.constant 0 : index
    %get3A_29 = vector.load %arg4[%get3A_27, %get3A_28] : memref<128x128xf32, #tpu.memory_space<vmem>>, vector<128x128xf32>
    %dot_general3A_30 = arith.constant dense<0.000000e+00> : vector<64x128xf32>
    %dot_general3A_31 = tpu.matmul %add3A_26, %get3A_29, %dot_general3A_30 {dimension_numbers = #tpu.dot_dimension_numbers<[1], [0], [0], [1], [0, 0, 1, 1], [], []>, transpose_lhs_hint = false} : vector<64x128xf32>, vector<128x128xf32>, vector<64x128xf32> -> vector<64x128xf32>
    %get3A_32 = arith.constant 0 : index
    %get3A_33 = arith.constant 0 : index
    %get3A_34 = vector.load %arg5[%get3A_32, %get3A_33] : memref<1x128xf32, #tpu.memory_space<vmem>>, vector<1x128xf32>
    %add3A_35 = vector.broadcast %get3A_34 : vector<1x128xf32> to vector<64x128xf32>
    %add3A_36 = arith.addf %dot_general3A_31, %add3A_35 : vector<64x128xf32>
    %reduce_max3A = arith.constant dense<0xFF800000> : vector<64xf32>
    %reduce_max3A_37 = vector.multi_reduction <maximumf>, %add3A_36, %reduce_max3A [1] : vector<64x128xf32> to vector<64xf32>
    %broadcast_in_dim3A_38 = vector.shape_cast %reduce_max3A_37 : vector<64xf32> to vector<64x1xf32>
    %sub3A = vector.broadcast %broadcast_in_dim3A_38 : vector<64x1xf32> to vector<64x128xf32>
    %sub3A_39 = arith.subf %add3A_36, %sub3A : vector<64x128xf32>
    %exp3A = math.exp %sub3A_39 : vector<64x128xf32>
    %reduce_sum3A = arith.constant dense<0.000000e+00> : vector<64xf32>
    %reduce_sum3A_40 = vector.multi_reduction <add>, %exp3A, %reduce_sum3A [1] : vector<64x128xf32> to vector<64xf32>
    %broadcast_in_dim3A_41 = vector.shape_cast %reduce_sum3A_40 : vector<64xf32> to vector<64x1xf32>
    %log3A = math.log %broadcast_in_dim3A_41 : vector<64x1xf32>
    %add3A_42 = arith.addf %broadcast_in_dim3A_38, %log3A : vector<64x1xf32>
    %sub3A_43 = vector.broadcast %add3A_42 : vector<64x1xf32> to vector<64x128xf32>
    %sub3A_44 = arith.subf %add3A_36, %sub3A_43 : vector<64x128xf32>
    %swap3A = arith.constant 0 : index
    %swap3A_45 = arith.constant 0 : index
    %swap3A_46 = vector.load %arg6[%swap3A, %swap3A_45] : memref<64x128xf32, #tpu.memory_space<vmem>>, vector<64x128xf32>
    tpu.vector_store %arg6[%swap3A, %swap3A_45], %sub3A_44 {strides = array<i32>} : memref<64x128xf32, #tpu.memory_space<vmem>>, vector<64x128xf32>,
    return
  }
}

</mosaic_0001>

<sc_bundles>
// kernel: kernel.12.cloned.1.call-start
scs
__scs_entry_jumppad:
0x0: {  	(pc) =	sbr.rel $0x88, $3  }
0x1: {  	(tag) =	ssettag $0x0;
	lr =	simm.s32 $0x1  }
0x2: {  	[smem:$0x3F8A] =	sst lr;
	_ =	strace $0xD0000000  }
0x3: {  	_ = 	snop  }
0x4: {  	_ = 	snop  }
0x5: {  	_ = 	snop  }
0x6: {  	_ = 	snop  }
0x7: {  	_ = 	snop  }
__scs_overlays_trampoline_lowered:
0x8: {  	[smem:$0x3F99] =	sst s0  }
0x9: {  	[smem:$0x3F9A] =	sst s1  }
0xa: {  	[smem:$0x3F9B] =	sst s2  }
0xb: {  	[smem:$0x3F9C] =	sst s3  }
0xc: {  	[smem:$0x3F9D] =	sst s4  }
0xd: {  	[smem:$0x3F9E] =	sst s5  }
0xe: {  	[smem:$0x3F9F] =	sst s6  }
0xf: {  	[smem:$0x3FA0] =	sst s7  }
0x10: {  	[smem:$0x3FA1] =	sst s8  }
0x11: {  	[smem:$0x3FA2] =	sst s9;
	s0 =	simm.s32 @!p0 $0x0  }
0x12: {  	s1 =	sld [smem:$0x3F88];
	s0 =	simm.s32 @p0 $0x1  }
0x13: {  	[smem:$0x3FA3] =	sst s0;
	s0 =	simm.s32 @!p1 $0x0  }
0x14: {  	s2 =	sld [smem:$0x3F87];
	s0 =	simm.s32 @p1 $0x1  }
0x15: {  	[smem:$0x3FA4] =	sst s0;
	s0 =	simm.s32 @!p2 $0x0  }
0x16: {  	s3 =	sld [smem:$0x3FDB];
	s0 =	simm.s32 @p2 $0x1  }
0x17: {  	s4 =	simm.s32 $0x1BF5;
	[smem:$0x3FA6] =	sst s0  }
0x18: {  	s0 =	sld [smem:$0x3F89];
	_ =	swait.ge [sflag:s4], $0x0  }
0x19: {  	s7 =	sld [smem:$0x3F8A]  }
0x1a: {  	s8 =	sadd.s32 $0xFFFFE003, lr  }
0x1b: {  	s9 =	sadd.s32 $0xFFFFFEF7, lr;
	s5 =	simm.s32 $0xFFFFFFFF;
	p2 =	slt.u32 s8, $0xFFFFF086  }
0x1c: {  	p1 =	slt.u32 s9, $0xF7A;
	s5 =	simm.s32 @!p2 $0x0  }
0x1d: {  	s5 =	simm.s32 @p1 $0x1;
	p0 =	seq.s32 s7, s2  }
0x1e: {  	s7 =	smul.u32 @!p0 $0xF7A, s2;
	p2 =	seq.s32 @!p0 s5, $0x0  }
0x1f: {  	s9 =	smul.u32 $0xF7A, s1;
	s8 =	simm.s32 @!p0 $0x1BF5;
	p2 =	por !p2, p0  }
0x20: {  	[sflag:s8] =	ssyncset.s32 @!p0 $0xFFFFF086;
	s6 =	sadd.s32 @!p0 s3, s7;
	s7 =	simm.s32 @!p0 $0x108  }
0x21: {  	s3 =	sadd.s32 s3, s9;
	s6 =	sadd.s32 @!p0 $0x88, s6;
	s7 =	simm.s32 @p2 $0x1082  }
0x22: {  	[simem:s7], [sflag:s8] =	dma.local @!p0 [hbm:s6], $0xF7A  }
0x23: {  	s9 =	sor.u32 $0xD0000000, s2;
	s6 =	simm.s32 $0x108;
	_ =	swait.ge @!p0 [sflag:s8], $0x0  }
0x24: {  	s3 =	sadd.s32 $0x88, s3;
	s6 =	simm.s32 @!p1 $0x1082;
	[sflag:s4] =	ssyncset.s32 $0xFFFFF086  }
0x25: {  	[simem:s6], [sflag:s4] =	dma.local [hbm:s3], $0xF7A  }
0x26: {  	[smem:$0x3F8A] =	sst s1;
	(tag) =	ssettag s2;
	_ =	strace s9  }
0x27: {  	s1 =	sld [smem:$0x3F9A]  }
0x28: {  	s2 =	sld [smem:$0x3F9B]  }
0x29: {  	s4 =	sld [smem:$0x3F9D]  }
0x2a: {  	p0 =	seq.s32 s5, $0x0;
	s5 =	sld [smem:$0x3F9E]  }
0x2b: {  	s6 =	sld [smem:$0x3F9F]  }
0x2c: {  	s7 =	sld [smem:$0x3FA0]  }
0x2d: {  	s3 =	simm.s32 $0x108;
	s8 =	sld [smem:$0x3FA1]  }
0x2e: {  	s3 =	simm.s32 @!p0 $0x1082;
	s9 =	sld [smem:$0x3FA2]  }
0x2f: {  	lr =	sadd.s32 s0, s3;
	s0 =	sld [smem:$0x3F99]  }
0x30: {  	s3 =	sld [smem:$0x3F9C]  }
0x31: {  	[smem:$0x3FA5] =	sst s10  }
0x32: {  	s10 =	sld [smem:$0x3FA3];
	_ =	sdelay $0x3  }
0x33: {  	p0 =	seq.s32 s10, $0x1;
	s10 =	sld [smem:$0x3FA5];
	_ =	sdelay $0x3  }
0x34: {  	[smem:$0x3FA5] =	sst s10  }
0x35: {  	s10 =	sld [smem:$0x3FA4];
	_ =	sdelay $0x3  }
0x36: {  	p1 =	seq.s32 s10, $0x1;
	s10 =	sld [smem:$0x3FA5];
	_ =	sdelay $0x3  }
0x37: {  	[smem:$0x3FA5] =	sst s10  }
0x38: {  	s10 =	sld [smem:$0x3FA6]  }
0x39: {  	_ = 	snop;
	(pc) =	sbr.ind lr, $3  }
0x3a: {  	_ = 	snop  }
0x3b: {  	_ = 	snop  }
0x3c: {  	p2 =	seq.s32 s10, $0x1;
	s10 =	sld [smem:$0x3FA5]  }
0x3d: {  	_ =	shalt  }
0x3e: {  	_ =	shalt  }
0x3f: {  	_ =	shalt  }
0x40: {  	_ =	shalt  }
0x41: {  	_ =	shalt  }
0x42: {  	_ =	shalt  }
0x43: {  	_ =	shalt  }
0x44: {  	_ =	shalt  }
0x45: {  	_ =	shalt  }
0x46: {  	_ =	shalt  }
0x47: {  	_ =	shalt  }
0x48: {  	_ =	shalt  }
0x49: {  	_ =	shalt  }
0x4a: {  	_ =	shalt  }
0x4b: {  	_ =	shalt  }
0x4c: {  	_ =	shalt  }
0x4d: {  	_ =	shalt  }
0x4e: {  	_ =	shalt  }
0x4f: {  	_ =	shalt  }
0x50: {  	_ =	shalt  }
0x51: {  	_ =	shalt  }
0x52: {  	_ =	shalt  }
0x53: {  	_ =	shalt  }
0x54: {  	_ =	shalt  }
0x55: {  	_ =	shalt  }
0x56: {  	_ =	shalt  }
0x57: {  	_ =	shalt  }
0x58: {  	_ =	shalt  }
0x59: {  	_ =	shalt  }
0x5a: {  	_ =	shalt  }
0x5b: {  	_ =	shalt  }
0x5c: {  	_ =	shalt  }
0x5d: {  	_ =	shalt  }
0x5e: {  	_ =	shalt  }
0x5f: {  	_ =	shalt  }
0x60: {  	_ =	shalt  }
0x61: {  	_ =	shalt  }
0x62: {  	_ =	shalt  }
0x63: {  	_ =	shalt  }
0x64: {  	_ =	shalt  }
0x65: {  	_ =	shalt  }
0x66: {  	_ =	shalt  }
0x67: {  	_ =	shalt  }
0x68: {  	_ =	shalt  }
0x69: {  	_ =	shalt  }
0x6a: {  	_ =	shalt  }
0x6b: {  	_ =	shalt  }
0x6c: {  	_ =	shalt  }
0x6d: {  	_ =	shalt  }
0x6e: {  	_ =	shalt  }
0x6f: {  	_ =	shalt  }
0x70: {  	_ =	shalt  }
0x71: {  	_ =	shalt  }
0x72: {  	_ =	shalt  }
0x73: {  	_ =	shalt  }
0x74: {  	_ =	shalt  }
0x75: {  	_ =	shalt  }
0x76: {  	_ =	shalt  }
0x77: {  	_ =	shalt  }
0x78: {  	_ =	shalt  }
0x79: {  	_ =	shalt  }
0x7a: {  	_ =	shalt  }
0x7b: {  	_ =	shalt  }
0x7c: {  	_ =	shalt  }
0x7d: {  	_ =	shalt  }
0x7e: {  	_ =	shalt  }
0x7f: {  	_ =	shalt  }
0x80: {  	_ =	shalt  }
0x81: {  	_ =	shalt  }
0x82: {  	_ =	shalt  }
0x83: {  	_ =	shalt  }
0x84: {  	_ =	shalt  }
0x85: {  	_ =	shalt  }
0x86: {  	_ =	shalt  }
0x87: {  	_ =	shalt  }
.Lfunc_end0:
.L_simem_size_0:
called_computation.1_lowered:
.L_overlay_start_0:
0x88: {  	s2 =	sld [smem:$0x3FD9]  }
0x89: {  	s3 =	sld [smem:$0x3FFE];
	_ =	sdelay $0x1  }
0x8a: {  	s1 =	srdreg.scid  }
0x8b: {  	s0 =	sand.u32 $0x1, s1  }
0x8c: {  	s14 =	sshll.u32 s0, $0xA;
	s2 =	sadd.s32 s3, s2  }
0x8d: {  	s2 =	sadd.s32 s2, s14  }
0x8e: {  	[smem:$0x3FB1] =	sst s2  }
0x8f: {  	_ = 	snop  }
0x90: {  	s2 =	sld [smem:$0x3FD0];
	_ =	sdelay $0x2  }
0x91: {  	s15 =	simm.s32 $0xA;
	s4 =	simm.s32 $0x10  }
0x92: {  	[smem:s4], [sflag:s15] =	dma.local [hbm:s2], $0x1  }
0x93: {  	_ =	swait.eq [sflag:s15], $0x1  }
0x94: {  	[sflag:s15] =	ssyncset.done $0x0  }
0x95: {  	[sflag:s15] =	ssyncadd.s32 $0xFFFFFFFF  }
0x96: {  	s16 =	sld [smem:$0x10];
	(tm) =	ssettm $0x1  }
0x97: {  	s17 =	sld [smem:$0x3FFB];
	_ =	sdelay $0x3  }
0x98: {  	_ =	strace s17  }
0x99: {  	s3 =	sld [smem:$0x3FFC];
	_ =	sdelay $0x3  }
0x9a: {  	_ =	strace s3  }
0x9b: {  	s3 =	sld [smem:$0x3FFD];
	_ =	sdelay $0x3  }
0x9c: {  	_ =	strace s3  }
0x9d: {  	_ =	strace $0x8FFFFFFF  }
0x9e: {  	s18 =	sld [smem:$0x3FDB];
	_ =	sdelay $0x1  }
0x9f: {  	s19 =	simm.s32 $_scs_section_size  }
0xa0: {  	s5 =	simm.s32 $_size__tile_overlayer_lowered;
	s6 =	simm.s32 $_tile_overlayer_lowered  }
0xa1: {  	s22 =	simm.s32 $0x1BFF;
	s21 =	sshll.u32 s6, $0x1;
	s3 =	sadd.s32 s19, s18  }
0xa2: {  	s7 =	simm.s32 $0x0;
	s20 =	sshll.u32 s5, $0x1;
	s5 =	sadd.s32 s21, s3  }
0xa3: {  	[timem:s7], [sflag:s22] =	dma.local [hbm:s5], s20  }
0xa4: {  	_ =	swait.ge [sflag:s22], s20  }
0xa5: {  	s4 =	ssub.s32 $0x0, s20;
	[sflag:s22] =	ssyncset.done $0x0  }
0xa6: {  	[sflag:s22] =	ssyncadd.s32 s4;
	_ =	sdelay $0x1  }
0xa7: {  	s23 =	simm.s32 $0x1B8B  }
0xa8: {  	_ =	swait.ge [sflag:s23], $0x1  }
0xa9: {  	[sflag:s23] =	ssyncset.done $0x0  }
0xaa: {  	s25 =	simm.s32 $0x1B8E;
	s24 =	sld [smem:$0x3FFE];
	[sflag:s23] =	ssyncadd.s32 $0xFFFFFFFF  }
0xab: {  	s26 =	simm.s32 $execute0_lowered;
	[smem:$0x3FD2] =	sst s25  }
0xac: {  	s5 =	sshll.u32 s26, $0x1;
	_ =	strace $0x80000049;
	[dreg:$0x1] =	wrdreg $0xFFFFFFFF  }
0xad: {  	s28 =	simm.s32 $_size_execute0_lowered;
	s3 =	sadd.s32 s3, s5;
	[dreg:$0x0] =	wrdreg $0x0  }
0xae: {  	s5 =	sshll.u32 s28, $0x1;
	[dreg:$0x2] =	wrdreg s3  }
0xaf: {  	[dreg:$0x3] =	wrdreg s5  }
0xb0: {  	[dreg:$0x4] =	wrdreg $0xC0  }
0xb1: {  	_ =	task [dreg:s7], $0x5FFFF  }
0xb2: {  	[dreg:$0x1] =	wrdreg $0xFFFFFFFF  }
0xb3: {  	[dreg:$0x0] =	wrdreg $0x60  }
0xb4: {  	[dreg:$0x2] =	wrdreg s24  }
0xb5: {  	[dreg:$0x3] =	wrdreg s16  }
0xb6: {  	[dreg:$0x4] =	wrdreg $0xA8000  }
0xb7: {  	[dreg:$0x5] =	wrdreg $0x9  }
0xb8: {  	_ =	task.clear_ibuf [dreg:s7], $0x6FFFF;
	_ =	strace $0x90000049  }
0xb9: {  	s29 =	simm.s32 $0x9;
	_ =	strace $0x8000004B  }
0xba: {  	_ =	swait.ge [sflag:s29], $0x1  }
0xbb: {  	[sflag:s29] =	ssyncadd.s32 $0xFFFFFFFF  }
0xbc: {  	_ =	strace $0x9000004B  }
0xbd: {  	_ =	sfence  }
0xbe: {  	s30 =	sld [smem:$0x0];
	_ =	sdelay $0x2  }
0xbf: {  	s31 =	sshll.u32 s1, $0xD;
	s1 =	sshrl.u32 s1, $0x2  }
0xc0: {  	s3 =	sand.u32 $0x4000, s31;
	s1 =	sadd.s32 s1, s30  }
0xc1: {  	s0 =	sor.u32 s3, s0;
	s1 =	sshll.u32 s1, $0x11  }
0xc2: {  	s0 =	sor.u32 s1, s0  }
0xc3: {  	s0 =	sadd.s32 $0x8F2B, s0  }
0xc4: {  	[sflag:s0] =	ssyncadd.remote.s32 $0x1  }
0xc5: {  	_ =	sfence.sel $0xFFFF  }
0xc6: {  	[dreg:$0x0] =	wrdreg $0xFFFFFFFF;
	(pc) =	sbr.abs _section_cstart, $3  }
0xc7: {  	[dreg:$0x1] =	wrdreg $0xFFFFFFFF  }
0xc8: {  	_ =	task.clear_ibuf [dreg:s7], $0x2FFFF;
	_ =	strace $0x9FFFFFFF  }
0xc9: {  	(tm) =	ssettm $0x7FFFFFFF  }
tec
execute0_lowered:
.L_overlay_start_1:
0x0: {  	(tag) =	ssettag $0x1  }
0x1: {  	s4 =	rddreg [dreg:$0x0]  }
0x2: {  	s1 =	srdreg.scid;
	s5 =	rddreg [dreg:$0x1]  }
0x3: {  	s0 =	stileid.u32;
	s2 =	rddreg [dreg:$0x2]  }
0x4: {  	s3 =	simm.s32 $0x0;
	s16 =	simm.s32 $0x5;
	s17 =	simm.s32 $0x1400  }
0x5: {  	s18 =	simm.s32 $0x40;
	s19 =	simm.s32 $0x2800;
	s20 =	simm.s32 $0x4800  }
0x6: {  	s21 =	simm.s32 $0x6800;
	s22 =	simm.s32 $0x8800;
	s23 =	simm.s32 $0x1  }
0x7: {  	s24 =	simm.s32 $0x80;
	s28 =	simm.s32 $0x4;
	s29 =	simm.s32 $0x0  }
0x8: {  	s6 =	sand.u32 $0x1, s1;
	s25 =	sshll.u32 s0, $0x1;
	s8 =	smul.u32 $0x4F000, s0  }
0x9: {  	[smem:$0x7FF] =	sst s3;
	s10 =	sadd.s32 $0x40200, s4;
	s11 =	smul.u32 $0x2780, s0  }
0xa: {  	s14 =	sadd.s32 $0x128400, s2;
	s31 =	smul.u32 $0x13C00, s0;
	p0 =	seq.s32 s0, $0xF  }
0xb: {  	s7 =	sor.u32 s6, s25;
	s26 =	ssub.s32 $0x2, s6;
	s13 =	smul.u32 $0x138800, s6  }
0xc: {  	_ =	strace $0x8000004A;
	s7 =	smul.u32 $0x2800, s7;
	s30 =	sshrl.u32 s26, $0x1  }
0xd: {  	s25 =	simm.s32 $0x2;
	s8 =	sshrl.u32 s8, $0x2;
	s12 =	ssub.s32 s26, s30  }
0xe: {  	s15 =	sadd.s32 s8, s2;
	s26 =	simm.s32 $0x3;
	s7 =	sshrl.u32 s7, $0x3  }
0xf: {  	s12 =	smax.u32 s12, $0x1;
	s15 =	sshrl.u32 @!p0 s15, $0x3;
	s9 =	sadd.s32 s7, s4  }
0x10: {  	s4 =	sadd.s32 s5, s11;
	s5 =	sadd.s32 $0x25080, s5;
	s11 =	sadd.s32 s31, s13  }
0x11: {  	s13 =	sshrl.u32 s13, $0x3;
	s6 =	sadd.s32 $0x5000, s9;
	s11 =	sshrl.u32 s11, $0x3  }
0x12: {  	s7 =	sadd.s32 $0xF000, s9;
	s13 =	sadd.s32 s10, s13;
	s10 =	sadd.s32 s10, s11  }
0x13: {  	s11 =	sadd.s32 $0x25080, s13;
	s13 =	sshrl.u32 @p0 s14, $0x3;
	s14 =	sshll.u32 @!p0 s0, $0x6  }
0x14: {  	s8 =	sadd.s32 $0x5280, s9;
	s9 =	sadd.s32 $0xF280, s9;
	s14 =	sor.u32 @!p0 $0x1C05, s14  }
.LBB2_1:
0x15: {  	s30 =	simm.s32 @p0 $0x1FC5  }
0x16: {  	[spmem:s13], [sflag:s30] =	dma.local @p0 [hbm:s5], $0x2080  }
0x17: {  	s30 =	simm.s32 @p0 $0x5  }
0x18: {  	_ =	swait.ge @p0 [sflag:s30], $0x2080  }
0x19: {  	[sflag:s30] =	ssyncset.done @p0 $0x0  }
0x1a: {  	[sflag:s30] =	ssyncadd.s32 @p0 $0xFFFFDF80;
	s30 =	simm.s32 @!p0 $0x5  }
0x1b: {  	[spmem:s15], [sflag:s14] =	dma.local @!p0 [hbm:s4], $0x2780  }
0x1c: {  	_ =	swait.ge @!p0 [sflag:s30], $0x2780  }
0x1d: {  	[sflag:s30] =	ssyncset.done @!p0 $0x0  }
0x1e: {  	[sflag:s30] =	ssyncadd.s32 @!p0 $0xFFFFD880  }
0x1f: {  	[bflag:$0x0] =	sbarrier.arrive $0xFFFF  }
0x20: {  	[tilespmem:s3], [sflag:$0x5] =	stream.linear.gather [hbm4b:s6+s3], $0x1400, $0x38;
	[tilespmem:$0x1E0C0] =	vst v63  }
0x21: {  	_ =	swait.ge [sflag:s16], $0x1400  }
0x22: {  	[sflag:s16] =	ssyncset.done $0x0  }
0x23: {  	[sflag:s16] =	ssyncadd.s32 $0xFFFFEC00  }
0x24: {  	[tilespmem:s17], [sflag:$0x5] =	stream.linear.gather [hbm4b:s7+s3], $0x1400, $0x38;
	[tilespmem:$0x1E0C0] =	vst v63  }
0x25: {  	_ =	swait.ge [sflag:s16], $0x1400  }
0x26: {  	[sflag:s16] =	ssyncset.done $0x0  }
0x27: {  	s30 =	simm.s32 $0x0;
	[sflag:s16] =	ssyncadd.s32 $0xFFFFEC00  }
0x28: {  	[tilespmem:s19], [sflag:$0x1] =	stream.indirect.gather [spmem:s2], $0x80, s30, s18, $0xb8;
	[tilespmem:$0x1E0C0] =	vst v63  }
0x29: {  	s30 =	simm.s32 $0x40  }
0x2a: {  	[tilespmem:s20], [sflag:$0x1] =	stream.indirect.gather [spmem:s2], $0x80, s30, s18, $0xb8;
	[tilespmem:$0x1E0C0] =	vst v63  }
0x2b: {  	s30 =	simm.s32 $0x80  }
0x2c: {  	[tilespmem:s21], [sflag:$0x2] =	stream.indirect.gather [spmem:s2], $0x80, s30, s18, $0xb8;
	[tilespmem:$0x1E0C0] =	vst v63  }
0x2d: {  	s30 =	simm.s32 $0xC0  }
0x2e: {  	[tilespmem:s22], [sflag:$0x2] =	stream.indirect.gather [spmem:s2], $0x80, s30, s18, $0xb8;
	[tilespmem:$0x1E0C0] =	vst v63  }
0x2f: {  	_ =	swait.ge [sflag:s23], $0x2000  }
0x30: {  	[sflag:s23] =	ssyncset.done $0x0  }
0x31: {  	[sflag:s23] =	ssyncadd.s32 $0xFFFFE000  }
0x32: {  	_ =	swait.ge [sflag:s23], $0x2000  }
0x33: {  	[sflag:s23] =	ssyncset.done $0x0  }
0x34: {  	s30 =	simm.s32 $0x1400;
	[sflag:s23] =	ssyncadd.s32 $0xFFFFE000  }
0x35: {  	[spmem:s2] =	stream.indirect.scatter.add.f32 [tilespmem:s19], [sflag:$0x3], $0x80, s30, s24, $0xb8;
	[tilespmem:$0x1E0C0] =	vst v63  }
0x36: {  	_ =	swait.ge [sflag:s25], $0x2000  }
0x37: {  	[sflag:s25] =	ssyncset.done $0x0  }
0x38: {  	[sflag:s25] =	ssyncadd.s32 $0xFFFFE000  }
0x39: {  	_ =	swait.ge [sflag:s25], $0x2000  }
0x3a: {  	[sflag:s25] =	ssyncset.done $0x0  }
0x3b: {  	s30 =	simm.s32 $0x1480;
	[sflag:s25] =	ssyncadd.s32 $0xFFFFE000  }
0x3c: {  	[spmem:s2] =	stream.indirect.scatter.add.f32 [tilespmem:s21], [sflag:$0x4], $0x80, s30, s24, $0xb8;
	[tilespmem:$0x1E0C0] =	vst v63  }
0x3d: {  	_ =	swait.ge [sflag:s26], $0x4000  }
0x3e: {  	[sflag:s26] =	ssyncset.done $0x0  }
0x3f: {  	[sflag:s26] =	ssyncadd.s32 $0xFFFFC000  }
0x40: {  	_ =	swait.ge [sflag:s28], $0x4000  }
0x41: {  	s31 =	simm.s32 $0x800;
	s30 =	simm.s32 $0x400;
	[sflag:s28] =	ssyncset.done $0x0  }
.LBB2_2:
0x42: {  	s1 =	sshra.s32 s30, $0x2  }
0x43: {  	[sflag:s28] =	ssyncadd.s32 $0xFFFFC000;
	s30 =	smov.u32 s31;
	s0 =	sadd.s32 $0x400, s31  }
0x44: {  	[tilespmem:s19], [sflag:$0x1] =	stream.indirect.gather [spmem:s2], $0x80, s1, s18, $0xb8;
	[tilespmem:$0x1E0C0] =	vst v63  }
0x45: {  	p1 =	sne.s32 s31, $0x4C00;
	s31 =	sadd.s32 $0x40, s1  }
0x46: {  	[tilespmem:s20], [sflag:$0x1] =	stream.indirect.gather [spmem:s2], $0x80, s31, s18, $0xb8;
	[tilespmem:$0x1E0C0] =	vst v63  }
0x47: {  	s31 =	sadd.s32 $0x80, s1  }
0x48: {  	[tilespmem:s21], [sflag:$0x2] =	stream.indirect.gather [spmem:s2], $0x80, s31, s18, $0xb8;
	[tilespmem:$0x1E0C0] =	vst v63  }
0x49: {  	s31 =	sadd.s32 $0xC0, s1  }
0x4a: {  	[tilespmem:s22], [sflag:$0x2] =	stream.indirect.gather [spmem:s2], $0x80, s31, s18, $0xb8;
	[tilespmem:$0x1E0C0] =	vst v63  }
0x4b: {  	_ =	swait.ge [sflag:s23], $0x2000  }
0x4c: {  	[sflag:s23] =	ssyncset.done $0x0  }
0x4d: {  	[sflag:s23] =	ssyncadd.s32 $0xFFFFE000  }
0x4e: {  	_ =	swait.ge [sflag:s23], $0x2000  }
0x4f: {  	[sflag:s23] =	ssyncset.done $0x0  }
0x50: {  	s31 =	sadd.s32 $0x1400, s1;
	[sflag:s23] =	ssyncadd.s32 $0xFFFFE000  }
0x51: {  	[spmem:s2] =	stream.indirect.scatter.add.f32 [tilespmem:s19], [sflag:$0x3], $0x80, s31, s24, $0xb8;
	[tilespmem:$0x1E0C0] =	vst v63  }
0x52: {  	_ =	swait.ge [sflag:s25], $0x2000  }
0x53: {  	[sflag:s25] =	ssyncset.done $0x0  }
0x54: {  	[sflag:s25] =	ssyncadd.s32 $0xFFFFE000  }
0x55: {  	_ =	swait.ge [sflag:s25], $0x2000  }
0x56: {  	[sflag:s25] =	ssyncset.done $0x0  }
0x57: {  	s1 =	sadd.s32 $0x1480, s1;
	[sflag:s25] =	ssyncadd.s32 $0xFFFFE000  }
0x58: {  	[spmem:s2] =	stream.indirect.scatter.add.f32 [tilespmem:s21], [sflag:$0x4], $0x80, s1, s24, $0xb8;
	[tilespmem:$0x1E0C0] =	vst v63  }
.Ltmp0:
0x59: {  	_ =	swait.ge [sflag:s26], $0x4000;
	(pc) =	sbr.rel @p1 .LBB2_2-.Ltmp0, $4  }
0x5a: {  	[sflag:s26] =	ssyncset.done $0x0  }
0x5b: {  	[sflag:s26] =	ssyncadd.s32 $0xFFFFC000  }
0x5c: {  	_ =	swait.ge [sflag:s28], $0x4000  }
0x5d: {  	s31 =	smov.u32 s0;
	[sflag:s28] =	ssyncset.done $0x0  }
0x5e: {  	s0 =	sshra.s32 s30, $0x2;
	[sflag:s28] =	ssyncadd.s32 $0xFFFFC000  }
0x5f: {  	[tilespmem:s19], [sflag:$0x1] =	stream.indirect.gather [spmem:s2], $0x80, s0, s18, $0xb8;
	[tilespmem:$0x1E0C0] =	vst v63  }
0x60: {  	s1 =	sadd.s32 $0x40, s0  }
0x61: {  	[tilespmem:s20], [sflag:$0x1] =	stream.indirect.gather [spmem:s2], $0x80, s1, s18, $0xb8;
	[tilespmem:$0x1E0C0] =	vst v63  }
0x62: {  	s1 =	sadd.s32 $0x80, s0  }
0x63: {  	[tilespmem:s21], [sflag:$0x2] =	stream.indirect.gather [spmem:s2], $0x80, s1, s18, $0xb8;
	[tilespmem:$0x1E0C0] =	vst v63  }
0x64: {  	s1 =	sadd.s32 $0xC0, s0  }
0x65: {  	[tilespmem:s22], [sflag:$0x2] =	stream.indirect.gather [spmem:s2], $0x80, s1, s18, $0xb8;
	[tilespmem:$0x1E0C0] =	vst v63  }
0x66: {  	_ =	swait.ge [sflag:s23], $0x2000  }
0x67: {  	[sflag:s23] =	ssyncset.done $0x0  }
0x68: {  	[sflag:s23] =	ssyncadd.s32 $0xFFFFE000  }
0x69: {  	_ =	swait.ge [sflag:s23], $0x2000  }
0x6a: {  	[sflag:s23] =	ssyncset.done $0x0  }
0x6b: {  	s1 =	sadd.s32 $0x1400, s0;
	[sflag:s23] =	ssyncadd.s32 $0xFFFFE000  }
0x6c: {  	[spmem:s2] =	stream.indirect.scatter.add.f32 [tilespmem:s19], [sflag:$0x3], $0x80, s1, s24, $0xb8;
	[tilespmem:$0x1E0C0] =	vst v63  }
0x6d: {  	_ =	swait.ge [sflag:s25], $0x2000  }
0x6e: {  	[sflag:s25] =	ssyncset.done $0x0  }
0x6f: {  	[sflag:s25] =	ssyncadd.s32 $0xFFFFE000  }
0x70: {  	_ =	swait.ge [sflag:s25], $0x2000  }
0x71: {  	[sflag:s25] =	ssyncset.done $0x0  }
0x72: {  	s0 =	sadd.s32 $0x1480, s0;
	[sflag:s25] =	ssyncadd.s32 $0xFFFFE000  }
0x73: {  	[spmem:s2] =	stream.indirect.scatter.add.f32 [tilespmem:s21], [sflag:$0x4], $0x80, s0, s24, $0xb8;
	[tilespmem:$0x1E0C0] =	vst v63  }
0x74: {  	_ =	swait.ge [sflag:s26], $0x4000  }
0x75: {  	[sflag:s26] =	ssyncset.done $0x0  }
0x76: {  	[sflag:s26] =	ssyncadd.s32 $0xFFFFC000  }
0x77: {  	_ =	swait.ge [sflag:s28], $0x4000  }
0x78: {  	[sflag:s28] =	ssyncset.done $0x0  }
0x79: {  	s1 =	simm.s32 $0x0;
	[sflag:s28] =	ssyncadd.s32 $0xFFFFC000  }
0x7a: {  	[tilespmem:s1], [sflag:$0x5] =	stream.linear.gather [hbm4b:s8+s1], $0x1400, $0x38;
	[tilespmem:$0x1E0C0] =	vst v63  }
0x7b: {  	_ =	swait.ge [sflag:s16], $0x1400  }
0x7c: {  	[sflag:s16] =	ssyncset.done $0x0  }
0x7d: {  	[sflag:s16] =	ssyncadd.s32 $0xFFFFEC00  }
0x7e: {  	[tilespmem:s17], [sflag:$0x5] =	stream.linear.gather [hbm4b:s9+s1], $0x1400, $0x38;
	[tilespmem:$0x1E0C0] =	vst v63  }
0x7f: {  	_ =	swait.ge [sflag:s16], $0x1400  }
0x80: {  	[sflag:s16] =	ssyncset.done $0x0  }
0x81: {  	s1 =	simm.s32 $0x0;
	[sflag:s16] =	ssyncadd.s32 $0xFFFFEC00  }
0x82: {  	[tilespmem:s19], [sflag:$0x1] =	stream.indirect.gather [spmem:s2], $0x80, s1, s18, $0xb8;
	[tilespmem:$0x1E0C0] =	vst v63  }
0x83: {  	s1 =	simm.s32 $0x40  }
0x84: {  	[tilespmem:s20], [sflag:$0x1] =	stream.indirect.gather [spmem:s2], $0x80, s1, s18, $0xb8;
	[tilespmem:$0x1E0C0] =	vst v63  }
0x85: {  	s1 =	simm.s32 $0x80  }
0x86: {  	[tilespmem:s21], [sflag:$0x2] =	stream.indirect.gather [spmem:s2], $0x80, s1, s18, $0xb8;
	[tilespmem:$0x1E0C0] =	vst v63  }
0x87: {  	s1 =	simm.s32 $0xC0  }
0x88: {  	[tilespmem:s22], [sflag:$0x2] =	stream.indirect.gather [spmem:s2], $0x80, s1, s18, $0xb8;
	[tilespmem:$0x1E0C0] =	vst v63  }
0x89: {  	_ =	swait.ge [sflag:s23], $0x2000  }
0x8a: {  	[sflag:s23] =	ssyncset.done $0x0  }
0x8b: {  	[sflag:s23] =	ssyncadd.s32 $0xFFFFE000  }
0x8c: {  	_ =	swait.ge [sflag:s23], $0x2000  }
0x8d: {  	[sflag:s23] =	ssyncset.done $0x0  }
0x8e: {  	s1 =	simm.s32 $0x1400;
	[sflag:s23] =	ssyncadd.s32 $0xFFFFE000  }
0x8f: {  	[spmem:s2] =	stream.indirect.scatter.add.f32 [tilespmem:s19], [sflag:$0x3], $0x80, s1, s24, $0xb8;
	[tilespmem:$0x1E0C0] =	vst v63  }
0x90: {  	_ =	swait.ge [sflag:s25], $0x2000  }
0x91: {  	[sflag:s25] =	ssyncset.done $0x0  }
0x92: {  	[sflag:s25] =	ssyncadd.s32 $0xFFFFE000  }
0x93: {  	_ =	swait.ge [sflag:s25], $0x2000  }
0x94: {  	[sflag:s25] =	ssyncset.done $0x0  }
0x95: {  	s1 =	simm.s32 $0x1480;
	[sflag:s25] =	ssyncadd.s32 $0xFFFFE000  }
0x96: {  	[spmem:s2] =	stream.indirect.scatter.add.f32 [tilespmem:s21], [sflag:$0x4], $0x80, s1, s24, $0xb8;
	[tilespmem:$0x1E0C0] =	vst v63  }
0x97: {  	_ =	swait.ge [sflag:s26], $0x4000  }
0x98: {  	[sflag:s26] =	ssyncset.done $0x0  }
0x99: {  	[sflag:s26] =	ssyncadd.s32 $0xFFFFC000  }
0x9a: {  	_ =	swait.ge [sflag:s28], $0x4000  }
0x9b: {  	s30 =	simm.s32 $0x400;
	s31 =	simm.s32 $0x800;
	[sflag:s28] =	ssyncset.done $0x0  }
.LBB2_4:
0x9c: {  	s0 =	sshra.s32 s30, $0x2  }
0x9d: {  	[sflag:s28] =	ssyncadd.s32 $0xFFFFC000;
	s30 =	smov.u32 s31;
	s1 =	sadd.s32 $0x400, s31  }
0x9e: {  	[tilespmem:s19], [sflag:$0x1] =	stream.indirect.gather [spmem:s2], $0x80, s0, s18, $0xb8;
	[tilespmem:$0x1E0C0] =	vst v63  }
0x9f: {  	p1 =	sne.s32 s31, $0x4C00;
	s31 =	sadd.s32 $0x40, s0  }
0xa0: {  	[tilespmem:s20], [sflag:$0x1] =	stream.indirect.gather [spmem:s2], $0x80, s31, s18, $0xb8;
	[tilespmem:$0x1E0C0] =	vst v63  }
0xa1: {  	s31 =	sadd.s32 $0x80, s0  }
0xa2: {  	[tilespmem:s21], [sflag:$0x2] =	stream.indirect.gather [spmem:s2], $0x80, s31, s18, $0xb8;
	[tilespmem:$0x1E0C0] =	vst v63  }
0xa3: {  	s31 =	sadd.s32 $0xC0, s0  }
0xa4: {  	[tilespmem:s22], [sflag:$0x2] =	stream.indirect.gather [spmem:s2], $0x80, s31, s18, $0xb8;
	[tilespmem:$0x1E0C0] =	vst v63  }
0xa5: {  	_ =	swait.ge [sflag:s23], $0x2000  }
0xa6: {  	[sflag:s23] =	ssyncset.done $0x0  }
0xa7: {  	[sflag:s23] =	ssyncadd.s32 $0xFFFFE000  }
0xa8: {  	_ =	swait.ge [sflag:s23], $0x2000  }
0xa9: {  	[sflag:s23] =	ssyncset.done $0x0  }
0xaa: {  	s31 =	sadd.s32 $0x1400, s0;
	[sflag:s23] =	ssyncadd.s32 $0xFFFFE000  }
0xab: {  	[spmem:s2] =	stream.indirect.scatter.add.f32 [tilespmem:s19], [sflag:$0x3], $0x80, s31, s24, $0xb8;
	[tilespmem:$0x1E0C0] =	vst v63  }
0xac: {  	_ =	swait.ge [sflag:s25], $0x2000  }
0xad: {  	[sflag:s25] =	ssyncset.done $0x0  }
0xae: {  	[sflag:s25] =	ssyncadd.s32 $0xFFFFE000  }
0xaf: {  	_ =	swait.ge [sflag:s25], $0x2000  }
0xb0: {  	[sflag:s25] =	ssyncset.done $0x0  }
0xb1: {  	s0 =	sadd.s32 $0x1480, s0;
	[sflag:s25] =	ssyncadd.s32 $0xFFFFE000  }
0xb2: {  	[spmem:s2] =	stream.indirect.scatter.add.f32 [tilespmem:s21], [sflag:$0x4], $0x80, s0, s24, $0xb8;
	[tilespmem:$0x1E0C0] =	vst v63  }
.Ltmp1:
0xb3: {  	_ =	swait.ge [sflag:s26], $0x4000;
	(pc) =	sbr.rel @p1 .LBB2_4-.Ltmp1, $4  }
0xb4: {  	[sflag:s26] =	ssyncset.done $0x0  }
0xb5: {  	[sflag:s26] =	ssyncadd.s32 $0xFFFFC000  }
0xb6: {  	_ =	swait.ge [sflag:s28], $0x4000  }
0xb7: {  	s31 =	smov.u32 s1;
	[sflag:s28] =	ssyncset.done $0x0  }
0xb8: {  	s0 =	sshra.s32 s30, $0x2;
	[sflag:s28] =	ssyncadd.s32 $0xFFFFC000  }
0xb9: {  	[tilespmem:s19], [sflag:$0x1] =	stream.indirect.gather [spmem:s2], $0x80, s0, s18, $0xb8;
	[tilespmem:$0x1E0C0] =	vst v63  }
0xba: {  	s1 =	sadd.s32 $0x40, s0  }
0xbb: {  	[tilespmem:s20], [sflag:$0x1] =	stream.indirect.gather [spmem:s2], $0x80, s1, s18, $0xb8;
	[tilespmem:$0x1E0C0] =	vst v63  }
0xbc: {  	s31 =	sadd.s32 $0x80, s0  }
0xbd: {  	[tilespmem:s21], [sflag:$0x2] =	stream.indirect.gather [spmem:s2], $0x80, s31, s18, $0xb8;
	[tilespmem:$0x1E0C0] =	vst v63  }
0xbe: {  	s30 =	sadd.s32 $0xC0, s0  }
0xbf: {  	[tilespmem:s22], [sflag:$0x2] =	stream.indirect.gather [spmem:s2], $0x80, s30, s18, $0xb8;
	[tilespmem:$0x1E0C0] =	vst v63  }
0xc0: {  	_ =	swait.ge [sflag:s23], $0x2000  }
0xc1: {  	[sflag:s23] =	ssyncset.done $0x0  }
0xc2: {  	[sflag:s23] =	ssyncadd.s32 $0xFFFFE000  }
0xc3: {  	_ =	swait.ge [sflag:s23], $0x2000  }
0xc4: {  	[sflag:s23] =	ssyncset.done $0x0  }
0xc5: {  	s31 =	sadd.s32 $0x1400, s0;
	[sflag:s23] =	ssyncadd.s32 $0xFFFFE000  }
0xc6: {  	[spmem:s2] =	stream.indirect.scatter.add.f32 [tilespmem:s19], [sflag:$0x3], $0x80, s31, s24, $0xb8;
	[tilespmem:$0x1E0C0] =	vst v63  }
0xc7: {  	_ =	swait.ge [sflag:s25], $0x2000  }
0xc8: {  	[sflag:s25] =	ssyncset.done $0x0  }
0xc9: {  	[sflag:s25] =	ssyncadd.s32 $0xFFFFE000  }
0xca: {  	_ =	swait.ge [sflag:s25], $0x2000  }
0xcb: {  	[sflag:s25] =	ssyncset.done $0x0  }
0xcc: {  	s0 =	sadd.s32 $0x1480, s0;
	[sflag:s25] =	ssyncadd.s32 $0xFFFFE000  }
0xcd: {  	[spmem:s2] =	stream.indirect.scatter.add.f32 [tilespmem:s21], [sflag:$0x4], $0x80, s0, s24, $0xb8;
	[tilespmem:$0x1E0C0] =	vst v63  }
0xce: {  	_ =	swait.ge [sflag:s26], $0x4000  }
0xcf: {  	[sflag:s26] =	ssyncset.done $0x0  }
0xd0: {  	[sflag:s26] =	ssyncadd.s32 $0xFFFFC000  }
0xd1: {  	_ =	swait.ge [sflag:s28], $0x4000  }
0xd2: {  	[sflag:s28] =	ssyncset.done $0x0  }
0xd3: {  	[sflag:s28] =	ssyncadd.s32 $0xFFFFC000  }
0xd4: {  	s0 =	simm.s32 @p0 $0x1FC5;
	[bflag:$0x0] =	sbarrier.arrive $0xFFFF  }
0xd5: {  	[hbm:s11], [sflag:s0] =	dma.local @p0 [spmem:s13], $0x2080  }
0xd6: {  	s0 =	simm.s32 @p0 $0x5  }
0xd7: {  	s29 =	sadd.s32 $0x1, s29;
	_ =	swait.ge @p0 [sflag:s0], $0x2080  }
0xd8: {  	p1 =	sne.s32 s29, s12;
	[sflag:s0] =	ssyncset.done @p0 $0x0  }
.Ltmp2:
0xd9: {  	[sflag:s0] =	ssyncadd.s32 @p0 $0xFFFFDF80;
	s0 =	simm.s32 @!p0 $0x5;
	(pc) =	sbr.rel @p1 .LBB2_1-.Ltmp2, $4  }
0xda: {  	[hbm:s10], [sflag:s14] =	dma.local @!p0 [spmem:s15], $0x2780  }
0xdb: {  	_ =	swait.ge @!p0 [sflag:s0], $0x2780  }
0xdc: {  	[sflag:s0] =	ssyncset.done @!p0 $0x0  }
0xdd: {  	[sflag:s0] =	ssyncadd.s32 @!p0 $0xFFFFD880  }
0xde: {  	_ =	sfence.sel $0x180000  }
0xdf: {  	[bflag:$0x0] =	sbarrier.arrive $0xFFFF  }
0xe0: {  	_ =	strace $0x9000004A  }
0xe1: {  	s0 =	stileid.u32;
	[bflag:$0x2] =	sbarrier.arrive $0xFFFF  }
0xe2: {  	p0 =	sne.s32 s0, $0x0;
	s0 =	rddreg [dreg:$0x3]  }
0xe3: {  	s0 =	sadd.s32 @!p0 $0x100000, s0  }
0xe4: {  	[sflag:s0] =	ssyncadd.tile.s32 @!p0 $0x1;
	_ =	shalt  }
.Lfunc_end2:
_tile_overlayer_lowered:
.L_overlay_start_2:
0xe5: {  	(tag) =	ssettag $0x2  }
0xe6: {  	s0 =	rddreg [dreg:$0x0];
	s2 =	stileid.u32  }
0xe7: {  	s1 =	rddreg [dreg:$0x1];
	p0 =	sne.s32 s2, $0x0  }
0xe8: {  	s3 =	rddreg [dreg:$0x2];
	[bflag:$0x3] =	sbarrier.arrive $0xFFFF;
	s2 =	simm.s32 @!p0 $0x1C05  }
0xe9: {  	[timem:s3], [sflag:s2] =	dma.local @!p0 [hbm:s0], s1  }
0xea: {  	s0 =	simm.s32 @!p0 $0x5  }
0xeb: {  	_ =	swait.ge @!p0 [sflag:s0], s1  }
0xec: {  	s1 =	ssub.s32 @!p0 $0x0, s1;
	[sflag:s0] =	ssyncset.done @!p0 $0x0  }
0xed: {  	[sflag:s0] =	ssyncadd.s32 @!p0 s1  }
0xee: {  	[bflag:$0x3] =	sbarrier.arrive $0xFFFF  }
0xef: {  	_ =	shalt  }

// kernel: kernel.15.cloned.1.call-start
scs
__scs_entry_jumppad:
0x0: {  	(pc) =	sbr.rel $0x88, $3  }
0x1: {  	(tag) =	ssettag $0x0;
	lr =	simm.s32 $0x1  }
0x2: {  	[smem:$0x3F8A] =	sst lr;
	_ =	strace $0xD0000000  }
0x3: {  	_ = 	snop  }
0x4: {  	_ = 	snop  }
0x5: {  	_ = 	snop  }
0x6: {  	_ = 	snop  }
0x7: {  	_ = 	snop  }
__scs_overlays_trampoline_lowered:
0x8: {  	[smem:$0x3F99] =	sst s0  }
0x9: {  	[smem:$0x3F9A] =	sst s1  }
0xa: {  	[smem:$0x3F9B] =	sst s2  }
0xb: {  	[smem:$0x3F9C] =	sst s3  }
0xc: {  	[smem:$0x3F9D] =	sst s4  }
0xd: {  	[smem:$0x3F9E] =	sst s5  }
0xe: {  	[smem:$0x3F9F] =	sst s6  }
0xf: {  	[smem:$0x3FA0] =	sst s7  }
0x10: {  	[smem:$0x3FA1] =	sst s8  }
0x11: {  	[smem:$0x3FA2] =	sst s9;
	s0 =	simm.s32 @!p0 $0x0  }
0x12: {  	s1 =	sld [smem:$0x3F88];
	s0 =	simm.s32 @p0 $0x1  }
0x13: {  	[smem:$0x3FA3] =	sst s0;
	s0 =	simm.s32 @!p1 $0x0  }
0x14: {  	s2 =	sld [smem:$0x3F87];
	s0 =	simm.s32 @p1 $0x1  }
0x15: {  	[smem:$0x3FA4] =	sst s0;
	s0 =	simm.s32 @!p2 $0x0  }
0x16: {  	s3 =	sld [smem:$0x3FDB];
	s0 =	simm.s32 @p2 $0x1  }
0x17: {  	s4 =	simm.s32 $0x1BF5;
	[smem:$0x3FA6] =	sst s0  }
0x18: {  	s0 =	sld [smem:$0x3F89];
	_ =	swait.ge [sflag:s4], $0x0  }
0x19: {  	s7 =	sld [smem:$0x3F8A]  }
0x1a: {  	s8 =	sadd.s32 $0xFFFFE003, lr  }
0x1b: {  	s9 =	sadd.s32 $0xFFFFFEF7, lr;
	s5 =	simm.s32 $0xFFFFFFFF;
	p2 =	slt.u32 s8, $0xFFFFF086  }
0x1c: {  	p1 =	slt.u32 s9, $0xF7A;
	s5 =	simm.s32 @!p2 $0x0  }
0x1d: {  	s5 =	simm.s32 @p1 $0x1;
	p0 =	seq.s32 s7, s2  }
0x1e: {  	s7 =	smul.u32 @!p0 $0xF7A, s2;
	p2 =	seq.s32 @!p0 s5, $0x0  }
0x1f: {  	s9 =	smul.u32 $0xF7A, s1;
	s8 =	simm.s32 @!p0 $0x1BF5;
	p2 =	por !p2, p0  }
0x20: {  	[sflag:s8] =	ssyncset.s32 @!p0 $0xFFFFF086;
	s6 =	sadd.s32 @!p0 s3, s7;
	s7 =	simm.s32 @!p0 $0x108  }
0x21: {  	s3 =	sadd.s32 s3, s9;
	s6 =	sadd.s32 @!p0 $0x88, s6;
	s7 =	simm.s32 @p2 $0x1082  }
0x22: {  	[simem:s7], [sflag:s8] =	dma.local @!p0 [hbm:s6], $0xF7A  }
0x23: {  	s9 =	sor.u32 $0xD0000000, s2;
	s6 =	simm.s32 $0x108;
	_ =	swait.ge @!p0 [sflag:s8], $0x0  }
0x24: {  	s3 =	sadd.s32 $0x88, s3;
	s6 =	simm.s32 @!p1 $0x1082;
	[sflag:s4] =	ssyncset.s32 $0xFFFFF086  }
0x25: {  	[simem:s6], [sflag:s4] =	dma.local [hbm:s3], $0xF7A  }
0x26: {  	[smem:$0x3F8A] =	sst s1;
	(tag) =	ssettag s2;
	_ =	strace s9  }
0x27: {  	s1 =	sld [smem:$0x3F9A]  }
0x28: {  	s2 =	sld [smem:$0x3F9B]  }
0x29: {  	s4 =	sld [smem:$0x3F9D]  }
0x2a: {  	p0 =	seq.s32 s5, $0x0;
	s5 =	sld [smem:$0x3F9E]  }
0x2b: {  	s6 =	sld [smem:$0x3F9F]  }
0x2c: {  	s7 =	sld [smem:$0x3FA0]  }
0x2d: {  	s3 =	simm.s32 $0x108;
	s8 =	sld [smem:$0x3FA1]  }
0x2e: {  	s3 =	simm.s32 @!p0 $0x1082;
	s9 =	sld [smem:$0x3FA2]  }
0x2f: {  	lr =	sadd.s32 s0, s3;
	s0 =	sld [smem:$0x3F99]  }
0x30: {  	s3 =	sld [smem:$0x3F9C]  }
0x31: {  	[smem:$0x3FA5] =	sst s10  }
0x32: {  	s10 =	sld [smem:$0x3FA3];
	_ =	sdelay $0x3  }
0x33: {  	p0 =	seq.s32 s10, $0x1;
	s10 =	sld [smem:$0x3FA5];
	_ =	sdelay $0x3  }
0x34: {  	[smem:$0x3FA5] =	sst s10  }
0x35: {  	s10 =	sld [smem:$0x3FA4];
	_ =	sdelay $0x3  }
0x36: {  	p1 =	seq.s32 s10, $0x1;
	s10 =	sld [smem:$0x3FA5];
	_ =	sdelay $0x3  }
0x37: {  	[smem:$0x3FA5] =	sst s10  }
0x38: {  	s10 =	sld [smem:$0x3FA6]  }
0x39: {  	_ = 	snop;
	(pc) =	sbr.ind lr, $3  }
0x3a: {  	_ = 	snop  }
0x3b: {  	_ = 	snop  }
0x3c: {  	p2 =	seq.s32 s10, $0x1;
	s10 =	sld [smem:$0x3FA5]  }
0x3d: {  	_ =	shalt  }
0x3e: {  	_ =	shalt  }
0x3f: {  	_ =	shalt  }
0x40: {  	_ =	shalt  }
0x41: {  	_ =	shalt  }
0x42: {  	_ =	shalt  }
0x43: {  	_ =	shalt  }
0x44: {  	_ =	shalt  }
0x45: {  	_ =	shalt  }
0x46: {  	_ =	shalt  }
0x47: {  	_ =	shalt  }
0x48: {  	_ =	shalt  }
0x49: {  	_ =	shalt  }
0x4a: {  	_ =	shalt  }
0x4b: {  	_ =	shalt  }
0x4c: {  	_ =	shalt  }
0x4d: {  	_ =	shalt  }
0x4e: {  	_ =	shalt  }
0x4f: {  	_ =	shalt  }
0x50: {  	_ =	shalt  }
0x51: {  	_ =	shalt  }
0x52: {  	_ =	shalt  }
0x53: {  	_ =	shalt  }
0x54: {  	_ =	shalt  }
0x55: {  	_ =	shalt  }
0x56: {  	_ =	shalt  }
0x57: {  	_ =	shalt  }
0x58: {  	_ =	shalt  }
0x59: {  	_ =	shalt  }
0x5a: {  	_ =	shalt  }
0x5b: {  	_ =	shalt  }
0x5c: {  	_ =	shalt  }
0x5d: {  	_ =	shalt  }
0x5e: {  	_ =	shalt  }
0x5f: {  	_ =	shalt  }
0x60: {  	_ =	shalt  }
0x61: {  	_ =	shalt  }
0x62: {  	_ =	shalt  }
0x63: {  	_ =	shalt  }
0x64: {  	_ =	shalt  }
0x65: {  	_ =	shalt  }
0x66: {  	_ =	shalt  }
0x67: {  	_ =	shalt  }
0x68: {  	_ =	shalt  }
0x69: {  	_ =	shalt  }
0x6a: {  	_ =	shalt  }
0x6b: {  	_ =	shalt  }
0x6c: {  	_ =	shalt  }
0x6d: {  	_ =	shalt  }
0x6e: {  	_ =	shalt  }
0x6f: {  	_ =	shalt  }
0x70: {  	_ =	shalt  }
0x71: {  	_ =	shalt  }
0x72: {  	_ =	shalt  }
0x73: {  	_ =	shalt  }
0x74: {  	_ =	shalt  }
0x75: {  	_ =	shalt  }
0x76: {  	_ =	shalt  }
0x77: {  	_ =	shalt  }
0x78: {  	_ =	shalt  }
0x79: {  	_ =	shalt  }
0x7a: {  	_ =	shalt  }
0x7b: {  	_ =	shalt  }
0x7c: {  	_ =	shalt  }
0x7d: {  	_ =	shalt  }
0x7e: {  	_ =	shalt  }
0x7f: {  	_ =	shalt  }
0x80: {  	_ =	shalt  }
0x81: {  	_ =	shalt  }
0x82: {  	_ =	shalt  }
0x83: {  	_ =	shalt  }
0x84: {  	_ =	shalt  }
0x85: {  	_ =	shalt  }
0x86: {  	_ =	shalt  }
0x87: {  	_ =	shalt  }
.Lfunc_end0:
.L_simem_size_0:
called_computation.2_lowered:
.L_overlay_start_0:
0x88: {  	s2 =	sld [smem:$0x3FD9]  }
0x89: {  	s3 =	sld [smem:$0x3FFE];
	_ =	sdelay $0x1  }
0x8a: {  	s1 =	srdreg.scid  }
0x8b: {  	s0 =	sand.u32 $0x1, s1  }
0x8c: {  	s14 =	sshll.u32 s0, $0xA;
	s2 =	sadd.s32 s3, s2  }
0x8d: {  	s2 =	sadd.s32 s2, s14  }
0x8e: {  	[smem:$0x3FB1] =	sst s2  }
0x8f: {  	_ = 	snop  }
0x90: {  	s2 =	sld [smem:$0x3FD0];
	_ =	sdelay $0x2  }
0x91: {  	s15 =	simm.s32 $0xA;
	s4 =	simm.s32 $0x10  }
0x92: {  	[smem:s4], [sflag:s15] =	dma.local [hbm:s2], $0x1  }
0x93: {  	_ =	swait.eq [sflag:s15], $0x1  }
0x94: {  	[sflag:s15] =	ssyncset.done $0x0  }
0x95: {  	[sflag:s15] =	ssyncadd.s32 $0xFFFFFFFF  }
0x96: {  	s16 =	sld [smem:$0x10];
	(tm) =	ssettm $0x1  }
0x97: {  	s17 =	sld [smem:$0x3FFB];
	_ =	sdelay $0x3  }
0x98: {  	_ =	strace s17  }
0x99: {  	s3 =	sld [smem:$0x3FFC];
	_ =	sdelay $0x3  }
0x9a: {  	_ =	strace s3  }
0x9b: {  	s3 =	sld [smem:$0x3FFD];
	_ =	sdelay $0x3  }
0x9c: {  	_ =	strace s3  }
0x9d: {  	_ =	strace $0x8FFFFFFF  }
0x9e: {  	s18 =	sld [smem:$0x3FDB];
	_ =	sdelay $0x1  }
0x9f: {  	s19 =	simm.s32 $_scs_section_size  }
0xa0: {  	s5 =	simm.s32 $_size__tile_overlayer_lowered;
	s6 =	simm.s32 $_tile_overlayer_lowered  }
0xa1: {  	s22 =	simm.s32 $0x1BFF;
	s21 =	sshll.u32 s6, $0x1;
	s3 =	sadd.s32 s19, s18  }
0xa2: {  	s7 =	simm.s32 $0x0;
	s20 =	sshll.u32 s5, $0x1;
	s5 =	sadd.s32 s21, s3  }
0xa3: {  	[timem:s7], [sflag:s22] =	dma.local [hbm:s5], s20  }
0xa4: {  	_ =	swait.ge [sflag:s22], s20  }
0xa5: {  	s4 =	ssub.s32 $0x0, s20;
	[sflag:s22] =	ssyncset.done $0x0  }
0xa6: {  	[sflag:s22] =	ssyncadd.s32 s4;
	_ =	sdelay $0x1  }
0xa7: {  	s23 =	simm.s32 $0x1B8B  }
0xa8: {  	_ =	swait.ge [sflag:s23], $0x1  }
0xa9: {  	[sflag:s23] =	ssyncset.done $0x0  }
0xaa: {  	s25 =	simm.s32 $0x1B8E;
	s24 =	sld [smem:$0x3FFE];
	[sflag:s23] =	ssyncadd.s32 $0xFFFFFFFF  }
0xab: {  	s26 =	simm.s32 $execute0_lowered;
	[smem:$0x3FD2] =	sst s25  }
0xac: {  	s5 =	sshll.u32 s26, $0x1;
	_ =	strace $0x8000004C;
	[dreg:$0x1] =	wrdreg $0xFFFFFFFF  }
0xad: {  	s28 =	simm.s32 $_size_execute0_lowered;
	s3 =	sadd.s32 s3, s5;
	[dreg:$0x0] =	wrdreg $0x0  }
0xae: {  	s5 =	sshll.u32 s28, $0x1;
	[dreg:$0x2] =	wrdreg s3  }
0xaf: {  	[dreg:$0x3] =	wrdreg s5  }
0xb0: {  	[dreg:$0x4] =	wrdreg $0xC0  }
0xb1: {  	_ =	task [dreg:s7], $0x5FFFF  }
0xb2: {  	[dreg:$0x1] =	wrdreg $0xFFFFFFFF  }
0xb3: {  	[dreg:$0x0] =	wrdreg $0x60  }
0xb4: {  	[dreg:$0x2] =	wrdreg s24  }
0xb5: {  	[dreg:$0x3] =	wrdreg s16  }
0xb6: {  	[dreg:$0x4] =	wrdreg $0xA8000  }
0xb7: {  	[dreg:$0x5] =	wrdreg $0x9  }
0xb8: {  	_ =	task.clear_ibuf [dreg:s7], $0x6FFFF;
	_ =	strace $0x9000004C  }
0xb9: {  	s29 =	simm.s32 $0x9;
	_ =	strace $0x8000004E  }
0xba: {  	_ =	swait.ge [sflag:s29], $0x1  }
0xbb: {  	[sflag:s29] =	ssyncadd.s32 $0xFFFFFFFF  }
0xbc: {  	_ =	strace $0x9000004E  }
0xbd: {  	_ =	sfence  }
0xbe: {  	s30 =	sld [smem:$0x0];
	_ =	sdelay $0x2  }
0xbf: {  	s31 =	sshll.u32 s1, $0xD;
	s1 =	sshrl.u32 s1, $0x2  }
0xc0: {  	s3 =	sand.u32 $0x4000, s31;
	s1 =	sadd.s32 s1, s30  }
0xc1: {  	s0 =	sor.u32 s3, s0;
	s1 =	sshll.u32 s1, $0x11  }
0xc2: {  	s0 =	sor.u32 s1, s0  }
0xc3: {  	s0 =	sadd.s32 $0x8F2B, s0  }
0xc4: {  	[sflag:s0] =	ssyncadd.remote.s32 $0x1  }
0xc5: {  	_ =	sfence.sel $0xFFFF  }
0xc6: {  	[dreg:$0x0] =	wrdreg $0xFFFFFFFF;
	(pc) =	sbr.abs _section_cstart, $3  }
0xc7: {  	[dreg:$0x1] =	wrdreg $0xFFFFFFFF  }
0xc8: {  	_ =	task.clear_ibuf [dreg:s7], $0x2FFFF;
	_ =	strace $0x9FFFFFFF  }
0xc9: {  	(tm) =	ssettm $0x7FFFFFFF  }
tec
execute0_lowered:
.L_overlay_start_1:
0x0: {  	(tag) =	ssettag $0x1  }
0x1: {  	s4 =	rddreg [dreg:$0x0]  }
0x2: {  	s1 =	srdreg.scid;
	s5 =	rddreg [dreg:$0x1]  }
0x3: {  	s0 =	stileid.u32;
	s2 =	rddreg [dreg:$0x2]  }
0x4: {  	s3 =	simm.s32 $0x0;
	s16 =	simm.s32 $0x5;
	s17 =	simm.s32 $0x1400  }
0x5: {  	s18 =	simm.s32 $0x40;
	s19 =	simm.s32 $0x2800;
	s20 =	simm.s32 $0x4800  }
0x6: {  	s21 =	simm.s32 $0x6800;
	s22 =	simm.s32 $0x8800;
	s23 =	simm.s32 $0x1  }
0x7: {  	s24 =	simm.s32 $0x80;
	s28 =	simm.s32 $0x4;
	s29 =	simm.s32 $0x0  }
0x8: {  	s6 =	sand.u32 $0x1, s1;
	s25 =	sshll.u32 s0, $0x1;
	s8 =	smul.u32 $0x4F000, s0  }
0x9: {  	[smem:$0x7FF] =	sst s3;
	s10 =	sadd.s32 $0x40200, s4;
	s11 =	smul.u32 $0x2780, s0  }
0xa: {  	s14 =	sadd.s32 $0x128400, s2;
	s31 =	smul.u32 $0x13C00, s0;
	p0 =	seq.s32 s0, $0xF  }
0xb: {  	s7 =	sor.u32 s6, s25;
	s26 =	ssub.s32 $0x2, s6;
	s13 =	smul.u32 $0x138800, s6  }
0xc: {  	_ =	strace $0x8000004D;
	s7 =	smul.u32 $0x2800, s7;
	s30 =	sshrl.u32 s26, $0x1  }
0xd: {  	s25 =	simm.s32 $0x2;
	s8 =	sshrl.u32 s8, $0x2;
	s12 =	ssub.s32 s26, s30  }
0xe: {  	s15 =	sadd.s32 s8, s2;
	s26 =	simm.s32 $0x3;
	s7 =	sshrl.u32 s7, $0x3  }
0xf: {  	s12 =	smax.u32 s12, $0x1;
	s15 =	sshrl.u32 @!p0 s15, $0x3;
	s9 =	sadd.s32 s7, s4  }
0x10: {  	s4 =	sadd.s32 s5, s11;
	s5 =	sadd.s32 $0x25080, s5;
	s11 =	sadd.s32 s31, s13  }
0x11: {  	s13 =	sshrl.u32 s13, $0x3;
	s6 =	sadd.s32 $0x5000, s9;
	s11 =	sshrl.u32 s11, $0x3  }
0x12: {  	s7 =	sadd.s32 $0xF000, s9;
	s13 =	sadd.s32 s10, s13;
	s10 =	sadd.s32 s10, s11  }
0x13: {  	s11 =	sadd.s32 $0x25080, s13;
	s13 =	sshrl.u32 @p0 s14, $0x3;
	s14 =	sshll.u32 @!p0 s0, $0x6  }
0x14: {  	s8 =	sadd.s32 $0x5280, s9;
	s9 =	sadd.s32 $0xF280, s9;
	s14 =	sor.u32 @!p0 $0x1C05, s14  }
.LBB2_1:
0x15: {  	s30 =	simm.s32 @p0 $0x1FC5  }
0x16: {  	[spmem:s13], [sflag:s30] =	dma.local @p0 [hbm:s5], $0x2080  }
0x17: {  	s30 =	simm.s32 @p0 $0x5  }
0x18: {  	_ =	swait.ge @p0 [sflag:s30], $0x2080  }
0x19: {  	[sflag:s30] =	ssyncset.done @p0 $0x0  }
0x1a: {  	[sflag:s30] =	ssyncadd.s32 @p0 $0xFFFFDF80;
	s30 =	simm.s32 @!p0 $0x5  }
0x1b: {  	[spmem:s15], [sflag:s14] =	dma.local @!p0 [hbm:s4], $0x2780  }
0x1c: {  	_ =	swait.ge @!p0 [sflag:s30], $0x2780  }
0x1d: {  	[sflag:s30] =	ssyncset.done @!p0 $0x0  }
0x1e: {  	[sflag:s30] =	ssyncadd.s32 @!p0 $0xFFFFD880  }
0x1f: {  	[bflag:$0x0] =	sbarrier.arrive $0xFFFF  }
0x20: {  	[tilespmem:s3], [sflag:$0x5] =	stream.linear.gather [hbm4b:s6+s3], $0x1400, $0x38;
	[tilespmem:$0x1E0C0] =	vst v63  }
0x21: {  	_ =	swait.ge [sflag:s16], $0x1400  }
0x22: {  	[sflag:s16] =	ssyncset.done $0x0  }
0x23: {  	[sflag:s16] =	ssyncadd.s32 $0xFFFFEC00  }
0x24: {  	[tilespmem:s17], [sflag:$0x5] =	stream.linear.gather [hbm4b:s7+s3], $0x1400, $0x38;
	[tilespmem:$0x1E0C0] =	vst v63  }
0x25: {  	_ =	swait.ge [sflag:s16], $0x1400  }
0x26: {  	[sflag:s16] =	ssyncset.done $0x0  }
0x27: {  	s30 =	simm.s32 $0x0;
	[sflag:s16] =	ssyncadd.s32 $0xFFFFEC00  }
0x28: {  	[tilespmem:s19], [sflag:$0x1] =	stream.indirect.gather [spmem:s2], $0x80, s30, s18, $0xb8;
	[tilespmem:$0x1E0C0] =	vst v63  }
0x29: {  	s30 =	simm.s32 $0x40  }
0x2a: {  	[tilespmem:s20], [sflag:$0x1] =	stream.indirect.gather [spmem:s2], $0x80, s30, s18, $0xb8;
	[tilespmem:$0x1E0C0] =	vst v63  }
0x2b: {  	s30 =	simm.s32 $0x80  }
0x2c: {  	[tilespmem:s21], [sflag:$0x2] =	stream.indirect.gather [spmem:s2], $0x80, s30, s18, $0xb8;
	[tilespmem:$0x1E0C0] =	vst v63  }
0x2d: {  	s30 =	simm.s32 $0xC0  }
0x2e: {  	[tilespmem:s22], [sflag:$0x2] =	stream.indirect.gather [spmem:s2], $0x80, s30, s18, $0xb8;
	[tilespmem:$0x1E0C0] =	vst v63  }
0x2f: {  	_ =	swait.ge [sflag:s23], $0x2000  }
0x30: {  	[sflag:s23] =	ssyncset.done $0x0  }
0x31: {  	[sflag:s23] =	ssyncadd.s32 $0xFFFFE000  }
0x32: {  	_ =	swait.ge [sflag:s23], $0x2000  }
0x33: {  	[sflag:s23] =	ssyncset.done $0x0  }
0x34: {  	s30 =	simm.s32 $0x1400;
	[sflag:s23] =	ssyncadd.s32 $0xFFFFE000  }
0x35: {  	[spmem:s2] =	stream.indirect.scatter.add.f32 [tilespmem:s19], [sflag:$0x3], $0x80, s30, s24, $0xb8;
	[tilespmem:$0x1E0C0] =	vst v63  }
0x36: {  	_ =	swait.ge [sflag:s25], $0x2000  }
0x37: {  	[sflag:s25] =	ssyncset.done $0x0  }
0x38: {  	[sflag:s25] =	ssyncadd.s32 $0xFFFFE000  }
0x39: {  	_ =	swait.ge [sflag:s25], $0x2000  }
0x3a: {  	[sflag:s25] =	ssyncset.done $0x0  }
0x3b: {  	s30 =	simm.s32 $0x1480;
	[sflag:s25] =	ssyncadd.s32 $0xFFFFE000  }
0x3c: {  	[spmem:s2] =	stream.indirect.scatter.add.f32 [tilespmem:s21], [sflag:$0x4], $0x80, s30, s24, $0xb8;
	[tilespmem:$0x1E0C0] =	vst v63  }
0x3d: {  	_ =	swait.ge [sflag:s26], $0x4000  }
0x3e: {  	[sflag:s26] =	ssyncset.done $0x0  }
0x3f: {  	[sflag:s26] =	ssyncadd.s32 $0xFFFFC000  }
0x40: {  	_ =	swait.ge [sflag:s28], $0x4000  }
0x41: {  	s31 =	simm.s32 $0x800;
	s30 =	simm.s32 $0x400;
	[sflag:s28] =	ssyncset.done $0x0  }
.LBB2_2:
0x42: {  	s1 =	sshra.s32 s30, $0x2  }
0x43: {  	[sflag:s28] =	ssyncadd.s32 $0xFFFFC000;
	s30 =	smov.u32 s31;
	s0 =	sadd.s32 $0x400, s31  }
0x44: {  	[tilespmem:s19], [sflag:$0x1] =	stream.indirect.gather [spmem:s2], $0x80, s1, s18, $0xb8;
	[tilespmem:$0x1E0C0] =	vst v63  }
0x45: {  	p1 =	sne.s32 s31, $0x4C00;
	s31 =	sadd.s32 $0x40, s1  }
0x46: {  	[tilespmem:s20], [sflag:$0x1] =	stream.indirect.gather [spmem:s2], $0x80, s31, s18, $0xb8;
	[tilespmem:$0x1E0C0] =	vst v63  }
0x47: {  	s31 =	sadd.s32 $0x80, s1  }
0x48: {  	[tilespmem:s21], [sflag:$0x2] =	stream.indirect.gather [spmem:s2], $0x80, s31, s18, $0xb8;
	[tilespmem:$0x1E0C0] =	vst v63  }
0x49: {  	s31 =	sadd.s32 $0xC0, s1  }
0x4a: {  	[tilespmem:s22], [sflag:$0x2] =	stream.indirect.gather [spmem:s2], $0x80, s31, s18, $0xb8;
	[tilespmem:$0x1E0C0] =	vst v63  }
0x4b: {  	_ =	swait.ge [sflag:s23], $0x2000  }
0x4c: {  	[sflag:s23] =	ssyncset.done $0x0  }
0x4d: {  	[sflag:s23] =	ssyncadd.s32 $0xFFFFE000  }
0x4e: {  	_ =	swait.ge [sflag:s23], $0x2000  }
0x4f: {  	[sflag:s23] =	ssyncset.done $0x0  }
0x50: {  	s31 =	sadd.s32 $0x1400, s1;
	[sflag:s23] =	ssyncadd.s32 $0xFFFFE000  }
0x51: {  	[spmem:s2] =	stream.indirect.scatter.add.f32 [tilespmem:s19], [sflag:$0x3], $0x80, s31, s24, $0xb8;
	[tilespmem:$0x1E0C0] =	vst v63  }
0x52: {  	_ =	swait.ge [sflag:s25], $0x2000  }
0x53: {  	[sflag:s25] =	ssyncset.done $0x0  }
0x54: {  	[sflag:s25] =	ssyncadd.s32 $0xFFFFE000  }
0x55: {  	_ =	swait.ge [sflag:s25], $0x2000  }
0x56: {  	[sflag:s25] =	ssyncset.done $0x0  }
0x57: {  	s1 =	sadd.s32 $0x1480, s1;
	[sflag:s25] =	ssyncadd.s32 $0xFFFFE000  }
0x58: {  	[spmem:s2] =	stream.indirect.scatter.add.f32 [tilespmem:s21], [sflag:$0x4], $0x80, s1, s24, $0xb8;
	[tilespmem:$0x1E0C0] =	vst v63  }
.Ltmp0:
0x59: {  	_ =	swait.ge [sflag:s26], $0x4000;
	(pc) =	sbr.rel @p1 .LBB2_2-.Ltmp0, $4  }
0x5a: {  	[sflag:s26] =	ssyncset.done $0x0  }
0x5b: {  	[sflag:s26] =	ssyncadd.s32 $0xFFFFC000  }
0x5c: {  	_ =	swait.ge [sflag:s28], $0x4000  }
0x5d: {  	s31 =	smov.u32 s0;
	[sflag:s28] =	ssyncset.done $0x0  }
0x5e: {  	s0 =	sshra.s32 s30, $0x2;
	[sflag:s28] =	ssyncadd.s32 $0xFFFFC000  }
0x5f: {  	[tilespmem:s19], [sflag:$0x1] =	stream.indirect.gather [spmem:s2], $0x80, s0, s18, $0xb8;
	[tilespmem:$0x1E0C0] =	vst v63  }
0x60: {  	s1 =	sadd.s32 $0x40, s0  }
0x61: {  	[tilespmem:s20], [sflag:$0x1] =	stream.indirect.gather [spmem:s2], $0x80, s1, s18, $0xb8;
	[tilespmem:$0x1E0C0] =	vst v63  }
0x62: {  	s1 =	sadd.s32 $0x80, s0  }
0x63: {  	[tilespmem:s21], [sflag:$0x2] =	stream.indirect.gather [spmem:s2], $0x80, s1, s18, $0xb8;
	[tilespmem:$0x1E0C0] =	vst v63  }
0x64: {  	s1 =	sadd.s32 $0xC0, s0  }
0x65: {  	[tilespmem:s22], [sflag:$0x2] =	stream.indirect.gather [spmem:s2], $0x80, s1, s18, $0xb8;
	[tilespmem:$0x1E0C0] =	vst v63  }
0x66: {  	_ =	swait.ge [sflag:s23], $0x2000  }
0x67: {  	[sflag:s23] =	ssyncset.done $0x0  }
0x68: {  	[sflag:s23] =	ssyncadd.s32 $0xFFFFE000  }
0x69: {  	_ =	swait.ge [sflag:s23], $0x2000  }
0x6a: {  	[sflag:s23] =	ssyncset.done $0x0  }
0x6b: {  	s1 =	sadd.s32 $0x1400, s0;
	[sflag:s23] =	ssyncadd.s32 $0xFFFFE000  }
0x6c: {  	[spmem:s2] =	stream.indirect.scatter.add.f32 [tilespmem:s19], [sflag:$0x3], $0x80, s1, s24, $0xb8;
	[tilespmem:$0x1E0C0] =	vst v63  }
0x6d: {  	_ =	swait.ge [sflag:s25], $0x2000  }
0x6e: {  	[sflag:s25] =	ssyncset.done $0x0  }
0x6f: {  	[sflag:s25] =	ssyncadd.s32 $0xFFFFE000  }
0x70: {  	_ =	swait.ge [sflag:s25], $0x2000  }
0x71: {  	[sflag:s25] =	ssyncset.done $0x0  }
0x72: {  	s0 =	sadd.s32 $0x1480, s0;
	[sflag:s25] =	ssyncadd.s32 $0xFFFFE000  }
0x73: {  	[spmem:s2] =	stream.indirect.scatter.add.f32 [tilespmem:s21], [sflag:$0x4], $0x80, s0, s24, $0xb8;
	[tilespmem:$0x1E0C0] =	vst v63  }
0x74: {  	_ =	swait.ge [sflag:s26], $0x4000  }
0x75: {  	[sflag:s26] =	ssyncset.done $0x0  }
0x76: {  	[sflag:s26] =	ssyncadd.s32 $0xFFFFC000  }
0x77: {  	_ =	swait.ge [sflag:s28], $0x4000  }
0x78: {  	[sflag:s28] =	ssyncset.done $0x0  }
0x79: {  	s1 =	simm.s32 $0x0;
	[sflag:s28] =	ssyncadd.s32 $0xFFFFC000  }
0x7a: {  	[tilespmem:s1], [sflag:$0x5] =	stream.linear.gather [hbm4b:s8+s1], $0x1400, $0x38;
	[tilespmem:$0x1E0C0] =	vst v63  }
0x7b: {  	_ =	swait.ge [sflag:s16], $0x1400  }
0x7c: {  	[sflag:s16] =	ssyncset.done $0x0  }
0x7d: {  	[sflag:s16] =	ssyncadd.s32 $0xFFFFEC00  }
0x7e: {  	[tilespmem:s17], [sflag:$0x5] =	stream.linear.gather [hbm4b:s9+s1], $0x1400, $0x38;
	[tilespmem:$0x1E0C0] =	vst v63  }
0x7f: {  	_ =	swait.ge [sflag:s16], $0x1400  }
0x80: {  	[sflag:s16] =	ssyncset.done $0x0  }
0x81: {  	s1 =	simm.s32 $0x0;
	[sflag:s16] =	ssyncadd.s32 $0xFFFFEC00  }
0x82: {  	[tilespmem:s19], [sflag:$0x1] =	stream.indirect.gather [spmem:s2], $0x80, s1, s18, $0xb8;
	[tilespmem:$0x1E0C0] =	vst v63  }
0x83: {  	s1 =	simm.s32 $0x40  }
0x84: {  	[tilespmem:s20], [sflag:$0x1] =	stream.indirect.gather [spmem:s2], $0x80, s1, s18, $0xb8;
	[tilespmem:$0x1E0C0] =	vst v63  }
0x85: {  	s1 =	simm.s32 $0x80  }
0x86: {  	[tilespmem:s21], [sflag:$0x2] =	stream.indirect.gather [spmem:s2], $0x80, s1, s18, $0xb8;
	[tilespmem:$0x1E0C0] =	vst v63  }
0x87: {  	s1 =	simm.s32 $0xC0  }
0x88: {  	[tilespmem:s22], [sflag:$0x2] =	stream.indirect.gather [spmem:s2], $0x80, s1, s18, $0xb8;
	[tilespmem:$0x1E0C0] =	vst v63  }
0x89: {  	_ =	swait.ge [sflag:s23], $0x2000  }
0x8a: {  	[sflag:s23] =	ssyncset.done $0x0  }
0x8b: {  	[sflag:s23] =	ssyncadd.s32 $0xFFFFE000  }
0x8c: {  	_ =	swait.ge [sflag:s23], $0x2000  }
0x8d: {  	[sflag:s23] =	ssyncset.done $0x0  }
0x8e: {  	s1 =	simm.s32 $0x1400;
	[sflag:s23] =	ssyncadd.s32 $0xFFFFE000  }
0x8f: {  	[spmem:s2] =	stream.indirect.scatter.add.f32 [tilespmem:s19], [sflag:$0x3], $0x80, s1, s24, $0xb8;
	[tilespmem:$0x1E0C0] =	vst v63  }
0x90: {  	_ =	swait.ge [sflag:s25], $0x2000  }
0x91: {  	[sflag:s25] =	ssyncset.done $0x0  }
0x92: {  	[sflag:s25] =	ssyncadd.s32 $0xFFFFE000  }
0x93: {  	_ =	swait.ge [sflag:s25], $0x2000  }
0x94: {  	[sflag:s25] =	ssyncset.done $0x0  }
0x95: {  	s1 =	simm.s32 $0x1480;
	[sflag:s25] =	ssyncadd.s32 $0xFFFFE000  }
0x96: {  	[spmem:s2] =	stream.indirect.scatter.add.f32 [tilespmem:s21], [sflag:$0x4], $0x80, s1, s24, $0xb8;
	[tilespmem:$0x1E0C0] =	vst v63  }
0x97: {  	_ =	swait.ge [sflag:s26], $0x4000  }
0x98: {  	[sflag:s26] =	ssyncset.done $0x0  }
0x99: {  	[sflag:s26] =	ssyncadd.s32 $0xFFFFC000  }
0x9a: {  	_ =	swait.ge [sflag:s28], $0x4000  }
0x9b: {  	s30 =	simm.s32 $0x400;
	s31 =	simm.s32 $0x800;
	[sflag:s28] =	ssyncset.done $0x0  }
.LBB2_4:
0x9c: {  	s0 =	sshra.s32 s30, $0x2  }
0x9d: {  	[sflag:s28] =	ssyncadd.s32 $0xFFFFC000;
	s30 =	smov.u32 s31;
	s1 =	sadd.s32 $0x400, s31  }
0x9e: {  	[tilespmem:s19], [sflag:$0x1] =	stream.indirect.gather [spmem:s2], $0x80, s0, s18, $0xb8;
	[tilespmem:$0x1E0C0] =	vst v63  }
0x9f: {  	p1 =	sne.s32 s31, $0x4C00;
	s31 =	sadd.s32 $0x40, s0  }
0xa0: {  	[tilespmem:s20], [sflag:$0x1] =	stream.indirect.gather [spmem:s2], $0x80, s31, s18, $0xb8;
	[tilespmem:$0x1E0C0] =	vst v63  }
0xa1: {  	s31 =	sadd.s32 $0x80, s0  }
0xa2: {  	[tilespmem:s21], [sflag:$0x2] =	stream.indirect.gather [spmem:s2], $0x80, s31, s18, $0xb8;
	[tilespmem:$0x1E0C0] =	vst v63  }
0xa3: {  	s31 =	sadd.s32 $0xC0, s0  }
0xa4: {  	[tilespmem:s22], [sflag:$0x2] =	stream.indirect.gather [spmem:s2], $0x80, s31, s18, $0xb8;
	[tilespmem:$0x1E0C0] =	vst v63  }
0xa5: {  	_ =	swait.ge [sflag:s23], $0x2000  }
0xa6: {  	[sflag:s23] =	ssyncset.done $0x0  }
0xa7: {  	[sflag:s23] =	ssyncadd.s32 $0xFFFFE000  }
0xa8: {  	_ =	swait.ge [sflag:s23], $0x2000  }
0xa9: {  	[sflag:s23] =	ssyncset.done $0x0  }
0xaa: {  	s31 =	sadd.s32 $0x1400, s0;
	[sflag:s23] =	ssyncadd.s32 $0xFFFFE000  }
0xab: {  	[spmem:s2] =	stream.indirect.scatter.add.f32 [tilespmem:s19], [sflag:$0x3], $0x80, s31, s24, $0xb8;
	[tilespmem:$0x1E0C0] =	vst v63  }
0xac: {  	_ =	swait.ge [sflag:s25], $0x2000  }
0xad: {  	[sflag:s25] =	ssyncset.done $0x0  }
0xae: {  	[sflag:s25] =	ssyncadd.s32 $0xFFFFE000  }
0xaf: {  	_ =	swait.ge [sflag:s25], $0x2000  }
0xb0: {  	[sflag:s25] =	ssyncset.done $0x0  }
0xb1: {  	s0 =	sadd.s32 $0x1480, s0;
	[sflag:s25] =	ssyncadd.s32 $0xFFFFE000  }
0xb2: {  	[spmem:s2] =	stream.indirect.scatter.add.f32 [tilespmem:s21], [sflag:$0x4], $0x80, s0, s24, $0xb8;
	[tilespmem:$0x1E0C0] =	vst v63  }
.Ltmp1:
0xb3: {  	_ =	swait.ge [sflag:s26], $0x4000;
	(pc) =	sbr.rel @p1 .LBB2_4-.Ltmp1, $4  }
0xb4: {  	[sflag:s26] =	ssyncset.done $0x0  }
0xb5: {  	[sflag:s26] =	ssyncadd.s32 $0xFFFFC000  }
0xb6: {  	_ =	swait.ge [sflag:s28], $0x4000  }
0xb7: {  	s31 =	smov.u32 s1;
	[sflag:s28] =	ssyncset.done $0x0  }
0xb8: {  	s0 =	sshra.s32 s30, $0x2;
	[sflag:s28] =	ssyncadd.s32 $0xFFFFC000  }
0xb9: {  	[tilespmem:s19], [sflag:$0x1] =	stream.indirect.gather [spmem:s2], $0x80, s0, s18, $0xb8;
	[tilespmem:$0x1E0C0] =	vst v63  }
0xba: {  	s1 =	sadd.s32 $0x40, s0  }
0xbb: {  	[tilespmem:s20], [sflag:$0x1] =	stream.indirect.gather [spmem:s2], $0x80, s1, s18, $0xb8;
	[tilespmem:$0x1E0C0] =	vst v63  }
0xbc: {  	s31 =	sadd.s32 $0x80, s0  }
0xbd: {  	[tilespmem:s21], [sflag:$0x2] =	stream.indirect.gather [spmem:s2], $0x80, s31, s18, $0xb8;
	[tilespmem:$0x1E0C0] =	vst v63  }
0xbe: {  	s30 =	sadd.s32 $0xC0, s0  }
0xbf: {  	[tilespmem:s22], [sflag:$0x2] =	stream.indirect.gather [spmem:s2], $0x80, s30, s18, $0xb8;
	[tilespmem:$0x1E0C0] =	vst v63  }
0xc0: {  	_ =	swait.ge [sflag:s23], $0x2000  }
0xc1: {  	[sflag:s23] =	ssyncset.done $0x0  }
0xc2: {  	[sflag:s23] =	ssyncadd.s32 $0xFFFFE000  }
0xc3: {  	_ =	swait.ge [sflag:s23], $0x2000  }
0xc4: {  	[sflag:s23] =	ssyncset.done $0x0  }
0xc5: {  	s31 =	sadd.s32 $0x1400, s0;
	[sflag:s23] =	ssyncadd.s32 $0xFFFFE000  }
0xc6: {  	[spmem:s2] =	stream.indirect.scatter.add.f32 [tilespmem:s19], [sflag:$0x3], $0x80, s31, s24, $0xb8;
	[tilespmem:$0x1E0C0] =	vst v63  }
0xc7: {  	_ =	swait.ge [sflag:s25], $0x2000  }
0xc8: {  	[sflag:s25] =	ssyncset.done $0x0  }
0xc9: {  	[sflag:s25] =	ssyncadd.s32 $0xFFFFE000  }
0xca: {  	_ =	swait.ge [sflag:s25], $0x2000  }
0xcb: {  	[sflag:s25] =	ssyncset.done $0x0  }
0xcc: {  	s0 =	sadd.s32 $0x1480, s0;
	[sflag:s25] =	ssyncadd.s32 $0xFFFFE000  }
0xcd: {  	[spmem:s2] =	stream.indirect.scatter.add.f32 [tilespmem:s21], [sflag:$0x4], $0x80, s0, s24, $0xb8;
	[tilespmem:$0x1E0C0] =	vst v63  }
0xce: {  	_ =	swait.ge [sflag:s26], $0x4000  }
0xcf: {  	[sflag:s26] =	ssyncset.done $0x0  }
0xd0: {  	[sflag:s26] =	ssyncadd.s32 $0xFFFFC000  }
0xd1: {  	_ =	swait.ge [sflag:s28], $0x4000  }
0xd2: {  	[sflag:s28] =	ssyncset.done $0x0  }
0xd3: {  	[sflag:s28] =	ssyncadd.s32 $0xFFFFC000  }
0xd4: {  	s0 =	simm.s32 @p0 $0x1FC5;
	[bflag:$0x0] =	sbarrier.arrive $0xFFFF  }
0xd5: {  	[hbm:s11], [sflag:s0] =	dma.local @p0 [spmem:s13], $0x2080  }
0xd6: {  	s0 =	simm.s32 @p0 $0x5  }
0xd7: {  	s29 =	sadd.s32 $0x1, s29;
	_ =	swait.ge @p0 [sflag:s0], $0x2080  }
0xd8: {  	p1 =	sne.s32 s29, s12;
	[sflag:s0] =	ssyncset.done @p0 $0x0  }
.Ltmp2:
0xd9: {  	[sflag:s0] =	ssyncadd.s32 @p0 $0xFFFFDF80;
	s0 =	simm.s32 @!p0 $0x5;
	(pc) =	sbr.rel @p1 .LBB2_1-.Ltmp2, $4  }
0xda: {  	[hbm:s10], [sflag:s14] =	dma.local @!p0 [spmem:s15], $0x2780  }
0xdb: {  	_ =	swait.ge @!p0 [sflag:s0], $0x2780  }
0xdc: {  	[sflag:s0] =	ssyncset.done @!p0 $0x0  }
0xdd: {  	[sflag:s0] =	ssyncadd.s32 @!p0 $0xFFFFD880  }
0xde: {  	_ =	sfence.sel $0x180000  }
0xdf: {  	[bflag:$0x0] =	sbarrier.arrive $0xFFFF  }
0xe0: {  	_ =	strace $0x9000004D  }
0xe1: {  	s0 =	stileid.u32;
	[bflag:$0x2] =	sbarrier.arrive $0xFFFF  }
0xe2: {  	p0 =	sne.s32 s0, $0x0;
	s0 =	rddreg [dreg:$0x3]  }
0xe3: {  	s0 =	sadd.s32 @!p0 $0x100000, s0  }
0xe4: {  	[sflag:s0] =	ssyncadd.tile.s32 @!p0 $0x1;
	_ =	shalt  }
.Lfunc_end2:
_tile_overlayer_lowered:
.L_overlay_start_2:
0xe5: {  	(tag) =	ssettag $0x2  }
0xe6: {  	s0 =	rddreg [dreg:$0x0];
	s2 =	stileid.u32  }
0xe7: {  	s1 =	rddreg [dreg:$0x1];
	p0 =	sne.s32 s2, $0x0  }
0xe8: {  	s3 =	rddreg [dreg:$0x2];
	[bflag:$0x3] =	sbarrier.arrive $0xFFFF;
	s2 =	simm.s32 @!p0 $0x1C05  }
0xe9: {  	[timem:s3], [sflag:s2] =	dma.local @!p0 [hbm:s0], s1  }
0xea: {  	s0 =	simm.s32 @!p0 $0x5  }
0xeb: {  	_ =	swait.ge @!p0 [sflag:s0], s1  }
0xec: {  	s1 =	ssub.s32 @!p0 $0x0, s1;
	[sflag:s0] =	ssyncset.done @!p0 $0x0  }
0xed: {  	[sflag:s0] =	ssyncadd.s32 @!p0 s1  }
0xee: {  	[bflag:$0x3] =	sbarrier.arrive $0xFFFF  }
0xef: {  	_ =	shalt  }

// kernel: kernel.9.cloned.1.call-start
scs
__scs_entry_jumppad:
0x0: {  	(pc) =	sbr.rel $0x88, $3  }
0x1: {  	(tag) =	ssettag $0x0;
	lr =	simm.s32 $0x1  }
0x2: {  	[smem:$0x3F8A] =	sst lr;
	_ =	strace $0xD0000000  }
0x3: {  	_ = 	snop  }
0x4: {  	_ = 	snop  }
0x5: {  	_ = 	snop  }
0x6: {  	_ = 	snop  }
0x7: {  	_ = 	snop  }
__scs_overlays_trampoline_lowered:
0x8: {  	[smem:$0x3F99] =	sst s0  }
0x9: {  	[smem:$0x3F9A] =	sst s1  }
0xa: {  	[smem:$0x3F9B] =	sst s2  }
0xb: {  	[smem:$0x3F9C] =	sst s3  }
0xc: {  	[smem:$0x3F9D] =	sst s4  }
0xd: {  	[smem:$0x3F9E] =	sst s5  }
0xe: {  	[smem:$0x3F9F] =	sst s6  }
0xf: {  	[smem:$0x3FA0] =	sst s7  }
0x10: {  	[smem:$0x3FA1] =	sst s8  }
0x11: {  	[smem:$0x3FA2] =	sst s9;
	s0 =	simm.s32 @!p0 $0x0  }
0x12: {  	s1 =	sld [smem:$0x3F88];
	s0 =	simm.s32 @p0 $0x1  }
0x13: {  	[smem:$0x3FA3] =	sst s0;
	s0 =	simm.s32 @!p1 $0x0  }
0x14: {  	s2 =	sld [smem:$0x3F87];
	s0 =	simm.s32 @p1 $0x1  }
0x15: {  	[smem:$0x3FA4] =	sst s0;
	s0 =	simm.s32 @!p2 $0x0  }
0x16: {  	s3 =	sld [smem:$0x3FDB];
	s0 =	simm.s32 @p2 $0x1  }
0x17: {  	s4 =	simm.s32 $0x1BF5;
	[smem:$0x3FA6] =	sst s0  }
0x18: {  	s0 =	sld [smem:$0x3F89];
	_ =	swait.ge [sflag:s4], $0x0  }
0x19: {  	s7 =	sld [smem:$0x3F8A]  }
0x1a: {  	s8 =	sadd.s32 $0xFFFFE003, lr  }
0x1b: {  	s9 =	sadd.s32 $0xFFFFFEF7, lr;
	s5 =	simm.s32 $0xFFFFFFFF;
	p2 =	slt.u32 s8, $0xFFFFF086  }
0x1c: {  	p1 =	slt.u32 s9, $0xF7A;
	s5 =	simm.s32 @!p2 $0x0  }
0x1d: {  	s5 =	simm.s32 @p1 $0x1;
	p0 =	seq.s32 s7, s2  }
0x1e: {  	s7 =	smul.u32 @!p0 $0xF7A, s2;
	p2 =	seq.s32 @!p0 s5, $0x0  }
0x1f: {  	s9 =	smul.u32 $0xF7A, s1;
	s8 =	simm.s32 @!p0 $0x1BF5;
	p2 =	por !p2, p0  }
0x20: {  	[sflag:s8] =	ssyncset.s32 @!p0 $0xFFFFF086;
	s6 =	sadd.s32 @!p0 s3, s7;
	s7 =	simm.s32 @!p0 $0x108  }
0x21: {  	s3 =	sadd.s32 s3, s9;
	s6 =	sadd.s32 @!p0 $0x88, s6;
	s7 =	simm.s32 @p2 $0x1082  }
0x22: {  	[simem:s7], [sflag:s8] =	dma.local @!p0 [hbm:s6], $0xF7A  }
0x23: {  	s9 =	sor.u32 $0xD0000000, s2;
	s6 =	simm.s32 $0x108;
	_ =	swait.ge @!p0 [sflag:s8], $0x0  }
0x24: {  	s3 =	sadd.s32 $0x88, s3;
	s6 =	simm.s32 @!p1 $0x1082;
	[sflag:s4] =	ssyncset.s32 $0xFFFFF086  }
0x25: {  	[simem:s6], [sflag:s4] =	dma.local [hbm:s3], $0xF7A  }
0x26: {  	[smem:$0x3F8A] =	sst s1;
	(tag) =	ssettag s2;
	_ =	strace s9  }
0x27: {  	s1 =	sld [smem:$0x3F9A]  }
0x28: {  	s2 =	sld [smem:$0x3F9B]  }
0x29: {  	s4 =	sld [smem:$0x3F9D]  }
0x2a: {  	p0 =	seq.s32 s5, $0x0;
	s5 =	sld [smem:$0x3F9E]  }
0x2b: {  	s6 =	sld [smem:$0x3F9F]  }
0x2c: {  	s7 =	sld [smem:$0x3FA0]  }
0x2d: {  	s3 =	simm.s32 $0x108;
	s8 =	sld [smem:$0x3FA1]  }
0x2e: {  	s3 =	simm.s32 @!p0 $0x1082;
	s9 =	sld [smem:$0x3FA2]  }
0x2f: {  	lr =	sadd.s32 s0, s3;
	s0 =	sld [smem:$0x3F99]  }
0x30: {  	s3 =	sld [smem:$0x3F9C]  }
0x31: {  	[smem:$0x3FA5] =	sst s10  }
0x32: {  	s10 =	sld [smem:$0x3FA3];
	_ =	sdelay $0x3  }
0x33: {  	p0 =	seq.s32 s10, $0x1;
	s10 =	sld [smem:$0x3FA5];
	_ =	sdelay $0x3  }
0x34: {  	[smem:$0x3FA5] =	sst s10  }
0x35: {  	s10 =	sld [smem:$0x3FA4];
	_ =	sdelay $0x3  }
0x36: {  	p1 =	seq.s32 s10, $0x1;
	s10 =	sld [smem:$0x3FA5];
	_ =	sdelay $0x3  }
0x37: {  	[smem:$0x3FA5] =	sst s10  }
0x38: {  	s10 =	sld [smem:$0x3FA6]  }
0x39: {  	_ = 	snop;
	(pc) =	sbr.ind lr, $3  }
0x3a: {  	_ = 	snop  }
0x3b: {  	_ = 	snop  }
0x3c: {  	p2 =	seq.s32 s10, $0x1;
	s10 =	sld [smem:$0x3FA5]  }
0x3d: {  	_ =	shalt  }
0x3e: {  	_ =	shalt  }
0x3f: {  	_ =	shalt  }
0x40: {  	_ =	shalt  }
0x41: {  	_ =	shalt  }
0x42: {  	_ =	shalt  }
0x43: {  	_ =	shalt  }
0x44: {  	_ =	shalt  }
0x45: {  	_ =	shalt  }
0x46: {  	_ =	shalt  }
0x47: {  	_ =	shalt  }
0x48: {  	_ =	shalt  }
0x49: {  	_ =	shalt  }
0x4a: {  	_ =	shalt  }
0x4b: {  	_ =	shalt  }
0x4c: {  	_ =	shalt  }
0x4d: {  	_ =	shalt  }
0x4e: {  	_ =	shalt  }
0x4f: {  	_ =	shalt  }
0x50: {  	_ =	shalt  }
0x51: {  	_ =	shalt  }
0x52: {  	_ =	shalt  }
0x53: {  	_ =	shalt  }
0x54: {  	_ =	shalt  }
0x55: {  	_ =	shalt  }
0x56: {  	_ =	shalt  }
0x57: {  	_ =	shalt  }
0x58: {  	_ =	shalt  }
0x59: {  	_ =	shalt  }
0x5a: {  	_ =	shalt  }
0x5b: {  	_ =	shalt  }
0x5c: {  	_ =	shalt  }
0x5d: {  	_ =	shalt  }
0x5e: {  	_ =	shalt  }
0x5f: {  	_ =	shalt  }
0x60: {  	_ =	shalt  }
0x61: {  	_ =	shalt  }
0x62: {  	_ =	shalt  }
0x63: {  	_ =	shalt  }
0x64: {  	_ =	shalt  }
0x65: {  	_ =	shalt  }
0x66: {  	_ =	shalt  }
0x67: {  	_ =	shalt  }
0x68: {  	_ =	shalt  }
0x69: {  	_ =	shalt  }
0x6a: {  	_ =	shalt  }
0x6b: {  	_ =	shalt  }
0x6c: {  	_ =	shalt  }
0x6d: {  	_ =	shalt  }
0x6e: {  	_ =	shalt  }
0x6f: {  	_ =	shalt  }
0x70: {  	_ =	shalt  }
0x71: {  	_ =	shalt  }
0x72: {  	_ =	shalt  }
0x73: {  	_ =	shalt  }
0x74: {  	_ =	shalt  }
0x75: {  	_ =	shalt  }
0x76: {  	_ =	shalt  }
0x77: {  	_ =	shalt  }
0x78: {  	_ =	shalt  }
0x79: {  	_ =	shalt  }
0x7a: {  	_ =	shalt  }
0x7b: {  	_ =	shalt  }
0x7c: {  	_ =	shalt  }
0x7d: {  	_ =	shalt  }
0x7e: {  	_ =	shalt  }
0x7f: {  	_ =	shalt  }
0x80: {  	_ =	shalt  }
0x81: {  	_ =	shalt  }
0x82: {  	_ =	shalt  }
0x83: {  	_ =	shalt  }
0x84: {  	_ =	shalt  }
0x85: {  	_ =	shalt  }
0x86: {  	_ =	shalt  }
0x87: {  	_ =	shalt  }
.Lfunc_end0:
.L_simem_size_0:
called_computation_lowered:
.L_overlay_start_0:
0x88: {  	s2 =	sld [smem:$0x3FD9]  }
0x89: {  	s3 =	sld [smem:$0x3FFE];
	_ =	sdelay $0x1  }
0x8a: {  	s1 =	srdreg.scid  }
0x8b: {  	s0 =	sand.u32 $0x1, s1  }
0x8c: {  	s14 =	sshll.u32 s0, $0xA;
	s2 =	sadd.s32 s3, s2  }
0x8d: {  	s2 =	sadd.s32 s2, s14  }
0x8e: {  	[smem:$0x3FB1] =	sst s2  }
0x8f: {  	_ = 	snop  }
0x90: {  	s2 =	sld [smem:$0x3FD0];
	_ =	sdelay $0x2  }
0x91: {  	s15 =	simm.s32 $0xA;
	s4 =	simm.s32 $0x10  }
0x92: {  	[smem:s4], [sflag:s15] =	dma.local [hbm:s2], $0x1  }
0x93: {  	_ =	swait.eq [sflag:s15], $0x1  }
0x94: {  	[sflag:s15] =	ssyncset.done $0x0  }
0x95: {  	[sflag:s15] =	ssyncadd.s32 $0xFFFFFFFF  }
0x96: {  	s16 =	sld [smem:$0x10];
	(tm) =	ssettm $0x1  }
0x97: {  	s17 =	sld [smem:$0x3FFB];
	_ =	sdelay $0x3  }
0x98: {  	_ =	strace s17  }
0x99: {  	s3 =	sld [smem:$0x3FFC];
	_ =	sdelay $0x3  }
0x9a: {  	_ =	strace s3  }
0x9b: {  	s3 =	sld [smem:$0x3FFD];
	_ =	sdelay $0x3  }
0x9c: {  	_ =	strace s3  }
0x9d: {  	_ =	strace $0x8FFFFFFF  }
0x9e: {  	s18 =	sld [smem:$0x3FDB];
	_ =	sdelay $0x1  }
0x9f: {  	s19 =	simm.s32 $_scs_section_size  }
0xa0: {  	s5 =	simm.s32 $_size__tile_overlayer_lowered;
	s6 =	simm.s32 $_tile_overlayer_lowered  }
0xa1: {  	s22 =	simm.s32 $0x1BFF;
	s21 =	sshll.u32 s6, $0x1;
	s3 =	sadd.s32 s19, s18  }
0xa2: {  	s7 =	simm.s32 $0x0;
	s20 =	sshll.u32 s5, $0x1;
	s5 =	sadd.s32 s21, s3  }
0xa3: {  	[timem:s7], [sflag:s22] =	dma.local [hbm:s5], s20  }
0xa4: {  	_ =	swait.ge [sflag:s22], s20  }
0xa5: {  	s4 =	ssub.s32 $0x0, s20;
	[sflag:s22] =	ssyncset.done $0x0  }
0xa6: {  	[sflag:s22] =	ssyncadd.s32 s4;
	_ =	sdelay $0x1  }
0xa7: {  	s23 =	simm.s32 $0x1B8B  }
0xa8: {  	_ =	swait.ge [sflag:s23], $0x1  }
0xa9: {  	[sflag:s23] =	ssyncset.done $0x0  }
0xaa: {  	s25 =	simm.s32 $0x1B8E;
	s24 =	sld [smem:$0x3FFE];
	[sflag:s23] =	ssyncadd.s32 $0xFFFFFFFF  }
0xab: {  	s26 =	simm.s32 $execute0_lowered;
	[smem:$0x3FD2] =	sst s25  }
0xac: {  	s5 =	sshll.u32 s26, $0x1;
	_ =	strace $0x80000046;
	[dreg:$0x1] =	wrdreg $0xFFFFFFFF  }
0xad: {  	s28 =	simm.s32 $_size_execute0_lowered;
	s3 =	sadd.s32 s3, s5;
	[dreg:$0x0] =	wrdreg $0x0  }
0xae: {  	s5 =	sshll.u32 s28, $0x1;
	[dreg:$0x2] =	wrdreg s3  }
0xaf: {  	[dreg:$0x3] =	wrdreg s5  }
0xb0: {  	[dreg:$0x4] =	wrdreg $0xC0  }
0xb1: {  	_ =	task [dreg:s7], $0x5FFFF  }
0xb2: {  	[dreg:$0x1] =	wrdreg $0xFFFFFFFF  }
0xb3: {  	[dreg:$0x0] =	wrdreg $0x60  }
0xb4: {  	[dreg:$0x2] =	wrdreg s24  }
0xb5: {  	[dreg:$0x3] =	wrdreg s16  }
0xb6: {  	[dreg:$0x4] =	wrdreg $0xA8000  }
0xb7: {  	[dreg:$0x5] =	wrdreg $0x9  }
0xb8: {  	_ =	task.clear_ibuf [dreg:s7], $0x6FFFF;
	_ =	strace $0x90000046  }
0xb9: {  	s29 =	simm.s32 $0x9;
	_ =	strace $0x80000048  }
0xba: {  	_ =	swait.ge [sflag:s29], $0x1  }
0xbb: {  	[sflag:s29] =	ssyncadd.s32 $0xFFFFFFFF  }
0xbc: {  	_ =	strace $0x90000048  }
0xbd: {  	_ =	sfence  }
0xbe: {  	s30 =	sld [smem:$0x0];
	_ =	sdelay $0x2  }
0xbf: {  	s31 =	sshll.u32 s1, $0xD;
	s1 =	sshrl.u32 s1, $0x2  }
0xc0: {  	s3 =	sand.u32 $0x4000, s31;
	s1 =	sadd.s32 s1, s30  }
0xc1: {  	s0 =	sor.u32 s3, s0;
	s1 =	sshll.u32 s1, $0x11  }
0xc2: {  	s0 =	sor.u32 s1, s0  }
0xc3: {  	s0 =	sadd.s32 $0x8F2B, s0  }
0xc4: {  	[sflag:s0] =	ssyncadd.remote.s32 $0x1  }
0xc5: {  	_ =	sfence.sel $0xFFFF  }
0xc6: {  	[dreg:$0x0] =	wrdreg $0xFFFFFFFF;
	(pc) =	sbr.abs _section_cstart, $3  }
0xc7: {  	[dreg:$0x1] =	wrdreg $0xFFFFFFFF  }
0xc8: {  	_ =	task.clear_ibuf [dreg:s7], $0x2FFFF;
	_ =	strace $0x9FFFFFFF  }
0xc9: {  	(tm) =	ssettm $0x7FFFFFFF  }
tec
execute0_lowered:
.L_overlay_start_1:
0x0: {  	(tag) =	ssettag $0x1  }
0x1: {  	s4 =	rddreg [dreg:$0x0]  }
0x2: {  	s1 =	srdreg.scid;
	s5 =	rddreg [dreg:$0x1]  }
0x3: {  	s0 =	stileid.u32;
	s2 =	rddreg [dreg:$0x2]  }
0x4: {  	s3 =	simm.s32 $0x0;
	s16 =	simm.s32 $0x5;
	s17 =	simm.s32 $0x1400  }
0x5: {  	s18 =	simm.s32 $0x40;
	s19 =	simm.s32 $0x2800;
	s20 =	simm.s32 $0x4800  }
0x6: {  	s21 =	simm.s32 $0x6800;
	s22 =	simm.s32 $0x8800;
	s23 =	simm.s32 $0x1  }
0x7: {  	s24 =	simm.s32 $0x80;
	s28 =	simm.s32 $0x4;
	s29 =	simm.s32 $0x0  }
0x8: {  	s6 =	sand.u32 $0x1, s1;
	s25 =	sshll.u32 s0, $0x1;
	s8 =	smul.u32 $0x4F000, s0  }
0x9: {  	[smem:$0x7FF] =	sst s3;
	s10 =	sadd.s32 $0x19000, s4;
	s11 =	smul.u32 $0x2780, s0  }
0xa: {  	s14 =	sadd.s32 $0x128400, s2;
	s31 =	smul.u32 $0x13C00, s0;
	p0 =	seq.s32 s0, $0xF  }
0xb: {  	s7 =	sor.u32 s6, s25;
	s26 =	ssub.s32 $0x2, s6;
	s13 =	smul.u32 $0x138800, s6  }
0xc: {  	_ =	strace $0x80000047;
	s7 =	smul.u32 $0x2800, s7;
	s30 =	sshrl.u32 s26, $0x1  }
0xd: {  	s25 =	simm.s32 $0x2;
	s8 =	sshrl.u32 s8, $0x2;
	s12 =	ssub.s32 s26, s30  }
0xe: {  	s15 =	sadd.s32 s8, s2;
	s26 =	simm.s32 $0x3;
	s7 =	sshrl.u32 s7, $0x3  }
0xf: {  	s12 =	smax.u32 s12, $0x1;
	s15 =	sshrl.u32 @!p0 s15, $0x3;
	s9 =	sadd.s32 s7, s4  }
0x10: {  	s4 =	sadd.s32 s5, s11;
	s5 =	sadd.s32 $0x25080, s5;
	s11 =	sadd.s32 s31, s13  }
0x11: {  	s13 =	sshrl.u32 s13, $0x3;
	s6 =	sadd.s32 $0x5000, s9;
	s11 =	sshrl.u32 s11, $0x3  }
0x12: {  	s7 =	sadd.s32 $0xF000, s9;
	s13 =	sadd.s32 s10, s13;
	s10 =	sadd.s32 s10, s11  }
0x13: {  	s11 =	sadd.s32 $0x25080, s13;
	s13 =	sshrl.u32 @p0 s14, $0x3;
	s14 =	sshll.u32 @!p0 s0, $0x6  }
0x14: {  	s8 =	sadd.s32 $0x5280, s9;
	s9 =	sadd.s32 $0xF280, s9;
	s14 =	sor.u32 @!p0 $0x1C05, s14  }
.LBB2_1:
0x15: {  	s30 =	simm.s32 @p0 $0x1FC5  }
0x16: {  	[spmem:s13], [sflag:s30] =	dma.local @p0 [hbm:s5], $0x2080  }
0x17: {  	s30 =	simm.s32 @p0 $0x5  }
0x18: {  	_ =	swait.ge @p0 [sflag:s30], $0x2080  }
0x19: {  	[sflag:s30] =	ssyncset.done @p0 $0x0  }
0x1a: {  	[sflag:s30] =	ssyncadd.s32 @p0 $0xFFFFDF80;
	s30 =	simm.s32 @!p0 $0x5  }
0x1b: {  	[spmem:s15], [sflag:s14] =	dma.local @!p0 [hbm:s4], $0x2780  }
0x1c: {  	_ =	swait.ge @!p0 [sflag:s30], $0x2780  }
0x1d: {  	[sflag:s30] =	ssyncset.done @!p0 $0x0  }
0x1e: {  	[sflag:s30] =	ssyncadd.s32 @!p0 $0xFFFFD880  }
0x1f: {  	[bflag:$0x0] =	sbarrier.arrive $0xFFFF  }
0x20: {  	[tilespmem:s3], [sflag:$0x5] =	stream.linear.gather [hbm4b:s6+s3], $0x1400, $0x38;
	[tilespmem:$0x1E0C0] =	vst v63  }
0x21: {  	_ =	swait.ge [sflag:s16], $0x1400  }
0x22: {  	[sflag:s16] =	ssyncset.done $0x0  }
0x23: {  	[sflag:s16] =	ssyncadd.s32 $0xFFFFEC00  }
0x24: {  	[tilespmem:s17], [sflag:$0x5] =	stream.linear.gather [hbm4b:s7+s3], $0x1400, $0x38;
	[tilespmem:$0x1E0C0] =	vst v63  }
0x25: {  	_ =	swait.ge [sflag:s16], $0x1400  }
0x26: {  	[sflag:s16] =	ssyncset.done $0x0  }
0x27: {  	s30 =	simm.s32 $0x0;
	[sflag:s16] =	ssyncadd.s32 $0xFFFFEC00  }
0x28: {  	[tilespmem:s19], [sflag:$0x1] =	stream.indirect.gather [spmem:s2], $0x80, s30, s18, $0xb8;
	[tilespmem:$0x1E0C0] =	vst v63  }
0x29: {  	s30 =	simm.s32 $0x40  }
0x2a: {  	[tilespmem:s20], [sflag:$0x1] =	stream.indirect.gather [spmem:s2], $0x80, s30, s18, $0xb8;
	[tilespmem:$0x1E0C0] =	vst v63  }
0x2b: {  	s30 =	simm.s32 $0x80  }
0x2c: {  	[tilespmem:s21], [sflag:$0x2] =	stream.indirect.gather [spmem:s2], $0x80, s30, s18, $0xb8;
	[tilespmem:$0x1E0C0] =	vst v63  }
0x2d: {  	s30 =	simm.s32 $0xC0  }
0x2e: {  	[tilespmem:s22], [sflag:$0x2] =	stream.indirect.gather [spmem:s2], $0x80, s30, s18, $0xb8;
	[tilespmem:$0x1E0C0] =	vst v63  }
0x2f: {  	_ =	swait.ge [sflag:s23], $0x2000  }
0x30: {  	[sflag:s23] =	ssyncset.done $0x0  }
0x31: {  	[sflag:s23] =	ssyncadd.s32 $0xFFFFE000  }
0x32: {  	_ =	swait.ge [sflag:s23], $0x2000  }
0x33: {  	[sflag:s23] =	ssyncset.done $0x0  }
0x34: {  	s30 =	simm.s32 $0x1400;
	[sflag:s23] =	ssyncadd.s32 $0xFFFFE000  }
0x35: {  	[spmem:s2] =	stream.indirect.scatter.add.f32 [tilespmem:s19], [sflag:$0x3], $0x80, s30, s24, $0xb8;
	[tilespmem:$0x1E0C0] =	vst v63  }
0x36: {  	_ =	swait.ge [sflag:s25], $0x2000  }
0x37: {  	[sflag:s25] =	ssyncset.done $0x0  }
0x38: {  	[sflag:s25] =	ssyncadd.s32 $0xFFFFE000  }
0x39: {  	_ =	swait.ge [sflag:s25], $0x2000  }
0x3a: {  	[sflag:s25] =	ssyncset.done $0x0  }
0x3b: {  	s30 =	simm.s32 $0x1480;
	[sflag:s25] =	ssyncadd.s32 $0xFFFFE000  }
0x3c: {  	[spmem:s2] =	stream.indirect.scatter.add.f32 [tilespmem:s21], [sflag:$0x4], $0x80, s30, s24, $0xb8;
	[tilespmem:$0x1E0C0] =	vst v63  }
0x3d: {  	_ =	swait.ge [sflag:s26], $0x4000  }
0x3e: {  	[sflag:s26] =	ssyncset.done $0x0  }
0x3f: {  	[sflag:s26] =	ssyncadd.s32 $0xFFFFC000  }
0x40: {  	_ =	swait.ge [sflag:s28], $0x4000  }
0x41: {  	s31 =	simm.s32 $0x800;
	s30 =	simm.s32 $0x400;
	[sflag:s28] =	ssyncset.done $0x0  }
.LBB2_2:
0x42: {  	s1 =	sshra.s32 s30, $0x2  }
0x43: {  	[sflag:s28] =	ssyncadd.s32 $0xFFFFC000;
	s30 =	smov.u32 s31;
	s0 =	sadd.s32 $0x400, s31  }
0x44: {  	[tilespmem:s19], [sflag:$0x1] =	stream.indirect.gather [spmem:s2], $0x80, s1, s18, $0xb8;
	[tilespmem:$0x1E0C0] =	vst v63  }
0x45: {  	p1 =	sne.s32 s31, $0x4C00;
	s31 =	sadd.s32 $0x40, s1  }
0x46: {  	[tilespmem:s20], [sflag:$0x1] =	stream.indirect.gather [spmem:s2], $0x80, s31, s18, $0xb8;
	[tilespmem:$0x1E0C0] =	vst v63  }
0x47: {  	s31 =	sadd.s32 $0x80, s1  }
0x48: {  	[tilespmem:s21], [sflag:$0x2] =	stream.indirect.gather [spmem:s2], $0x80, s31, s18, $0xb8;
	[tilespmem:$0x1E0C0] =	vst v63  }
0x49: {  	s31 =	sadd.s32 $0xC0, s1  }
0x4a: {  	[tilespmem:s22], [sflag:$0x2] =	stream.indirect.gather [spmem:s2], $0x80, s31, s18, $0xb8;
	[tilespmem:$0x1E0C0] =	vst v63  }
0x4b: {  	_ =	swait.ge [sflag:s23], $0x2000  }
0x4c: {  	[sflag:s23] =	ssyncset.done $0x0  }
0x4d: {  	[sflag:s23] =	ssyncadd.s32 $0xFFFFE000  }
0x4e: {  	_ =	swait.ge [sflag:s23], $0x2000  }
0x4f: {  	[sflag:s23] =	ssyncset.done $0x0  }
0x50: {  	s31 =	sadd.s32 $0x1400, s1;
	[sflag:s23] =	ssyncadd.s32 $0xFFFFE000  }
0x51: {  	[spmem:s2] =	stream.indirect.scatter.add.f32 [tilespmem:s19], [sflag:$0x3], $0x80, s31, s24, $0xb8;
	[tilespmem:$0x1E0C0] =	vst v63  }
0x52: {  	_ =	swait.ge [sflag:s25], $0x2000  }
0x53: {  	[sflag:s25] =	ssyncset.done $0x0  }
0x54: {  	[sflag:s25] =	ssyncadd.s32 $0xFFFFE000  }
0x55: {  	_ =	swait.ge [sflag:s25], $0x2000  }
0x56: {  	[sflag:s25] =	ssyncset.done $0x0  }
0x57: {  	s1 =	sadd.s32 $0x1480, s1;
	[sflag:s25] =	ssyncadd.s32 $0xFFFFE000  }
0x58: {  	[spmem:s2] =	stream.indirect.scatter.add.f32 [tilespmem:s21], [sflag:$0x4], $0x80, s1, s24, $0xb8;
	[tilespmem:$0x1E0C0] =	vst v63  }
.Ltmp0:
0x59: {  	_ =	swait.ge [sflag:s26], $0x4000;
	(pc) =	sbr.rel @p1 .LBB2_2-.Ltmp0, $4  }
0x5a: {  	[sflag:s26] =	ssyncset.done $0x0  }
0x5b: {  	[sflag:s26] =	ssyncadd.s32 $0xFFFFC000  }
0x5c: {  	_ =	swait.ge [sflag:s28], $0x4000  }
0x5d: {  	s31 =	smov.u32 s0;
	[sflag:s28] =	ssyncset.done $0x0  }
0x5e: {  	s0 =	sshra.s32 s30, $0x2;
	[sflag:s28] =	ssyncadd.s32 $0xFFFFC000  }
0x5f: {  	[tilespmem:s19], [sflag:$0x1] =	stream.indirect.gather [spmem:s2], $0x80, s0, s18, $0xb8;
	[tilespmem:$0x1E0C0] =	vst v63  }
0x60: {  	s1 =	sadd.s32 $0x40, s0  }
0x61: {  	[tilespmem:s20], [sflag:$0x1] =	stream.indirect.gather [spmem:s2], $0x80, s1, s18, $0xb8;
	[tilespmem:$0x1E0C0] =	vst v63  }
0x62: {  	s1 =	sadd.s32 $0x80, s0  }
0x63: {  	[tilespmem:s21], [sflag:$0x2] =	stream.indirect.gather [spmem:s2], $0x80, s1, s18, $0xb8;
	[tilespmem:$0x1E0C0] =	vst v63  }
0x64: {  	s1 =	sadd.s32 $0xC0, s0  }
0x65: {  	[tilespmem:s22], [sflag:$0x2] =	stream.indirect.gather [spmem:s2], $0x80, s1, s18, $0xb8;
	[tilespmem:$0x1E0C0] =	vst v63  }
0x66: {  	_ =	swait.ge [sflag:s23], $0x2000  }
0x67: {  	[sflag:s23] =	ssyncset.done $0x0  }
0x68: {  	[sflag:s23] =	ssyncadd.s32 $0xFFFFE000  }
0x69: {  	_ =	swait.ge [sflag:s23], $0x2000  }
0x6a: {  	[sflag:s23] =	ssyncset.done $0x0  }
0x6b: {  	s1 =	sadd.s32 $0x1400, s0;
	[sflag:s23] =	ssyncadd.s32 $0xFFFFE000  }
0x6c: {  	[spmem:s2] =	stream.indirect.scatter.add.f32 [tilespmem:s19], [sflag:$0x3], $0x80, s1, s24, $0xb8;
	[tilespmem:$0x1E0C0] =	vst v63  }
0x6d: {  	_ =	swait.ge [sflag:s25], $0x2000  }
0x6e: {  	[sflag:s25] =	ssyncset.done $0x0  }
0x6f: {  	[sflag:s25] =	ssyncadd.s32 $0xFFFFE000  }
0x70: {  	_ =	swait.ge [sflag:s25], $0x2000  }
0x71: {  	[sflag:s25] =	ssyncset.done $0x0  }
0x72: {  	s0 =	sadd.s32 $0x1480, s0;
	[sflag:s25] =	ssyncadd.s32 $0xFFFFE000  }
0x73: {  	[spmem:s2] =	stream.indirect.scatter.add.f32 [tilespmem:s21], [sflag:$0x4], $0x80, s0, s24, $0xb8;
	[tilespmem:$0x1E0C0] =	vst v63  }
0x74: {  	_ =	swait.ge [sflag:s26], $0x4000  }
0x75: {  	[sflag:s26] =	ssyncset.done $0x0  }
0x76: {  	[sflag:s26] =	ssyncadd.s32 $0xFFFFC000  }
0x77: {  	_ =	swait.ge [sflag:s28], $0x4000  }
0x78: {  	[sflag:s28] =	ssyncset.done $0x0  }
0x79: {  	s1 =	simm.s32 $0x0;
	[sflag:s28] =	ssyncadd.s32 $0xFFFFC000  }
0x7a: {  	[tilespmem:s1], [sflag:$0x5] =	stream.linear.gather [hbm4b:s8+s1], $0x1400, $0x38;
	[tilespmem:$0x1E0C0] =	vst v63  }
0x7b: {  	_ =	swait.ge [sflag:s16], $0x1400  }
0x7c: {  	[sflag:s16] =	ssyncset.done $0x0  }
0x7d: {  	[sflag:s16] =	ssyncadd.s32 $0xFFFFEC00  }
0x7e: {  	[tilespmem:s17], [sflag:$0x5] =	stream.linear.gather [hbm4b:s9+s1], $0x1400, $0x38;
	[tilespmem:$0x1E0C0] =	vst v63  }
0x7f: {  	_ =	swait.ge [sflag:s16], $0x1400  }
0x80: {  	[sflag:s16] =	ssyncset.done $0x0  }
0x81: {  	s1 =	simm.s32 $0x0;
	[sflag:s16] =	ssyncadd.s32 $0xFFFFEC00  }
0x82: {  	[tilespmem:s19], [sflag:$0x1] =	stream.indirect.gather [spmem:s2], $0x80, s1, s18, $0xb8;
	[tilespmem:$0x1E0C0] =	vst v63  }
0x83: {  	s1 =	simm.s32 $0x40  }
0x84: {  	[tilespmem:s20], [sflag:$0x1] =	stream.indirect.gather [spmem:s2], $0x80, s1, s18, $0xb8;
	[tilespmem:$0x1E0C0] =	vst v63  }
0x85: {  	s1 =	simm.s32 $0x80  }
0x86: {  	[tilespmem:s21], [sflag:$0x2] =	stream.indirect.gather [spmem:s2], $0x80, s1, s18, $0xb8;
	[tilespmem:$0x1E0C0] =	vst v63  }
0x87: {  	s1 =	simm.s32 $0xC0  }
0x88: {  	[tilespmem:s22], [sflag:$0x2] =	stream.indirect.gather [spmem:s2], $0x80, s1, s18, $0xb8;
	[tilespmem:$0x1E0C0] =	vst v63  }
0x89: {  	_ =	swait.ge [sflag:s23], $0x2000  }
0x8a: {  	[sflag:s23] =	ssyncset.done $0x0  }
0x8b: {  	[sflag:s23] =	ssyncadd.s32 $0xFFFFE000  }
0x8c: {  	_ =	swait.ge [sflag:s23], $0x2000  }
0x8d: {  	[sflag:s23] =	ssyncset.done $0x0  }
0x8e: {  	s1 =	simm.s32 $0x1400;
	[sflag:s23] =	ssyncadd.s32 $0xFFFFE000  }
0x8f: {  	[spmem:s2] =	stream.indirect.scatter.add.f32 [tilespmem:s19], [sflag:$0x3], $0x80, s1, s24, $0xb8;
	[tilespmem:$0x1E0C0] =	vst v63  }
0x90: {  	_ =	swait.ge [sflag:s25], $0x2000  }
0x91: {  	[sflag:s25] =	ssyncset.done $0x0  }
0x92: {  	[sflag:s25] =	ssyncadd.s32 $0xFFFFE000  }
0x93: {  	_ =	swait.ge [sflag:s25], $0x2000  }
0x94: {  	[sflag:s25] =	ssyncset.done $0x0  }
0x95: {  	s1 =	simm.s32 $0x1480;
	[sflag:s25] =	ssyncadd.s32 $0xFFFFE000  }
0x96: {  	[spmem:s2] =	stream.indirect.scatter.add.f32 [tilespmem:s21], [sflag:$0x4], $0x80, s1, s24, $0xb8;
	[tilespmem:$0x1E0C0] =	vst v63  }
0x97: {  	_ =	swait.ge [sflag:s26], $0x4000  }
0x98: {  	[sflag:s26] =	ssyncset.done $0x0  }
0x99: {  	[sflag:s26] =	ssyncadd.s32 $0xFFFFC000  }
0x9a: {  	_ =	swait.ge [sflag:s28], $0x4000  }
0x9b: {  	s30 =	simm.s32 $0x400;
	s31 =	simm.s32 $0x800;
	[sflag:s28] =	ssyncset.done $0x0  }
.LBB2_4:
0x9c: {  	s0 =	sshra.s32 s30, $0x2  }
0x9d: {  	[sflag:s28] =	ssyncadd.s32 $0xFFFFC000;
	s30 =	smov.u32 s31;
	s1 =	sadd.s32 $0x400, s31  }
0x9e: {  	[tilespmem:s19], [sflag:$0x1] =	stream.indirect.gather [spmem:s2], $0x80, s0, s18, $0xb8;
	[tilespmem:$0x1E0C0] =	vst v63  }
0x9f: {  	p1 =	sne.s32 s31, $0x4C00;
	s31 =	sadd.s32 $0x40, s0  }
0xa0: {  	[tilespmem:s20], [sflag:$0x1] =	stream.indirect.gather [spmem:s2], $0x80, s31, s18, $0xb8;
	[tilespmem:$0x1E0C0] =	vst v63  }
0xa1: {  	s31 =	sadd.s32 $0x80, s0  }
0xa2: {  	[tilespmem:s21], [sflag:$0x2] =	stream.indirect.gather [spmem:s2], $0x80, s31, s18, $0xb8;
	[tilespmem:$0x1E0C0] =	vst v63  }
0xa3: {  	s31 =	sadd.s32 $0xC0, s0  }
0xa4: {  	[tilespmem:s22], [sflag:$0x2] =	stream.indirect.gather [spmem:s2], $0x80, s31, s18, $0xb8;
	[tilespmem:$0x1E0C0] =	vst v63  }
0xa5: {  	_ =	swait.ge [sflag:s23], $0x2000  }
0xa6: {  	[sflag:s23] =	ssyncset.done $0x0  }
0xa7: {  	[sflag:s23] =	ssyncadd.s32 $0xFFFFE000  }
0xa8: {  	_ =	swait.ge [sflag:s23], $0x2000  }
0xa9: {  	[sflag:s23] =	ssyncset.done $0x0  }
0xaa: {  	s31 =	sadd.s32 $0x1400, s0;
	[sflag:s23] =	ssyncadd.s32 $0xFFFFE000  }
0xab: {  	[spmem:s2] =	stream.indirect.scatter.add.f32 [tilespmem:s19], [sflag:$0x3], $0x80, s31, s24, $0xb8;
	[tilespmem:$0x1E0C0] =	vst v63  }
0xac: {  	_ =	swait.ge [sflag:s25], $0x2000  }
0xad: {  	[sflag:s25] =	ssyncset.done $0x0  }
0xae: {  	[sflag:s25] =	ssyncadd.s32 $0xFFFFE000  }
0xaf: {  	_ =	swait.ge [sflag:s25], $0x2000  }
0xb0: {  	[sflag:s25] =	ssyncset.done $0x0  }
0xb1: {  	s0 =	sadd.s32 $0x1480, s0;
	[sflag:s25] =	ssyncadd.s32 $0xFFFFE000  }
0xb2: {  	[spmem:s2] =	stream.indirect.scatter.add.f32 [tilespmem:s21], [sflag:$0x4], $0x80, s0, s24, $0xb8;
	[tilespmem:$0x1E0C0] =	vst v63  }
.Ltmp1:
0xb3: {  	_ =	swait.ge [sflag:s26], $0x4000;
	(pc) =	sbr.rel @p1 .LBB2_4-.Ltmp1, $4  }
0xb4: {  	[sflag:s26] =	ssyncset.done $0x0  }
0xb5: {  	[sflag:s26] =	ssyncadd.s32 $0xFFFFC000  }
0xb6: {  	_ =	swait.ge [sflag:s28], $0x4000  }
0xb7: {  	s31 =	smov.u32 s1;
	[sflag:s28] =	ssyncset.done $0x0  }
0xb8: {  	s0 =	sshra.s32 s30, $0x2;
	[sflag:s28] =	ssyncadd.s32 $0xFFFFC000  }
0xb9: {  	[tilespmem:s19], [sflag:$0x1] =	stream.indirect.gather [spmem:s2], $0x80, s0, s18, $0xb8;
	[tilespmem:$0x1E0C0] =	vst v63  }
0xba: {  	s1 =	sadd.s32 $0x40, s0  }
0xbb: {  	[tilespmem:s20], [sflag:$0x1] =	stream.indirect.gather [spmem:s2], $0x80, s1, s18, $0xb8;
	[tilespmem:$0x1E0C0] =	vst v63  }
0xbc: {  	s31 =	sadd.s32 $0x80, s0  }
0xbd: {  	[tilespmem:s21], [sflag:$0x2] =	stream.indirect.gather [spmem:s2], $0x80, s31, s18, $0xb8;
	[tilespmem:$0x1E0C0] =	vst v63  }
0xbe: {  	s30 =	sadd.s32 $0xC0, s0  }
0xbf: {  	[tilespmem:s22], [sflag:$0x2] =	stream.indirect.gather [spmem:s2], $0x80, s30, s18, $0xb8;
	[tilespmem:$0x1E0C0] =	vst v63  }
0xc0: {  	_ =	swait.ge [sflag:s23], $0x2000  }
0xc1: {  	[sflag:s23] =	ssyncset.done $0x0  }
0xc2: {  	[sflag:s23] =	ssyncadd.s32 $0xFFFFE000  }
0xc3: {  	_ =	swait.ge [sflag:s23], $0x2000  }
0xc4: {  	[sflag:s23] =	ssyncset.done $0x0  }
0xc5: {  	s31 =	sadd.s32 $0x1400, s0;
	[sflag:s23] =	ssyncadd.s32 $0xFFFFE000  }
0xc6: {  	[spmem:s2] =	stream.indirect.scatter.add.f32 [tilespmem:s19], [sflag:$0x3], $0x80, s31, s24, $0xb8;
	[tilespmem:$0x1E0C0] =	vst v63  }
0xc7: {  	_ =	swait.ge [sflag:s25], $0x2000  }
0xc8: {  	[sflag:s25] =	ssyncset.done $0x0  }
0xc9: {  	[sflag:s25] =	ssyncadd.s32 $0xFFFFE000  }
0xca: {  	_ =	swait.ge [sflag:s25], $0x2000  }
0xcb: {  	[sflag:s25] =	ssyncset.done $0x0  }
0xcc: {  	s0 =	sadd.s32 $0x1480, s0;
	[sflag:s25] =	ssyncadd.s32 $0xFFFFE000  }
0xcd: {  	[spmem:s2] =	stream.indirect.scatter.add.f32 [tilespmem:s21], [sflag:$0x4], $0x80, s0, s24, $0xb8;
	[tilespmem:$0x1E0C0] =	vst v63  }
0xce: {  	_ =	swait.ge [sflag:s26], $0x4000  }
0xcf: {  	[sflag:s26] =	ssyncset.done $0x0  }
0xd0: {  	[sflag:s26] =	ssyncadd.s32 $0xFFFFC000  }
0xd1: {  	_ =	swait.ge [sflag:s28], $0x4000  }
0xd2: {  	[sflag:s28] =	ssyncset.done $0x0  }
0xd3: {  	[sflag:s28] =	ssyncadd.s32 $0xFFFFC000  }
0xd4: {  	s0 =	simm.s32 @p0 $0x1FC5;
	[bflag:$0x0] =	sbarrier.arrive $0xFFFF  }
0xd5: {  	[hbm:s11], [sflag:s0] =	dma.local @p0 [spmem:s13], $0x2080  }
0xd6: {  	s0 =	simm.s32 @p0 $0x5  }
0xd7: {  	s29 =	sadd.s32 $0x1, s29;
	_ =	swait.ge @p0 [sflag:s0], $0x2080  }
0xd8: {  	p1 =	sne.s32 s29, s12;
	[sflag:s0] =	ssyncset.done @p0 $0x0  }
.Ltmp2:
0xd9: {  	[sflag:s0] =	ssyncadd.s32 @p0 $0xFFFFDF80;
	s0 =	simm.s32 @!p0 $0x5;
	(pc) =	sbr.rel @p1 .LBB2_1-.Ltmp2, $4  }
0xda: {  	[hbm:s10], [sflag:s14] =	dma.local @!p0 [spmem:s15], $0x2780  }
0xdb: {  	_ =	swait.ge @!p0 [sflag:s0], $0x2780  }
0xdc: {  	[sflag:s0] =	ssyncset.done @!p0 $0x0  }
0xdd: {  	[sflag:s0] =	ssyncadd.s32 @!p0 $0xFFFFD880  }
0xde: {  	_ =	sfence.sel $0x180000  }
0xdf: {  	[bflag:$0x0] =	sbarrier.arrive $0xFFFF  }
0xe0: {  	_ =	strace $0x90000047  }
0xe1: {  	s0 =	stileid.u32;
	[bflag:$0x2] =	sbarrier.arrive $0xFFFF  }
0xe2: {  	p0 =	sne.s32 s0, $0x0;
	s0 =	rddreg [dreg:$0x3]  }
0xe3: {  	s0 =	sadd.s32 @!p0 $0x100000, s0  }
0xe4: {  	[sflag:s0] =	ssyncadd.tile.s32 @!p0 $0x1;
	_ =	shalt  }
.Lfunc_end2:
_tile_overlayer_lowered:
.L_overlay_start_2:
0xe5: {  	(tag) =	ssettag $0x2  }
0xe6: {  	s0 =	rddreg [dreg:$0x0];
	s2 =	stileid.u32  }
0xe7: {  	s1 =	rddreg [dreg:$0x1];
	p0 =	sne.s32 s2, $0x0  }
0xe8: {  	s3 =	rddreg [dreg:$0x2];
	[bflag:$0x3] =	sbarrier.arrive $0xFFFF;
	s2 =	simm.s32 @!p0 $0x1C05  }
0xe9: {  	[timem:s3], [sflag:s2] =	dma.local @!p0 [hbm:s0], s1  }
0xea: {  	s0 =	simm.s32 @!p0 $0x5  }
0xeb: {  	_ =	swait.ge @!p0 [sflag:s0], s1  }
0xec: {  	s1 =	ssub.s32 @!p0 $0x0, s1;
	[sflag:s0] =	ssyncset.done @!p0 $0x0  }
0xed: {  	[sflag:s0] =	ssyncadd.s32 @!p0 s1  }
0xee: {  	[bflag:$0x3] =	sbarrier.arrive $0xFFFF  }
0xef: {  	_ =	shalt  }

</sc_bundles>
